<compile_context>
chip_gen: v7x
topology: tpu7x:2x2x1
jax: 0.10.2.dev20260603
libtpu: 0.0.44.dev20260713+nightly
codegen_flags: <defaults>
</compile_context>

<pallas_src>
import functools

import jax
import jax.numpy as jnp
from jax import lax
from jax.experimental import pallas as pl
from jax.experimental.pallas import tpu as pltpu
from jax.experimental.pallas import tpu_sc as plsc

LOG_ZERO = -10000000.0
ROWS = 64
COLS = 100000
K = 16
ROW_BLK = 8
COL_BLK = 12500

NC, NS, L = 2, 16, 16
NW = NC * NS
ROWS_PER_W = ROWS // NW
NCHUNK = COLS // L
NEG = -3.4e38


GRP = 10
NGRP = NCHUNK // GRP
U2 = 5
CAP = 1024


def _sc_topk_body(scores_hbm, topv_hbm, topi_hbm,
                  row_v, gmax_v, co_v, ci_v, cw_v, tv_v, ti_v):
    wid = lax.axis_index("s") * NC + lax.axis_index("c")
    iota = lax.iota(jnp.int32, L)
    zeros = jnp.zeros((L,), jnp.int32)
    fifteen = jnp.full((L,), L - 1, jnp.int32)

    for rr in range(ROWS_PER_W):
        r = wid * ROWS_PER_W + rr
        pltpu.sync_copy(scores_hbm.at[r], row_v)

        def pa(g, acc):
            base = g * (GRP * L)
            gm = row_v[pl.ds(base, L)]
            for u in range(1, GRP):
                gm = jnp.maximum(gm, row_v[pl.ds(base + u * L, L)])
            gmax_v[pl.ds(g * L, L)] = gm
            return jnp.maximum(acc, gm)

        acc = lax.fori_loop(0, NGRP, pa, jnp.full((L,), NEG, jnp.float32))
        tlb = jnp.full((L,), jnp.min(acc), jnp.float32)

        def pb1(g, ov):
            base = g * (U2 * L)
            for u in range(U2):
                cbase = base + u * L
                x = gmax_v[pl.ds(cbase, L)]
                m = x >= tlb
                pc = plsc.cumsum(jnp.where(m, 1, 0))
                pos = ov + pc - 1
                msk = m & (pos < CAP)
                plsc.store_scatter(co_v, [pos], iota + cbase, mask=msk)
                ov = ov + pc[fifteen]
            return ov

        hv = lax.fori_loop(0, NGRP // U2, pb1, zeros)
        hcnt = jnp.minimum(hv[0], CAP)
        nhch = (hcnt + L - 1) // L

        def pb2(h, ov):
            valid = (h * L + iota) < hcnt
            co = jnp.where(valid, co_v[pl.ds(h * L, L)], 0)
            cg = co >> 4
            cl = co & (L - 1)
            base = cg * (GRP * L) + cl
            for u in range(GRP):
                gi = base + u * L
                vals = plsc.load_gather(row_v, [gi])
                m = (vals >= tlb) & valid
                pc = plsc.cumsum(jnp.where(m, 1, 0))
                pos = ov + pc - 1
                msk = m & (pos < CAP)
                plsc.store_scatter(ci_v, [pos], gi, mask=msk)
                ov = ov + pc[fifteen]
            return ov

        ov = lax.fori_loop(0, nhch, pb2, zeros)
        cnt = jnp.minimum(ov[0], CAP)
        nch = (cnt + L - 1) // L

        def pg(w, _):
            valid = (w * L + iota) < cnt
            ci = jnp.where(valid, ci_v[pl.ds(w * L, L)], 0)
            ci_v[pl.ds(w * L, L)] = ci
            cv = plsc.load_gather(row_v, [ci])
            cw_v[pl.ds(w * L, L)] = jnp.where(valid, cv, NEG)
            return 0

        lax.fori_loop(0, nch, pg, 0)

        negs = jnp.full((L,), NEG, jnp.float32)

        def sel(j, carry):
            tva, tia = carry

            def scan(w, c2):
                bv, bi = c2
                cv = cw_v[pl.ds(w * L, L)]
                ci = ci_v[pl.ds(w * L, L)]
                better = (cv > bv) | ((cv == bv) & (ci < bi))
                return (jnp.where(better, cv, bv),
                        jnp.where(better, ci, bi))

            bv, bi = lax.fori_loop(0, nch, scan, (negs, zeros))
            for s in (8, 4, 2, 1):
                perm = jnp.bitwise_xor(iota, s)
                ov2, oi2 = bv[perm], bi[perm]
                better = (ov2 > bv) | ((ov2 == bv) & (oi2 < bi))
                bv = jnp.where(better, ov2, bv)
                bi = jnp.where(better, oi2, bi)
            tva = jnp.where(iota == j, bv, tva)
            tia = jnp.where(iota == j, bi, tia)

            def evict(w, _):
                cv = cw_v[pl.ds(w * L, L)]
                ci = ci_v[pl.ds(w * L, L)]
                cw_v[pl.ds(w * L, L)] = jnp.where(ci == bi, NEG, cv)
                return 0

            lax.fori_loop(0, nch, evict, 0)
            return tva, tia

        tva, tia = lax.fori_loop(0, K, sel, (negs, zeros))

        tv_v[...] = tva
        ti_v[...] = tia
        pltpu.sync_copy(tv_v, topv_hbm.at[r])
        pltpu.sync_copy(ti_v, topi_hbm.at[r])


def _sc_topk(scores):
    return pl.kernel(
        _sc_topk_body,
        out_type=[
            jax.ShapeDtypeStruct((ROWS, K), jnp.float32),
            jax.ShapeDtypeStruct((ROWS, K), jnp.int32),
        ],
        mesh=plsc.VectorSubcoreMesh(core_axis_name="c", subcore_axis_name="s"),
        scratch_types=[
            pltpu.VMEM((COLS,), jnp.float32),
            pltpu.VMEM((NGRP * L,), jnp.float32),
            pltpu.VMEM((CAP,), jnp.int32),
            pltpu.VMEM((CAP,), jnp.int32),
            pltpu.VMEM((CAP,), jnp.float32),
            pltpu.VMEM((K,), jnp.float32),
            pltpu.VMEM((K,), jnp.int32),
        ],
        compiler_params=pltpu.CompilerParams(needs_layout_passes=False),
    )(scores)


def _tc_body(x_ref, topv_raw_ref, masked_ref, topv_ref, lse_s):
    phase = pl.program_id(1)

    @pl.when(phase == 0)
    def _():
        x = x_ref[...]
        m = jnp.max(x, axis=-1, keepdims=True)
        s = jnp.sum(jnp.exp(x - m), axis=-1, keepdims=True)
        lse_s[...] = m + jnp.log(s)

    @pl.when(phase == 1)
    def _():
        lse = lse_s[...]
        topv_raw = topv_raw_ref[...]
        topv_ref[...] = topv_raw - lse
        thresh = topv_raw[:, K - 1:K] - lse
        logp = x_ref[...] - lse
        masked_ref[...] = jnp.where(logp >= thresh, logp, LOG_ZERO)


def _tc_mask(scores, topv_raw):
    return pl.pallas_call(
        _tc_body,
        grid=(ROWS // ROW_BLK, 2),
        in_specs=[
            pl.BlockSpec((ROW_BLK, COLS), lambda i, p: (i, 0)),
            pl.BlockSpec((ROW_BLK, K), lambda i, p: (i, 0)),
        ],
        out_specs=[
            pl.BlockSpec((ROW_BLK, COLS), lambda i, p: (i, 0)),
            pl.BlockSpec((ROW_BLK, K), lambda i, p: (i, 0)),
        ],
        out_shape=[
            jax.ShapeDtypeStruct((ROWS, COLS), jnp.float32),
            jax.ShapeDtypeStruct((ROWS, K), jnp.float32),
        ],
        scratch_shapes=[pltpu.VMEM((ROW_BLK, 1), jnp.float32)],
    )(scores, topv_raw)


def kernel(scores, k):
    topv_raw, topi_raw = _sc_topk(scores)
    topi = topi_raw + jnp.asarray(k - K, dtype=jnp.int32)
    return scores, topv_raw, topi

# --- scband reference (transcript-rebuilt; emitter-appended) ---
"""Pipeline reference for scband-beam-decoder-9809705304777 (READ-ONLY COPY).

The authoritative reference and input builder live on the scoring server;
editing this copy changes nothing except your own understanding.
"""

import jax, jax.numpy as jnp
import numpy as np

LOG_ZERO = -10000000.0

def setup_inputs(seed: int = 0) -> dict:
    key = jax.random.key(seed)
    k1, _ = jax.random.split(key)
    scores = jax.random.normal(k1, (64, 100000), dtype=jnp.float32)
    return {"scores": scores, "k": 16}

def reference(scores, k):
    # Beam-decoder step core: normalize logits to log-probs, keep only the
    # top-k (beam) candidates per hypothesis, mask the rest to LOG_ZERO.
    logp = jax.nn.log_softmax(scores, axis=-1)
    K_STATIC = 16
    topv, topi = jax.lax.top_k(logp, K_STATIC)
    topi = topi + jnp.asarray(k - K_STATIC, dtype=topi.dtype)
    thresh = topv[:, -1:]
    masked = jnp.where(logp >= thresh, logp, LOG_ZERO)
    return masked, topv, topi

if __name__ == "__main__":
    import jax
    _d = setup_inputs()
    print(jax.jit(kernel)(*tuple(_d.values())))

</pallas_src>

<mosaic_0001>
#map = affine_map<(d0, d1) -> (0, 0)>
module attributes {stable_mosaic.version = 14 : i64} {
  func.func @_sc_topk_body(%arg0: i32, %arg1: i32, %arg2: memref<64x100000xf32, #tpu.memory_space<hbm>>, %arg3: memref<64x16xf32, #tpu.memory_space<hbm>>, %arg4: memref<64x16xi32, #tpu.memory_space<hbm>>, %arg5: memref<100000xf32, #tpu.memory_space<vmem>>, %arg6: memref<10000xf32, #tpu.memory_space<vmem>>, %arg7: memref<1024xi32, #tpu.memory_space<vmem>>, %arg8: memref<1024xi32, #tpu.memory_space<vmem>>, %arg9: memref<1024xf32, #tpu.memory_space<vmem>>, %arg10: memref<16xf32, #tpu.memory_space<vmem>>, %arg11: memref<16xi32, #tpu.memory_space<vmem>>) attributes {dimension_semantics = [#tpu.dimension_semantics<core_parallel>, #tpu.dimension_semantics<subcore_parallel>], iteration_bounds = array<i64: 2, 16>, scalar_prefetch = 0 : i64, scratch_operands = 7 : i64, tpu.core_type = #tpu.core_type<sc_vector_subcore>, window_params = [{transform_indices = #map}, {transform_indices = #map}, {transform_indices = #map}]} {
    %mul3A = arith.constant 2 : i32
    %mul3A_0 = arith.muli %arg1, %mul3A : i32
    %add3A = arith.addi %mul3A_0, %arg0 : i32
    %iota3A = tpu.iota {dimensions = array<i32: 0>} : vector<16xi32>
    %broadcast_in_dim3A = arith.constant 0 : i32
    %broadcast_in_dim3A_1 = vector.broadcast %broadcast_in_dim3A : i32 to vector<16xi32>
    %broadcast_in_dim3A_2 = arith.constant 15 : i32
    %broadcast_in_dim3A_3 = vector.broadcast %broadcast_in_dim3A_2 : i32 to vector<16xi32>
    %mul3A_4 = arith.constant 2 : i32
    %mul3A_5 = arith.muli %add3A, %mul3A_4 : i32
    %add3A_6 = arith.constant 0 : i32
    %add3A_7 = arith.addi %mul3A_5, %add3A_6 : i32
    "tpu.region"() ({
      %run_scoped3A = tpu.sem_alloc : memref<!tpu.dma_semaphore, #tpu.memory_space<semaphore_mem>>
      %dma_start3A = arith.constant 0 : i32
      %dma_start3A_233 = tpu.memref_slice %arg2[%add3A_7, %dma_start3A] : memref<64x100000xf32, #tpu.memory_space<hbm>> -> memref<1x100000xf32, #tpu.memory_space<hbm>>
      %dma_start3A_234 = tpu.memref_squeeze %dma_start3A_233 : memref<1x100000xf32, #tpu.memory_space<hbm>> -> memref<100000xf32, #tpu.memory_space<hbm>>
      %dma_start3A_235 = arith.constant 0 : i32
      %dma_start3A_236 = tpu.memref_slice %arg2[%add3A_7, %dma_start3A_235] : memref<64x100000xf32, #tpu.memory_space<hbm>> -> memref<1x100000xf32, #tpu.memory_space<hbm>>
      %dma_start3A_237 = tpu.memref_squeeze %dma_start3A_236 : memref<1x100000xf32, #tpu.memory_space<hbm>> -> memref<100000xf32, #tpu.memory_space<hbm>>
      tpu.enqueue_dma source(%dma_start3A_237 : memref<100000xf32, #tpu.memory_space<hbm>>) target(%arg5 : memref<100000xf32, #tpu.memory_space<vmem>>) target_semaphore(%run_scoped3A : memref<!tpu.dma_semaphore, #tpu.memory_space<semaphore_mem>>)
      %dma_wait3A = arith.constant 0 : i32
      %dma_wait3A_238 = tpu.memref_slice %arg2[%add3A_7, %dma_wait3A] : memref<64x100000xf32, #tpu.memory_space<hbm>> -> memref<1x100000xf32, #tpu.memory_space<hbm>>
      %dma_wait3A_239 = tpu.memref_squeeze %dma_wait3A_238 : memref<1x100000xf32, #tpu.memory_space<hbm>> -> memref<100000xf32, #tpu.memory_space<hbm>>
      %dma_wait3A_240 = arith.constant 0 : i32
      %dma_wait3A_241 = tpu.memref_slice %arg2[%add3A_7, %dma_wait3A_240] : memref<64x100000xf32, #tpu.memory_space<hbm>> -> memref<1x100000xf32, #tpu.memory_space<hbm>>
      %dma_wait3A_242 = tpu.memref_squeeze %dma_wait3A_241 : memref<1x100000xf32, #tpu.memory_space<hbm>> -> memref<100000xf32, #tpu.memory_space<hbm>>
      tpu.wait_dma2 semaphore(%run_scoped3A : memref<!tpu.dma_semaphore, #tpu.memory_space<semaphore_mem>>) src(%dma_wait3A_242 : memref<100000xf32, #tpu.memory_space<hbm>>) dst(%arg5 : memref<100000xf32, #tpu.memory_space<vmem>>)
      tpu.yield
    }) : () -> ()
    %broadcast_in_dim3A_8 = arith.constant -3.400000e+38 : f32
    %broadcast_in_dim3A_9 = vector.broadcast %broadcast_in_dim3A_8 : f32 to vector<16xf32>
    %scan3A = arith.constant 0 : i32
    %scan3A_10 = arith.constant 625 : i32
    %scan3A_11 = arith.addi %scan3A, %scan3A_10 : i32
    %scan3A_12 = arith.constant 1 : i32
    %scan3A_13 = scf.for %scan3A_233 = %scan3A to %scan3A_11 step %scan3A_12 iter_args(%scan3A_234 = %broadcast_in_dim3A_9) -> (vector<16xf32>)  : i32 {
      %mul3A_235 = arith.constant 160 : i32
      %mul3A_236 = arith.muli %scan3A_233, %mul3A_235 : i32
      %get3A = arith.index_cast %mul3A_236 : i32 to index
      %get3A_237 = tpu.vector_load %arg5[%get3A] {strides = array<i32>} : memref<100000xf32, #tpu.memory_space<vmem>>, vector<16xf32>,
      %add3A_238 = arith.constant 16 : i32
      %add3A_239 = arith.addi %mul3A_236, %add3A_238 : i32
      %get3A_240 = arith.index_cast %add3A_239 : i32 to index
      %get3A_241 = tpu.vector_load %arg5[%get3A_240] {strides = array<i32>} : memref<100000xf32, #tpu.memory_space<vmem>>, vector<16xf32>,
      %max3A = arith.maximumf %get3A_237, %get3A_241 : vector<16xf32>
      %add3A_242 = arith.constant 32 : i32
      %add3A_243 = arith.addi %mul3A_236, %add3A_242 : i32
      %get3A_244 = arith.index_cast %add3A_243 : i32 to index
      %get3A_245 = tpu.vector_load %arg5[%get3A_244] {strides = array<i32>} : memref<100000xf32, #tpu.memory_space<vmem>>, vector<16xf32>,
      %max3A_246 = arith.maximumf %max3A, %get3A_245 : vector<16xf32>
      %add3A_247 = arith.constant 48 : i32
      %add3A_248 = arith.addi %mul3A_236, %add3A_247 : i32
      %get3A_249 = arith.index_cast %add3A_248 : i32 to index
      %get3A_250 = tpu.vector_load %arg5[%get3A_249] {strides = array<i32>} : memref<100000xf32, #tpu.memory_space<vmem>>, vector<16xf32>,
      %max3A_251 = arith.maximumf %max3A_246, %get3A_250 : vector<16xf32>
      %add3A_252 = arith.constant 64 : i32
      %add3A_253 = arith.addi %mul3A_236, %add3A_252 : i32
      %get3A_254 = arith.index_cast %add3A_253 : i32 to index
      %get3A_255 = tpu.vector_load %arg5[%get3A_254] {strides = array<i32>} : memref<100000xf32, #tpu.memory_space<vmem>>, vector<16xf32>,
      %max3A_256 = arith.maximumf %max3A_251, %get3A_255 : vector<16xf32>
      %add3A_257 = arith.constant 80 : i32
      %add3A_258 = arith.addi %mul3A_236, %add3A_257 : i32
      %get3A_259 = arith.index_cast %add3A_258 : i32 to index
      %get3A_260 = tpu.vector_load %arg5[%get3A_259] {strides = array<i32>} : memref<100000xf32, #tpu.memory_space<vmem>>, vector<16xf32>,
      %max3A_261 = arith.maximumf %max3A_256, %get3A_260 : vector<16xf32>
      %add3A_262 = arith.constant 96 : i32
      %add3A_263 = arith.addi %mul3A_236, %add3A_262 : i32
      %get3A_264 = arith.index_cast %add3A_263 : i32 to index
      %get3A_265 = tpu.vector_load %arg5[%get3A_264] {strides = array<i32>} : memref<100000xf32, #tpu.memory_space<vmem>>, vector<16xf32>,
      %max3A_266 = arith.maximumf %max3A_261, %get3A_265 : vector<16xf32>
      %add3A_267 = arith.constant 112 : i32
      %add3A_268 = arith.addi %mul3A_236, %add3A_267 : i32
      %get3A_269 = arith.index_cast %add3A_268 : i32 to index
      %get3A_270 = tpu.vector_load %arg5[%get3A_269] {strides = array<i32>} : memref<100000xf32, #tpu.memory_space<vmem>>, vector<16xf32>,
      %max3A_271 = arith.maximumf %max3A_266, %get3A_270 : vector<16xf32>
      %add3A_272 = arith.constant 128 : i32
      %add3A_273 = arith.addi %mul3A_236, %add3A_272 : i32
      %get3A_274 = arith.index_cast %add3A_273 : i32 to index
      %get3A_275 = tpu.vector_load %arg5[%get3A_274] {strides = array<i32>} : memref<100000xf32, #tpu.memory_space<vmem>>, vector<16xf32>,
      %max3A_276 = arith.maximumf %max3A_271, %get3A_275 : vector<16xf32>
      %add3A_277 = arith.constant 144 : i32
      %add3A_278 = arith.addi %mul3A_236, %add3A_277 : i32
      %get3A_279 = arith.index_cast %add3A_278 : i32 to index
      %get3A_280 = tpu.vector_load %arg5[%get3A_279] {strides = array<i32>} : memref<100000xf32, #tpu.memory_space<vmem>>, vector<16xf32>,
      %max3A_281 = arith.maximumf %max3A_276, %get3A_280 : vector<16xf32>
      %mul3A_282 = arith.constant 16 : i32
      %mul3A_283 = arith.muli %scan3A_233, %mul3A_282 : i32
      %swap3A_284 = arith.index_cast %mul3A_283 : i32 to index
      %swap3A_285 = tpu.vector_load %arg6[%swap3A_284] {strides = array<i32>} : memref<10000xf32, #tpu.memory_space<vmem>>, vector<16xf32>,
      tpu.vector_store %arg6[%swap3A_284], %max3A_281 {strides = array<i32>} : memref<10000xf32, #tpu.memory_space<vmem>>, vector<16xf32>,
      %max3A_286 = arith.maximumf %scan3A_234, %max3A_281 : vector<16xf32>
      scf.yield %max3A_286 : vector<16xf32>
    }
    %scan3A_14 = arith.constant 625 : i32
    %reduce_min3A = arith.constant true
    %reduce_min3A_15 = vector.broadcast %reduce_min3A : i1 to vector<16xi1>
    %reduce_min3A_16 = tpu.scan <min>, %scan3A_13 masked %reduce_min3A_15 : vector<16xf32>, vector<16xi1> -> vector<16xf32>
    %reduce_min3A_17 = vector.extract %reduce_min3A_16[15] : f32 from vector<16xf32>
    %broadcast_in_dim3A_18 = vector.broadcast %reduce_min3A_17 : f32 to vector<16xf32>
    %scan3A_19 = arith.constant 0 : i32
    %scan3A_20 = arith.constant 125 : i32
    %scan3A_21 = arith.addi %scan3A_19, %scan3A_20 : i32
    %scan3A_22 = arith.constant 1 : i32
    %scan3A_23 = scf.for %scan3A_233 = %scan3A_19 to %scan3A_21 step %scan3A_22 iter_args(%scan3A_234 = %broadcast_in_dim3A_1) -> (vector<16xi32>)  : i32 {
      %mul3A_235 = arith.constant 80 : i32
      %mul3A_236 = arith.muli %scan3A_233, %mul3A_235 : i32
      %add3A_237 = arith.constant 0 : i32
      %add3A_238 = arith.addi %mul3A_236, %add3A_237 : i32
      %get3A = arith.index_cast %add3A_238 : i32 to index
      %get3A_239 = tpu.vector_load %arg6[%get3A] {strides = array<i32>} : memref<10000xf32, #tpu.memory_space<vmem>>, vector<16xf32>,
      %ge3A = arith.cmpf oge, %get3A_239, %broadcast_in_dim3A_18 : vector<16xf32>
      %jit3A_240 = arith.constant 1 : i32
      %jit3A_241 = arith.constant 0 : i32
      %broadcast_in_dim3A_242 = vector.broadcast %jit3A_240 : i32 to vector<16xi32>
      %broadcast_in_dim3A_243 = vector.broadcast %jit3A_241 : i32 to vector<16xi32>
      %select_n3A_244 = arith.select %ge3A, %broadcast_in_dim3A_242, %broadcast_in_dim3A_243 : vector<16xi1>, vector<16xi32>
      %broadcast_in_dim3A_245 = arith.constant true
      %broadcast_in_dim3A_246 = vector.broadcast %broadcast_in_dim3A_245 : i1 to vector<16xi1>
      %masked_cumsum3A = tpu.scan <sum>, %select_n3A_244 masked %broadcast_in_dim3A_246 : vector<16xi32>, vector<16xi1> -> vector<16xi32>
      %add3A_247 = arith.addi %scan3A_234, %masked_cumsum3A : vector<16xi32>
      %sub3A_248 = arith.constant 1 : i32
      %sub3A_249 = vector.broadcast %sub3A_248 : i32 to vector<16xi32>
      %sub3A_250 = arith.subi %add3A_247, %sub3A_249 : vector<16xi32>
      %lt3A = arith.constant 1024 : i32
      %lt3A_251 = vector.broadcast %lt3A : i32 to vector<16xi32>
      %lt3A_252 = arith.cmpi slt, %sub3A_250, %lt3A_251 : vector<16xi32>
      %and3A_253 = arith.andi %ge3A, %lt3A_252 : vector<16xi1>
      %add3A_254 = vector.broadcast %add3A_238 : i32 to vector<16xi32>
      %add3A_255 = arith.addi %iota3A, %add3A_254 : vector<16xi32>
      tpu.vector_store_idx %arg7[%sub3A_250], %add3A_255 masked %and3A_253 : memref<1024xi32, #tpu.memory_space<vmem>>[vector<16xi32>], vector<16xi32>, vector<16xi1>
      %lt3A_256 = arith.constant 0 : i32
      %lt3A_257 = vector.broadcast %lt3A_256 : i32 to vector<16xi32>
      %lt3A_258 = arith.cmpi slt, %broadcast_in_dim3A_3, %lt3A_257 : vector<16xi32>
      %add3A_259 = arith.constant 16 : i32
      %add3A_260 = vector.broadcast %add3A_259 : i32 to vector<16xi32>
      %add3A_261 = arith.addi %broadcast_in_dim3A_3, %add3A_260 : vector<16xi32>
      %select_n3A_262 = arith.select %lt3A_258, %add3A_261, %broadcast_in_dim3A_3 : vector<16xi1>, vector<16xi32>
      %broadcast_in_dim3A_263 = vector.shape_cast %select_n3A_262 : vector<16xi32> to vector<16x1xi32>
      %gather3A = vector.shape_cast %broadcast_in_dim3A_263 : vector<16x1xi32> to vector<16xi32>
      %gather3A_264 = tpu.dynamic_gather %masked_cumsum3A[%gather3A] in [0] : vector<16xi32>, vector<16xi32> -> vector<16xi32>
      %add3A_265 = arith.addi %scan3A_234, %gather3A_264 : vector<16xi32>
      %add3A_266 = arith.constant 16 : i32
      %add3A_267 = arith.addi %mul3A_236, %add3A_266 : i32
      %get3A_268 = arith.index_cast %add3A_267 : i32 to index
      %get3A_269 = tpu.vector_load %arg6[%get3A_268] {strides = array<i32>} : memref<10000xf32, #tpu.memory_space<vmem>>, vector<16xf32>,
      %ge3A_270 = arith.cmpf oge, %get3A_269, %broadcast_in_dim3A_18 : vector<16xf32>
      %jit3A_271 = arith.constant 1 : i32
      %jit3A_272 = arith.constant 0 : i32
      %broadcast_in_dim3A_273 = vector.broadcast %jit3A_271 : i32 to vector<16xi32>
      %broadcast_in_dim3A_274 = vector.broadcast %jit3A_272 : i32 to vector<16xi32>
      %select_n3A_275 = arith.select %ge3A_270, %broadcast_in_dim3A_273, %broadcast_in_dim3A_274 : vector<16xi1>, vector<16xi32>
      %broadcast_in_dim3A_276 = arith.constant true
      %broadcast_in_dim3A_277 = vector.broadcast %broadcast_in_dim3A_276 : i1 to vector<16xi1>
      %masked_cumsum3A_278 = tpu.scan <sum>, %select_n3A_275 masked %broadcast_in_dim3A_277 : vector<16xi32>, vector<16xi1> -> vector<16xi32>
      %add3A_279 = arith.addi %add3A_265, %masked_cumsum3A_278 : vector<16xi32>
      %sub3A_280 = arith.constant 1 : i32
      %sub3A_281 = vector.broadcast %sub3A_280 : i32 to vector<16xi32>
      %sub3A_282 = arith.subi %add3A_279, %sub3A_281 : vector<16xi32>
      %lt3A_283 = arith.constant 1024 : i32
      %lt3A_284 = vector.broadcast %lt3A_283 : i32 to vector<16xi32>
      %lt3A_285 = arith.cmpi slt, %sub3A_282, %lt3A_284 : vector<16xi32>
      %and3A_286 = arith.andi %ge3A_270, %lt3A_285 : vector<16xi1>
      %add3A_287 = vector.broadcast %add3A_267 : i32 to vector<16xi32>
      %add3A_288 = arith.addi %iota3A, %add3A_287 : vector<16xi32>
      tpu.vector_store_idx %arg7[%sub3A_282], %add3A_288 masked %and3A_286 : memref<1024xi32, #tpu.memory_space<vmem>>[vector<16xi32>], vector<16xi32>, vector<16xi1>
      %lt3A_289 = arith.constant 0 : i32
      %lt3A_290 = vector.broadcast %lt3A_289 : i32 to vector<16xi32>
      %lt3A_291 = arith.cmpi slt, %broadcast_in_dim3A_3, %lt3A_290 : vector<16xi32>
      %add3A_292 = arith.constant 16 : i32
      %add3A_293 = vector.broadcast %add3A_292 : i32 to vector<16xi32>
      %add3A_294 = arith.addi %broadcast_in_dim3A_3, %add3A_293 : vector<16xi32>
      %select_n3A_295 = arith.select %lt3A_291, %add3A_294, %broadcast_in_dim3A_3 : vector<16xi1>, vector<16xi32>
      %broadcast_in_dim3A_296 = vector.shape_cast %select_n3A_295 : vector<16xi32> to vector<16x1xi32>
      %gather3A_297 = vector.shape_cast %broadcast_in_dim3A_296 : vector<16x1xi32> to vector<16xi32>
      %gather3A_298 = tpu.dynamic_gather %masked_cumsum3A_278[%gather3A_297] in [0] : vector<16xi32>, vector<16xi32> -> vector<16xi32>
      %add3A_299 = arith.addi %add3A_265, %gather3A_298 : vector<16xi32>
      %add3A_300 = arith.constant 32 : i32
      %add3A_301 = arith.addi %mul3A_236, %add3A_300 : i32
      %get3A_302 = arith.index_cast %add3A_301 : i32 to index
      %get3A_303 = tpu.vector_load %arg6[%get3A_302] {strides = array<i32>} : memref<10000xf32, #tpu.memory_space<vmem>>, vector<16xf32>,
      %ge3A_304 = arith.cmpf oge, %get3A_303, %broadcast_in_dim3A_18 : vector<16xf32>
      %jit3A_305 = arith.constant 1 : i32
      %jit3A_306 = arith.constant 0 : i32
      %broadcast_in_dim3A_307 = vector.broadcast %jit3A_305 : i32 to vector<16xi32>
      %broadcast_in_dim3A_308 = vector.broadcast %jit3A_306 : i32 to vector<16xi32>
      %select_n3A_309 = arith.select %ge3A_304, %broadcast_in_dim3A_307, %broadcast_in_dim3A_308 : vector<16xi1>, vector<16xi32>
      %broadcast_in_dim3A_310 = arith.constant true
      %broadcast_in_dim3A_311 = vector.broadcast %broadcast_in_dim3A_310 : i1 to vector<16xi1>
      %masked_cumsum3A_312 = tpu.scan <sum>, %select_n3A_309 masked %broadcast_in_dim3A_311 : vector<16xi32>, vector<16xi1> -> vector<16xi32>
      %add3A_313 = arith.addi %add3A_299, %masked_cumsum3A_312 : vector<16xi32>
      %sub3A_314 = arith.constant 1 : i32
      %sub3A_315 = vector.broadcast %sub3A_314 : i32 to vector<16xi32>
      %sub3A_316 = arith.subi %add3A_313, %sub3A_315 : vector<16xi32>
      %lt3A_317 = arith.constant 1024 : i32
      %lt3A_318 = vector.broadcast %lt3A_317 : i32 to vector<16xi32>
      %lt3A_319 = arith.cmpi slt, %sub3A_316, %lt3A_318 : vector<16xi32>
      %and3A_320 = arith.andi %ge3A_304, %lt3A_319 : vector<16xi1>
      %add3A_321 = vector.broadcast %add3A_301 : i32 to vector<16xi32>
      %add3A_322 = arith.addi %iota3A, %add3A_321 : vector<16xi32>
      tpu.vector_store_idx %arg7[%sub3A_316], %add3A_322 masked %and3A_320 : memref<1024xi32, #tpu.memory_space<vmem>>[vector<16xi32>], vector<16xi32>, vector<16xi1>
      %lt3A_323 = arith.constant 0 : i32
      %lt3A_324 = vector.broadcast %lt3A_323 : i32 to vector<16xi32>
      %lt3A_325 = arith.cmpi slt, %broadcast_in_dim3A_3, %lt3A_324 : vector<16xi32>
      %add3A_326 = arith.constant 16 : i32
      %add3A_327 = vector.broadcast %add3A_326 : i32 to vector<16xi32>
      %add3A_328 = arith.addi %broadcast_in_dim3A_3, %add3A_327 : vector<16xi32>
      %select_n3A_329 = arith.select %lt3A_325, %add3A_328, %broadcast_in_dim3A_3 : vector<16xi1>, vector<16xi32>
      %broadcast_in_dim3A_330 = vector.shape_cast %select_n3A_329 : vector<16xi32> to vector<16x1xi32>
      %gather3A_331 = vector.shape_cast %broadcast_in_dim3A_330 : vector<16x1xi32> to vector<16xi32>
      %gather3A_332 = tpu.dynamic_gather %masked_cumsum3A_312[%gather3A_331] in [0] : vector<16xi32>, vector<16xi32> -> vector<16xi32>
      %add3A_333 = arith.addi %add3A_299, %gather3A_332 : vector<16xi32>
      %add3A_334 = arith.constant 48 : i32
      %add3A_335 = arith.addi %mul3A_236, %add3A_334 : i32
      %get3A_336 = arith.index_cast %add3A_335 : i32 to index
      %get3A_337 = tpu.vector_load %arg6[%get3A_336] {strides = array<i32>} : memref<10000xf32, #tpu.memory_space<vmem>>, vector<16xf32>,
      %ge3A_338 = arith.cmpf oge, %get3A_337, %broadcast_in_dim3A_18 : vector<16xf32>
      %jit3A_339 = arith.constant 1 : i32
      %jit3A_340 = arith.constant 0 : i32
      %broadcast_in_dim3A_341 = vector.broadcast %jit3A_339 : i32 to vector<16xi32>
      %broadcast_in_dim3A_342 = vector.broadcast %jit3A_340 : i32 to vector<16xi32>
      %select_n3A_343 = arith.select %ge3A_338, %broadcast_in_dim3A_341, %broadcast_in_dim3A_342 : vector<16xi1>, vector<16xi32>
      %broadcast_in_dim3A_344 = arith.constant true
      %broadcast_in_dim3A_345 = vector.broadcast %broadcast_in_dim3A_344 : i1 to vector<16xi1>
      %masked_cumsum3A_346 = tpu.scan <sum>, %select_n3A_343 masked %broadcast_in_dim3A_345 : vector<16xi32>, vector<16xi1> -> vector<16xi32>
      %add3A_347 = arith.addi %add3A_333, %masked_cumsum3A_346 : vector<16xi32>
      %sub3A_348 = arith.constant 1 : i32
      %sub3A_349 = vector.broadcast %sub3A_348 : i32 to vector<16xi32>
      %sub3A_350 = arith.subi %add3A_347, %sub3A_349 : vector<16xi32>
      %lt3A_351 = arith.constant 1024 : i32
      %lt3A_352 = vector.broadcast %lt3A_351 : i32 to vector<16xi32>
      %lt3A_353 = arith.cmpi slt, %sub3A_350, %lt3A_352 : vector<16xi32>
      %and3A_354 = arith.andi %ge3A_338, %lt3A_353 : vector<16xi1>
      %add3A_355 = vector.broadcast %add3A_335 : i32 to vector<16xi32>
      %add3A_356 = arith.addi %iota3A, %add3A_355 : vector<16xi32>
      tpu.vector_store_idx %arg7[%sub3A_350], %add3A_356 masked %and3A_354 : memref<1024xi32, #tpu.memory_space<vmem>>[vector<16xi32>], vector<16xi32>, vector<16xi1>
      %lt3A_357 = arith.constant 0 : i32
      %lt3A_358 = vector.broadcast %lt3A_357 : i32 to vector<16xi32>
      %lt3A_359 = arith.cmpi slt, %broadcast_in_dim3A_3, %lt3A_358 : vector<16xi32>
      %add3A_360 = arith.constant 16 : i32
      %add3A_361 = vector.broadcast %add3A_360 : i32 to vector<16xi32>
      %add3A_362 = arith.addi %broadcast_in_dim3A_3, %add3A_361 : vector<16xi32>
      %select_n3A_363 = arith.select %lt3A_359, %add3A_362, %broadcast_in_dim3A_3 : vector<16xi1>, vector<16xi32>
      %broadcast_in_dim3A_364 = vector.shape_cast %select_n3A_363 : vector<16xi32> to vector<16x1xi32>
      %gather3A_365 = vector.shape_cast %broadcast_in_dim3A_364 : vector<16x1xi32> to vector<16xi32>
      %gather3A_366 = tpu.dynamic_gather %masked_cumsum3A_346[%gather3A_365] in [0] : vector<16xi32>, vector<16xi32> -> vector<16xi32>
      %add3A_367 = arith.addi %add3A_333, %gather3A_366 : vector<16xi32>
      %add3A_368 = arith.constant 64 : i32
      %add3A_369 = arith.addi %mul3A_236, %add3A_368 : i32
      %get3A_370 = arith.index_cast %add3A_369 : i32 to index
      %get3A_371 = tpu.vector_load %arg6[%get3A_370] {strides = array<i32>} : memref<10000xf32, #tpu.memory_space<vmem>>, vector<16xf32>,
      %ge3A_372 = arith.cmpf oge, %get3A_371, %broadcast_in_dim3A_18 : vector<16xf32>
      %jit3A_373 = arith.constant 1 : i32
      %jit3A_374 = arith.constant 0 : i32
      %broadcast_in_dim3A_375 = vector.broadcast %jit3A_373 : i32 to vector<16xi32>
      %broadcast_in_dim3A_376 = vector.broadcast %jit3A_374 : i32 to vector<16xi32>
      %select_n3A_377 = arith.select %ge3A_372, %broadcast_in_dim3A_375, %broadcast_in_dim3A_376 : vector<16xi1>, vector<16xi32>
      %broadcast_in_dim3A_378 = arith.constant true
      %broadcast_in_dim3A_379 = vector.broadcast %broadcast_in_dim3A_378 : i1 to vector<16xi1>
      %masked_cumsum3A_380 = tpu.scan <sum>, %select_n3A_377 masked %broadcast_in_dim3A_379 : vector<16xi32>, vector<16xi1> -> vector<16xi32>
      %add3A_381 = arith.addi %add3A_367, %masked_cumsum3A_380 : vector<16xi32>
      %sub3A_382 = arith.constant 1 : i32
      %sub3A_383 = vector.broadcast %sub3A_382 : i32 to vector<16xi32>
      %sub3A_384 = arith.subi %add3A_381, %sub3A_383 : vector<16xi32>
      %lt3A_385 = arith.constant 1024 : i32
      %lt3A_386 = vector.broadcast %lt3A_385 : i32 to vector<16xi32>
      %lt3A_387 = arith.cmpi slt, %sub3A_384, %lt3A_386 : vector<16xi32>
      %and3A_388 = arith.andi %ge3A_372, %lt3A_387 : vector<16xi1>
      %add3A_389 = vector.broadcast %add3A_369 : i32 to vector<16xi32>
      %add3A_390 = arith.addi %iota3A, %add3A_389 : vector<16xi32>
      tpu.vector_store_idx %arg7[%sub3A_384], %add3A_390 masked %and3A_388 : memref<1024xi32, #tpu.memory_space<vmem>>[vector<16xi32>], vector<16xi32>, vector<16xi1>
      %lt3A_391 = arith.constant 0 : i32
      %lt3A_392 = vector.broadcast %lt3A_391 : i32 to vector<16xi32>
      %lt3A_393 = arith.cmpi slt, %broadcast_in_dim3A_3, %lt3A_392 : vector<16xi32>
      %add3A_394 = arith.constant 16 : i32
      %add3A_395 = vector.broadcast %add3A_394 : i32 to vector<16xi32>
      %add3A_396 = arith.addi %broadcast_in_dim3A_3, %add3A_395 : vector<16xi32>
      %select_n3A_397 = arith.select %lt3A_393, %add3A_396, %broadcast_in_dim3A_3 : vector<16xi1>, vector<16xi32>
      %broadcast_in_dim3A_398 = vector.shape_cast %select_n3A_397 : vector<16xi32> to vector<16x1xi32>
      %gather3A_399 = vector.shape_cast %broadcast_in_dim3A_398 : vector<16x1xi32> to vector<16xi32>
      %gather3A_400 = tpu.dynamic_gather %masked_cumsum3A_380[%gather3A_399] in [0] : vector<16xi32>, vector<16xi32> -> vector<16xi32>
      %add3A_401 = arith.addi %add3A_367, %gather3A_400 : vector<16xi32>
      scf.yield %add3A_401 : vector<16xi32>
    }
    %scan3A_24 = arith.constant 125 : i32
    %slice3A = vector.extract_strided_slice %scan3A_23 {offsets = [0], sizes = [1], strides = [1]} : vector<16xi32> to vector<1xi32>
    %squeeze3A = vector.extract %slice3A[0] : i32 from vector<1xi32>
    %min3A = arith.constant 1024 : i32
    %min3A_25 = arith.minsi %squeeze3A, %min3A : i32
    %add3A_26 = arith.constant 16 : i32
    %add3A_27 = arith.addi %min3A_25, %add3A_26 : i32
    %sub3A = arith.constant 1 : i32
    %sub3A_28 = arith.subi %add3A_27, %sub3A : i32
    %jit3A = arith.constant 16 : i32
    %div3A = arith.divsi %sub3A_28, %jit3A : i32
    %sign3A = arith.constant 0 : i32
    %sign3A_29 = arith.cmpi sgt, %sub3A_28, %sign3A : i32
    %sign3A_30 = arith.extui %sign3A_29 : i1 to i32
    %sign3A_31 = arith.constant 0 : i32
    %sign3A_32 = arith.cmpi slt, %sub3A_28, %sign3A_31 : i32
    %sign3A_33 = arith.extui %sign3A_32 : i1 to i32
    %sign3A_34 = arith.subi %sign3A_30, %sign3A_33 : i32
    %sign3A_35 = arith.constant 0 : i32
    %sign3A_36 = arith.cmpi sgt, %jit3A, %sign3A_35 : i32
    %sign3A_37 = arith.extui %sign3A_36 : i1 to i32
    %sign3A_38 = arith.constant 0 : i32
    %sign3A_39 = arith.cmpi slt, %jit3A, %sign3A_38 : i32
    %sign3A_40 = arith.extui %sign3A_39 : i1 to i32
    %sign3A_41 = arith.subi %sign3A_37, %sign3A_40 : i32
    %ne3A = arith.cmpi ne, %sign3A_34, %sign3A_41 : i32
    %rem3A = arith.remsi %sub3A_28, %jit3A : i32
    %ne3A_42 = arith.constant 0 : i32
    %ne3A_43 = arith.cmpi ne, %rem3A, %ne3A_42 : i32
    %and3A = arith.andi %ne3A, %ne3A_43 : i1
    %sub3A_44 = arith.constant 1 : i32
    %sub3A_45 = arith.subi %div3A, %sub3A_44 : i32
    %select_n3A = arith.select %and3A, %sub3A_45, %div3A : i32
    %while3A = arith.constant 0 : i32
    %while3A_46 = arith.subi %select_n3A, %while3A : i32
    %while3A_47 = arith.addi %while3A, %while3A_46 : i32
    %while3A_48 = arith.constant 1 : i32
    %while3A_49 = arith.divsi %while3A_46, %while3A_48 : i32
    %while3A_50 = arith.muli %while3A_49, %while3A_48 : i32
    %while3A_51 = arith.addi %while3A, %while3A_50 : i32
    %while3A_52 = arith.constant 1 : i32
    %while3A_53 = scf.for %while3A_233 = %while3A to %while3A_51 step %while3A_52 iter_args(%while3A_234 = %broadcast_in_dim3A_1) -> (vector<16xi32>)  : i32 {
      %mul3A_235 = arith.constant 16 : i32
      %mul3A_236 = arith.muli %while3A_233, %mul3A_235 : i32
      %add3A_237 = vector.broadcast %mul3A_236 : i32 to vector<16xi32>
      %add3A_238 = arith.addi %add3A_237, %iota3A : vector<16xi32>
      %lt3A = vector.broadcast %min3A_25 : i32 to vector<16xi32>
      %lt3A_239 = arith.cmpi slt, %add3A_238, %lt3A : vector<16xi32>
      %mul3A_240 = arith.constant 16 : i32
      %mul3A_241 = arith.muli %while3A_233, %mul3A_240 : i32
      %get3A = arith.index_cast %mul3A_241 : i32 to index
      %get3A_242 = tpu.vector_load %arg7[%get3A] {strides = array<i32>} : memref<1024xi32, #tpu.memory_space<vmem>>, vector<16xi32>,
      %jit3A_243 = arith.constant 0 : i32
      %broadcast_in_dim3A_244 = vector.broadcast %jit3A_243 : i32 to vector<16xi32>
      %select_n3A_245 = arith.select %lt3A_239, %get3A_242, %broadcast_in_dim3A_244 : vector<16xi1>, vector<16xi32>
      %shift_right_arithmetic3A = arith.constant 4 : i32
      %shift_right_arithmetic3A_246 = vector.broadcast %shift_right_arithmetic3A : i32 to vector<16xi32>
      %shift_right_arithmetic3A_247 = arith.shrsi %select_n3A_245, %shift_right_arithmetic3A_246 : vector<16xi32>
      %and3A_248 = arith.constant 15 : i32
      %and3A_249 = vector.broadcast %and3A_248 : i32 to vector<16xi32>
      %and3A_250 = arith.andi %select_n3A_245, %and3A_249 : vector<16xi32>
      %mul3A_251 = arith.constant 160 : i32
      %mul3A_252 = vector.broadcast %mul3A_251 : i32 to vector<16xi32>
      %mul3A_253 = arith.muli %shift_right_arithmetic3A_247, %mul3A_252 : vector<16xi32>
      %add3A_254 = arith.addi %mul3A_253, %and3A_250 : vector<16xi32>
      %add3A_255 = arith.constant 0 : i32
      %add3A_256 = vector.broadcast %add3A_255 : i32 to vector<16xi32>
      %add3A_257 = arith.addi %add3A_254, %add3A_256 : vector<16xi32>
      %gather3A = tpu.vector_load_idx %arg5[%add3A_257] : memref<100000xf32, #tpu.memory_space<vmem>>[vector<16xi32>], vector<16xf32>,
      %ge3A = arith.cmpf oge, %gather3A, %broadcast_in_dim3A_18 : vector<16xf32>
      %and3A_258 = arith.andi %ge3A, %lt3A_239 : vector<16xi1>
      %jit3A_259 = arith.constant 1 : i32
      %jit3A_260 = arith.constant 0 : i32
      %broadcast_in_dim3A_261 = vector.broadcast %jit3A_259 : i32 to vector<16xi32>
      %broadcast_in_dim3A_262 = vector.broadcast %jit3A_260 : i32 to vector<16xi32>
      %select_n3A_263 = arith.select %and3A_258, %broadcast_in_dim3A_261, %broadcast_in_dim3A_262 : vector<16xi1>, vector<16xi32>
      %broadcast_in_dim3A_264 = arith.constant true
      %broadcast_in_dim3A_265 = vector.broadcast %broadcast_in_dim3A_264 : i1 to vector<16xi1>
      %masked_cumsum3A = tpu.scan <sum>, %select_n3A_263 masked %broadcast_in_dim3A_265 : vector<16xi32>, vector<16xi1> -> vector<16xi32>
      %add3A_266 = arith.addi %while3A_234, %masked_cumsum3A : vector<16xi32>
      %sub3A_267 = arith.constant 1 : i32
      %sub3A_268 = vector.broadcast %sub3A_267 : i32 to vector<16xi32>
      %sub3A_269 = arith.subi %add3A_266, %sub3A_268 : vector<16xi32>
      %lt3A_270 = arith.constant 1024 : i32
      %lt3A_271 = vector.broadcast %lt3A_270 : i32 to vector<16xi32>
      %lt3A_272 = arith.cmpi slt, %sub3A_269, %lt3A_271 : vector<16xi32>
      %and3A_273 = arith.andi %and3A_258, %lt3A_272 : vector<16xi1>
      tpu.vector_store_idx %arg8[%sub3A_269], %add3A_257 masked %and3A_273 : memref<1024xi32, #tpu.memory_space<vmem>>[vector<16xi32>], vector<16xi32>, vector<16xi1>
      %lt3A_274 = arith.constant 0 : i32
      %lt3A_275 = vector.broadcast %lt3A_274 : i32 to vector<16xi32>
      %lt3A_276 = arith.cmpi slt, %broadcast_in_dim3A_3, %lt3A_275 : vector<16xi32>
      %add3A_277 = arith.constant 16 : i32
      %add3A_278 = vector.broadcast %add3A_277 : i32 to vector<16xi32>
      %add3A_279 = arith.addi %broadcast_in_dim3A_3, %add3A_278 : vector<16xi32>
      %select_n3A_280 = arith.select %lt3A_276, %add3A_279, %broadcast_in_dim3A_3 : vector<16xi1>, vector<16xi32>
      %broadcast_in_dim3A_281 = vector.shape_cast %select_n3A_280 : vector<16xi32> to vector<16x1xi32>
      %gather3A_282 = vector.shape_cast %broadcast_in_dim3A_281 : vector<16x1xi32> to vector<16xi32>
      %gather3A_283 = tpu.dynamic_gather %masked_cumsum3A[%gather3A_282] in [0] : vector<16xi32>, vector<16xi32> -> vector<16xi32>
      %add3A_284 = arith.addi %while3A_234, %gather3A_283 : vector<16xi32>
      %add3A_285 = arith.constant 16 : i32
      %add3A_286 = vector.broadcast %add3A_285 : i32 to vector<16xi32>
      %add3A_287 = arith.addi %add3A_254, %add3A_286 : vector<16xi32>
      %gather3A_288 = tpu.vector_load_idx %arg5[%add3A_287] : memref<100000xf32, #tpu.memory_space<vmem>>[vector<16xi32>], vector<16xf32>,
      %ge3A_289 = arith.cmpf oge, %gather3A_288, %broadcast_in_dim3A_18 : vector<16xf32>
      %and3A_290 = arith.andi %ge3A_289, %lt3A_239 : vector<16xi1>
      %jit3A_291 = arith.constant 1 : i32
      %jit3A_292 = arith.constant 0 : i32
      %broadcast_in_dim3A_293 = vector.broadcast %jit3A_291 : i32 to vector<16xi32>
      %broadcast_in_dim3A_294 = vector.broadcast %jit3A_292 : i32 to vector<16xi32>
      %select_n3A_295 = arith.select %and3A_290, %broadcast_in_dim3A_293, %broadcast_in_dim3A_294 : vector<16xi1>, vector<16xi32>
      %broadcast_in_dim3A_296 = arith.constant true
      %broadcast_in_dim3A_297 = vector.broadcast %broadcast_in_dim3A_296 : i1 to vector<16xi1>
      %masked_cumsum3A_298 = tpu.scan <sum>, %select_n3A_295 masked %broadcast_in_dim3A_297 : vector<16xi32>, vector<16xi1> -> vector<16xi32>
      %add3A_299 = arith.addi %add3A_284, %masked_cumsum3A_298 : vector<16xi32>
      %sub3A_300 = arith.constant 1 : i32
      %sub3A_301 = vector.broadcast %sub3A_300 : i32 to vector<16xi32>
      %sub3A_302 = arith.subi %add3A_299, %sub3A_301 : vector<16xi32>
      %lt3A_303 = arith.constant 1024 : i32
      %lt3A_304 = vector.broadcast %lt3A_303 : i32 to vector<16xi32>
      %lt3A_305 = arith.cmpi slt, %sub3A_302, %lt3A_304 : vector<16xi32>
      %and3A_306 = arith.andi %and3A_290, %lt3A_305 : vector<16xi1>
      tpu.vector_store_idx %arg8[%sub3A_302], %add3A_287 masked %and3A_306 : memref<1024xi32, #tpu.memory_space<vmem>>[vector<16xi32>], vector<16xi32>, vector<16xi1>
      %lt3A_307 = arith.constant 0 : i32
      %lt3A_308 = vector.broadcast %lt3A_307 : i32 to vector<16xi32>
      %lt3A_309 = arith.cmpi slt, %broadcast_in_dim3A_3, %lt3A_308 : vector<16xi32>
      %add3A_310 = arith.constant 16 : i32
      %add3A_311 = vector.broadcast %add3A_310 : i32 to vector<16xi32>
      %add3A_312 = arith.addi %broadcast_in_dim3A_3, %add3A_311 : vector<16xi32>
      %select_n3A_313 = arith.select %lt3A_309, %add3A_312, %broadcast_in_dim3A_3 : vector<16xi1>, vector<16xi32>
      %broadcast_in_dim3A_314 = vector.shape_cast %select_n3A_313 : vector<16xi32> to vector<16x1xi32>
      %gather3A_315 = vector.shape_cast %broadcast_in_dim3A_314 : vector<16x1xi32> to vector<16xi32>
      %gather3A_316 = tpu.dynamic_gather %masked_cumsum3A_298[%gather3A_315] in [0] : vector<16xi32>, vector<16xi32> -> vector<16xi32>
      %add3A_317 = arith.addi %add3A_284, %gather3A_316 : vector<16xi32>
      %add3A_318 = arith.constant 32 : i32
      %add3A_319 = vector.broadcast %add3A_318 : i32 to vector<16xi32>
      %add3A_320 = arith.addi %add3A_254, %add3A_319 : vector<16xi32>
      %gather3A_321 = tpu.vector_load_idx %arg5[%add3A_320] : memref<100000xf32, #tpu.memory_space<vmem>>[vector<16xi32>], vector<16xf32>,
      %ge3A_322 = arith.cmpf oge, %gather3A_321, %broadcast_in_dim3A_18 : vector<16xf32>
      %and3A_323 = arith.andi %ge3A_322, %lt3A_239 : vector<16xi1>
      %jit3A_324 = arith.constant 1 : i32
      %jit3A_325 = arith.constant 0 : i32
      %broadcast_in_dim3A_326 = vector.broadcast %jit3A_324 : i32 to vector<16xi32>
      %broadcast_in_dim3A_327 = vector.broadcast %jit3A_325 : i32 to vector<16xi32>
      %select_n3A_328 = arith.select %and3A_323, %broadcast_in_dim3A_326, %broadcast_in_dim3A_327 : vector<16xi1>, vector<16xi32>
      %broadcast_in_dim3A_329 = arith.constant true
      %broadcast_in_dim3A_330 = vector.broadcast %broadcast_in_dim3A_329 : i1 to vector<16xi1>
      %masked_cumsum3A_331 = tpu.scan <sum>, %select_n3A_328 masked %broadcast_in_dim3A_330 : vector<16xi32>, vector<16xi1> -> vector<16xi32>
      %add3A_332 = arith.addi %add3A_317, %masked_cumsum3A_331 : vector<16xi32>
      %sub3A_333 = arith.constant 1 : i32
      %sub3A_334 = vector.broadcast %sub3A_333 : i32 to vector<16xi32>
      %sub3A_335 = arith.subi %add3A_332, %sub3A_334 : vector<16xi32>
      %lt3A_336 = arith.constant 1024 : i32
      %lt3A_337 = vector.broadcast %lt3A_336 : i32 to vector<16xi32>
      %lt3A_338 = arith.cmpi slt, %sub3A_335, %lt3A_337 : vector<16xi32>
      %and3A_339 = arith.andi %and3A_323, %lt3A_338 : vector<16xi1>
      tpu.vector_store_idx %arg8[%sub3A_335], %add3A_320 masked %and3A_339 : memref<1024xi32, #tpu.memory_space<vmem>>[vector<16xi32>], vector<16xi32>, vector<16xi1>
      %lt3A_340 = arith.constant 0 : i32
      %lt3A_341 = vector.broadcast %lt3A_340 : i32 to vector<16xi32>
      %lt3A_342 = arith.cmpi slt, %broadcast_in_dim3A_3, %lt3A_341 : vector<16xi32>
      %add3A_343 = arith.constant 16 : i32
      %add3A_344 = vector.broadcast %add3A_343 : i32 to vector<16xi32>
      %add3A_345 = arith.addi %broadcast_in_dim3A_3, %add3A_344 : vector<16xi32>
      %select_n3A_346 = arith.select %lt3A_342, %add3A_345, %broadcast_in_dim3A_3 : vector<16xi1>, vector<16xi32>
      %broadcast_in_dim3A_347 = vector.shape_cast %select_n3A_346 : vector<16xi32> to vector<16x1xi32>
      %gather3A_348 = vector.shape_cast %broadcast_in_dim3A_347 : vector<16x1xi32> to vector<16xi32>
      %gather3A_349 = tpu.dynamic_gather %masked_cumsum3A_331[%gather3A_348] in [0] : vector<16xi32>, vector<16xi32> -> vector<16xi32>
      %add3A_350 = arith.addi %add3A_317, %gather3A_349 : vector<16xi32>
      %add3A_351 = arith.constant 48 : i32
      %add3A_352 = vector.broadcast %add3A_351 : i32 to vector<16xi32>
      %add3A_353 = arith.addi %add3A_254, %add3A_352 : vector<16xi32>
      %gather3A_354 = tpu.vector_load_idx %arg5[%add3A_353] : memref<100000xf32, #tpu.memory_space<vmem>>[vector<16xi32>], vector<16xf32>,
      %ge3A_355 = arith.cmpf oge, %gather3A_354, %broadcast_in_dim3A_18 : vector<16xf32>
      %and3A_356 = arith.andi %ge3A_355, %lt3A_239 : vector<16xi1>
      %jit3A_357 = arith.constant 1 : i32
      %jit3A_358 = arith.constant 0 : i32
      %broadcast_in_dim3A_359 = vector.broadcast %jit3A_357 : i32 to vector<16xi32>
      %broadcast_in_dim3A_360 = vector.broadcast %jit3A_358 : i32 to vector<16xi32>
      %select_n3A_361 = arith.select %and3A_356, %broadcast_in_dim3A_359, %broadcast_in_dim3A_360 : vector<16xi1>, vector<16xi32>
      %broadcast_in_dim3A_362 = arith.constant true
      %broadcast_in_dim3A_363 = vector.broadcast %broadcast_in_dim3A_362 : i1 to vector<16xi1>
      %masked_cumsum3A_364 = tpu.scan <sum>, %select_n3A_361 masked %broadcast_in_dim3A_363 : vector<16xi32>, vector<16xi1> -> vector<16xi32>
      %add3A_365 = arith.addi %add3A_350, %masked_cumsum3A_364 : vector<16xi32>
      %sub3A_366 = arith.constant 1 : i32
      %sub3A_367 = vector.broadcast %sub3A_366 : i32 to vector<16xi32>
      %sub3A_368 = arith.subi %add3A_365, %sub3A_367 : vector<16xi32>
      %lt3A_369 = arith.constant 1024 : i32
      %lt3A_370 = vector.broadcast %lt3A_369 : i32 to vector<16xi32>
      %lt3A_371 = arith.cmpi slt, %sub3A_368, %lt3A_370 : vector<16xi32>
      %and3A_372 = arith.andi %and3A_356, %lt3A_371 : vector<16xi1>
      tpu.vector_store_idx %arg8[%sub3A_368], %add3A_353 masked %and3A_372 : memref<1024xi32, #tpu.memory_space<vmem>>[vector<16xi32>], vector<16xi32>, vector<16xi1>
      %lt3A_373 = arith.constant 0 : i32
      %lt3A_374 = vector.broadcast %lt3A_373 : i32 to vector<16xi32>
      %lt3A_375 = arith.cmpi slt, %broadcast_in_dim3A_3, %lt3A_374 : vector<16xi32>
      %add3A_376 = arith.constant 16 : i32
      %add3A_377 = vector.broadcast %add3A_376 : i32 to vector<16xi32>
      %add3A_378 = arith.addi %broadcast_in_dim3A_3, %add3A_377 : vector<16xi32>
      %select_n3A_379 = arith.select %lt3A_375, %add3A_378, %broadcast_in_dim3A_3 : vector<16xi1>, vector<16xi32>
      %broadcast_in_dim3A_380 = vector.shape_cast %select_n3A_379 : vector<16xi32> to vector<16x1xi32>
      %gather3A_381 = vector.shape_cast %broadcast_in_dim3A_380 : vector<16x1xi32> to vector<16xi32>
      %gather3A_382 = tpu.dynamic_gather %masked_cumsum3A_364[%gather3A_381] in [0] : vector<16xi32>, vector<16xi32> -> vector<16xi32>
      %add3A_383 = arith.addi %add3A_350, %gather3A_382 : vector<16xi32>
      %add3A_384 = arith.constant 64 : i32
      %add3A_385 = vector.broadcast %add3A_384 : i32 to vector<16xi32>
      %add3A_386 = arith.addi %add3A_254, %add3A_385 : vector<16xi32>
      %gather3A_387 = tpu.vector_load_idx %arg5[%add3A_386] : memref<100000xf32, #tpu.memory_space<vmem>>[vector<16xi32>], vector<16xf32>,
      %ge3A_388 = arith.cmpf oge, %gather3A_387, %broadcast_in_dim3A_18 : vector<16xf32>
      %and3A_389 = arith.andi %ge3A_388, %lt3A_239 : vector<16xi1>
      %jit3A_390 = arith.constant 1 : i32
      %jit3A_391 = arith.constant 0 : i32
      %broadcast_in_dim3A_392 = vector.broadcast %jit3A_390 : i32 to vector<16xi32>
      %broadcast_in_dim3A_393 = vector.broadcast %jit3A_391 : i32 to vector<16xi32>
      %select_n3A_394 = arith.select %and3A_389, %broadcast_in_dim3A_392, %broadcast_in_dim3A_393 : vector<16xi1>, vector<16xi32>
      %broadcast_in_dim3A_395 = arith.constant true
      %broadcast_in_dim3A_396 = vector.broadcast %broadcast_in_dim3A_395 : i1 to vector<16xi1>
      %masked_cumsum3A_397 = tpu.scan <sum>, %select_n3A_394 masked %broadcast_in_dim3A_396 : vector<16xi32>, vector<16xi1> -> vector<16xi32>
      %add3A_398 = arith.addi %add3A_383, %masked_cumsum3A_397 : vector<16xi32>
      %sub3A_399 = arith.constant 1 : i32
      %sub3A_400 = vector.broadcast %sub3A_399 : i32 to vector<16xi32>
      %sub3A_401 = arith.subi %add3A_398, %sub3A_400 : vector<16xi32>
      %lt3A_402 = arith.constant 1024 : i32
      %lt3A_403 = vector.broadcast %lt3A_402 : i32 to vector<16xi32>
      %lt3A_404 = arith.cmpi slt, %sub3A_401, %lt3A_403 : vector<16xi32>
      %and3A_405 = arith.andi %and3A_389, %lt3A_404 : vector<16xi1>
      tpu.vector_store_idx %arg8[%sub3A_401], %add3A_386 masked %and3A_405 : memref<1024xi32, #tpu.memory_space<vmem>>[vector<16xi32>], vector<16xi32>, vector<16xi1>
      %lt3A_406 = arith.constant 0 : i32
      %lt3A_407 = vector.broadcast %lt3A_406 : i32 to vector<16xi32>
      %lt3A_408 = arith.cmpi slt, %broadcast_in_dim3A_3, %lt3A_407 : vector<16xi32>
      %add3A_409 = arith.constant 16 : i32
      %add3A_410 = vector.broadcast %add3A_409 : i32 to vector<16xi32>
      %add3A_411 = arith.addi %broadcast_in_dim3A_3, %add3A_410 : vector<16xi32>
      %select_n3A_412 = arith.select %lt3A_408, %add3A_411, %broadcast_in_dim3A_3 : vector<16xi1>, vector<16xi32>
      %broadcast_in_dim3A_413 = vector.shape_cast %select_n3A_412 : vector<16xi32> to vector<16x1xi32>
      %gather3A_414 = vector.shape_cast %broadcast_in_dim3A_413 : vector<16x1xi32> to vector<16xi32>
      %gather3A_415 = tpu.dynamic_gather %masked_cumsum3A_397[%gather3A_414] in [0] : vector<16xi32>, vector<16xi32> -> vector<16xi32>
      %add3A_416 = arith.addi %add3A_383, %gather3A_415 : vector<16xi32>
      %add3A_417 = arith.constant 80 : i32
      %add3A_418 = vector.broadcast %add3A_417 : i32 to vector<16xi32>
      %add3A_419 = arith.addi %add3A_254, %add3A_418 : vector<16xi32>
      %gather3A_420 = tpu.vector_load_idx %arg5[%add3A_419] : memref<100000xf32, #tpu.memory_space<vmem>>[vector<16xi32>], vector<16xf32>,
      %ge3A_421 = arith.cmpf oge, %gather3A_420, %broadcast_in_dim3A_18 : vector<16xf32>
      %and3A_422 = arith.andi %ge3A_421, %lt3A_239 : vector<16xi1>
      %jit3A_423 = arith.constant 1 : i32
      %jit3A_424 = arith.constant 0 : i32
      %broadcast_in_dim3A_425 = vector.broadcast %jit3A_423 : i32 to vector<16xi32>
      %broadcast_in_dim3A_426 = vector.broadcast %jit3A_424 : i32 to vector<16xi32>
      %select_n3A_427 = arith.select %and3A_422, %broadcast_in_dim3A_425, %broadcast_in_dim3A_426 : vector<16xi1>, vector<16xi32>
      %broadcast_in_dim3A_428 = arith.constant true
      %broadcast_in_dim3A_429 = vector.broadcast %broadcast_in_dim3A_428 : i1 to vector<16xi1>
      %masked_cumsum3A_430 = tpu.scan <sum>, %select_n3A_427 masked %broadcast_in_dim3A_429 : vector<16xi32>, vector<16xi1> -> vector<16xi32>
      %add3A_431 = arith.addi %add3A_416, %masked_cumsum3A_430 : vector<16xi32>
      %sub3A_432 = arith.constant 1 : i32
      %sub3A_433 = vector.broadcast %sub3A_432 : i32 to vector<16xi32>
      %sub3A_434 = arith.subi %add3A_431, %sub3A_433 : vector<16xi32>
      %lt3A_435 = arith.constant 1024 : i32
      %lt3A_436 = vector.broadcast %lt3A_435 : i32 to vector<16xi32>
      %lt3A_437 = arith.cmpi slt, %sub3A_434, %lt3A_436 : vector<16xi32>
      %and3A_438 = arith.andi %and3A_422, %lt3A_437 : vector<16xi1>
      tpu.vector_store_idx %arg8[%sub3A_434], %add3A_419 masked %and3A_438 : memref<1024xi32, #tpu.memory_space<vmem>>[vector<16xi32>], vector<16xi32>, vector<16xi1>
      %lt3A_439 = arith.constant 0 : i32
      %lt3A_440 = vector.broadcast %lt3A_439 : i32 to vector<16xi32>
      %lt3A_441 = arith.cmpi slt, %broadcast_in_dim3A_3, %lt3A_440 : vector<16xi32>
      %add3A_442 = arith.constant 16 : i32
      %add3A_443 = vector.broadcast %add3A_442 : i32 to vector<16xi32>
      %add3A_444 = arith.addi %broadcast_in_dim3A_3, %add3A_443 : vector<16xi32>
      %select_n3A_445 = arith.select %lt3A_441, %add3A_444, %broadcast_in_dim3A_3 : vector<16xi1>, vector<16xi32>
      %broadcast_in_dim3A_446 = vector.shape_cast %select_n3A_445 : vector<16xi32> to vector<16x1xi32>
      %gather3A_447 = vector.shape_cast %broadcast_in_dim3A_446 : vector<16x1xi32> to vector<16xi32>
      %gather3A_448 = tpu.dynamic_gather %masked_cumsum3A_430[%gather3A_447] in [0] : vector<16xi32>, vector<16xi32> -> vector<16xi32>
      %add3A_449 = arith.addi %add3A_416, %gather3A_448 : vector<16xi32>
      %add3A_450 = arith.constant 96 : i32
      %add3A_451 = vector.broadcast %add3A_450 : i32 to vector<16xi32>
      %add3A_452 = arith.addi %add3A_254, %add3A_451 : vector<16xi32>
      %gather3A_453 = tpu.vector_load_idx %arg5[%add3A_452] : memref<100000xf32, #tpu.memory_space<vmem>>[vector<16xi32>], vector<16xf32>,
      %ge3A_454 = arith.cmpf oge, %gather3A_453, %broadcast_in_dim3A_18 : vector<16xf32>
      %and3A_455 = arith.andi %ge3A_454, %lt3A_239 : vector<16xi1>
      %jit3A_456 = arith.constant 1 : i32
      %jit3A_457 = arith.constant 0 : i32
      %broadcast_in_dim3A_458 = vector.broadcast %jit3A_456 : i32 to vector<16xi32>
      %broadcast_in_dim3A_459 = vector.broadcast %jit3A_457 : i32 to vector<16xi32>
      %select_n3A_460 = arith.select %and3A_455, %broadcast_in_dim3A_458, %broadcast_in_dim3A_459 : vector<16xi1>, vector<16xi32>
      %broadcast_in_dim3A_461 = arith.constant true
      %broadcast_in_dim3A_462 = vector.broadcast %broadcast_in_dim3A_461 : i1 to vector<16xi1>
      %masked_cumsum3A_463 = tpu.scan <sum>, %select_n3A_460 masked %broadcast_in_dim3A_462 : vector<16xi32>, vector<16xi1> -> vector<16xi32>
      %add3A_464 = arith.addi %add3A_449, %masked_cumsum3A_463 : vector<16xi32>
      %sub3A_465 = arith.constant 1 : i32
      %sub3A_466 = vector.broadcast %sub3A_465 : i32 to vector<16xi32>
      %sub3A_467 = arith.subi %add3A_464, %sub3A_466 : vector<16xi32>
      %lt3A_468 = arith.constant 1024 : i32
      %lt3A_469 = vector.broadcast %lt3A_468 : i32 to vector<16xi32>
      %lt3A_470 = arith.cmpi slt, %sub3A_467, %lt3A_469 : vector<16xi32>
      %and3A_471 = arith.andi %and3A_455, %lt3A_470 : vector<16xi1>
      tpu.vector_store_idx %arg8[%sub3A_467], %add3A_452 masked %and3A_471 : memref<1024xi32, #tpu.memory_space<vmem>>[vector<16xi32>], vector<16xi32>, vector<16xi1>
      %lt3A_472 = arith.constant 0 : i32
      %lt3A_473 = vector.broadcast %lt3A_472 : i32 to vector<16xi32>
      %lt3A_474 = arith.cmpi slt, %broadcast_in_dim3A_3, %lt3A_473 : vector<16xi32>
      %add3A_475 = arith.constant 16 : i32
      %add3A_476 = vector.broadcast %add3A_475 : i32 to vector<16xi32>
      %add3A_477 = arith.addi %broadcast_in_dim3A_3, %add3A_476 : vector<16xi32>
      %select_n3A_478 = arith.select %lt3A_474, %add3A_477, %broadcast_in_dim3A_3 : vector<16xi1>, vector<16xi32>
      %broadcast_in_dim3A_479 = vector.shape_cast %select_n3A_478 : vector<16xi32> to vector<16x1xi32>
      %gather3A_480 = vector.shape_cast %broadcast_in_dim3A_479 : vector<16x1xi32> to vector<16xi32>
      %gather3A_481 = tpu.dynamic_gather %masked_cumsum3A_463[%gather3A_480] in [0] : vector<16xi32>, vector<16xi32> -> vector<16xi32>
      %add3A_482 = arith.addi %add3A_449, %gather3A_481 : vector<16xi32>
      %add3A_483 = arith.constant 112 : i32
      %add3A_484 = vector.broadcast %add3A_483 : i32 to vector<16xi32>
      %add3A_485 = arith.addi %add3A_254, %add3A_484 : vector<16xi32>
      %gather3A_486 = tpu.vector_load_idx %arg5[%add3A_485] : memref<100000xf32, #tpu.memory_space<vmem>>[vector<16xi32>], vector<16xf32>,
      %ge3A_487 = arith.cmpf oge, %gather3A_486, %broadcast_in_dim3A_18 : vector<16xf32>
      %and3A_488 = arith.andi %ge3A_487, %lt3A_239 : vector<16xi1>
      %jit3A_489 = arith.constant 1 : i32
      %jit3A_490 = arith.constant 0 : i32
      %broadcast_in_dim3A_491 = vector.broadcast %jit3A_489 : i32 to vector<16xi32>
      %broadcast_in_dim3A_492 = vector.broadcast %jit3A_490 : i32 to vector<16xi32>
      %select_n3A_493 = arith.select %and3A_488, %broadcast_in_dim3A_491, %broadcast_in_dim3A_492 : vector<16xi1>, vector<16xi32>
      %broadcast_in_dim3A_494 = arith.constant true
      %broadcast_in_dim3A_495 = vector.broadcast %broadcast_in_dim3A_494 : i1 to vector<16xi1>
      %masked_cumsum3A_496 = tpu.scan <sum>, %select_n3A_493 masked %broadcast_in_dim3A_495 : vector<16xi32>, vector<16xi1> -> vector<16xi32>
      %add3A_497 = arith.addi %add3A_482, %masked_cumsum3A_496 : vector<16xi32>
      %sub3A_498 = arith.constant 1 : i32
      %sub3A_499 = vector.broadcast %sub3A_498 : i32 to vector<16xi32>
      %sub3A_500 = arith.subi %add3A_497, %sub3A_499 : vector<16xi32>
      %lt3A_501 = arith.constant 1024 : i32
      %lt3A_502 = vector.broadcast %lt3A_501 : i32 to vector<16xi32>
      %lt3A_503 = arith.cmpi slt, %sub3A_500, %lt3A_502 : vector<16xi32>
      %and3A_504 = arith.andi %and3A_488, %lt3A_503 : vector<16xi1>
      tpu.vector_store_idx %arg8[%sub3A_500], %add3A_485 masked %and3A_504 : memref<1024xi32, #tpu.memory_space<vmem>>[vector<16xi32>], vector<16xi32>, vector<16xi1>
      %lt3A_505 = arith.constant 0 : i32
      %lt3A_506 = vector.broadcast %lt3A_505 : i32 to vector<16xi32>
      %lt3A_507 = arith.cmpi slt, %broadcast_in_dim3A_3, %lt3A_506 : vector<16xi32>
      %add3A_508 = arith.constant 16 : i32
      %add3A_509 = vector.broadcast %add3A_508 : i32 to vector<16xi32>
      %add3A_510 = arith.addi %broadcast_in_dim3A_3, %add3A_509 : vector<16xi32>
      %select_n3A_511 = arith.select %lt3A_507, %add3A_510, %broadcast_in_dim3A_3 : vector<16xi1>, vector<16xi32>
      %broadcast_in_dim3A_512 = vector.shape_cast %select_n3A_511 : vector<16xi32> to vector<16x1xi32>
      %gather3A_513 = vector.shape_cast %broadcast_in_dim3A_512 : vector<16x1xi32> to vector<16xi32>
      %gather3A_514 = tpu.dynamic_gather %masked_cumsum3A_496[%gather3A_513] in [0] : vector<16xi32>, vector<16xi32> -> vector<16xi32>
      %add3A_515 = arith.addi %add3A_482, %gather3A_514 : vector<16xi32>
      %add3A_516 = arith.constant 128 : i32
      %add3A_517 = vector.broadcast %add3A_516 : i32 to vector<16xi32>
      %add3A_518 = arith.addi %add3A_254, %add3A_517 : vector<16xi32>
      %gather3A_519 = tpu.vector_load_idx %arg5[%add3A_518] : memref<100000xf32, #tpu.memory_space<vmem>>[vector<16xi32>], vector<16xf32>,
      %ge3A_520 = arith.cmpf oge, %gather3A_519, %broadcast_in_dim3A_18 : vector<16xf32>
      %and3A_521 = arith.andi %ge3A_520, %lt3A_239 : vector<16xi1>
      %jit3A_522 = arith.constant 1 : i32
      %jit3A_523 = arith.constant 0 : i32
      %broadcast_in_dim3A_524 = vector.broadcast %jit3A_522 : i32 to vector<16xi32>
      %broadcast_in_dim3A_525 = vector.broadcast %jit3A_523 : i32 to vector<16xi32>
      %select_n3A_526 = arith.select %and3A_521, %broadcast_in_dim3A_524, %broadcast_in_dim3A_525 : vector<16xi1>, vector<16xi32>
      %broadcast_in_dim3A_527 = arith.constant true
      %broadcast_in_dim3A_528 = vector.broadcast %broadcast_in_dim3A_527 : i1 to vector<16xi1>
      %masked_cumsum3A_529 = tpu.scan <sum>, %select_n3A_526 masked %broadcast_in_dim3A_528 : vector<16xi32>, vector<16xi1> -> vector<16xi32>
      %add3A_530 = arith.addi %add3A_515, %masked_cumsum3A_529 : vector<16xi32>
      %sub3A_531 = arith.constant 1 : i32
      %sub3A_532 = vector.broadcast %sub3A_531 : i32 to vector<16xi32>
      %sub3A_533 = arith.subi %add3A_530, %sub3A_532 : vector<16xi32>
      %lt3A_534 = arith.constant 1024 : i32
      %lt3A_535 = vector.broadcast %lt3A_534 : i32 to vector<16xi32>
      %lt3A_536 = arith.cmpi slt, %sub3A_533, %lt3A_535 : vector<16xi32>
      %and3A_537 = arith.andi %and3A_521, %lt3A_536 : vector<16xi1>
      tpu.vector_store_idx %arg8[%sub3A_533], %add3A_518 masked %and3A_537 : memref<1024xi32, #tpu.memory_space<vmem>>[vector<16xi32>], vector<16xi32>, vector<16xi1>
      %lt3A_538 = arith.constant 0 : i32
      %lt3A_539 = vector.broadcast %lt3A_538 : i32 to vector<16xi32>
      %lt3A_540 = arith.cmpi slt, %broadcast_in_dim3A_3, %lt3A_539 : vector<16xi32>
      %add3A_541 = arith.constant 16 : i32
      %add3A_542 = vector.broadcast %add3A_541 : i32 to vector<16xi32>
      %add3A_543 = arith.addi %broadcast_in_dim3A_3, %add3A_542 : vector<16xi32>
      %select_n3A_544 = arith.select %lt3A_540, %add3A_543, %broadcast_in_dim3A_3 : vector<16xi1>, vector<16xi32>
      %broadcast_in_dim3A_545 = vector.shape_cast %select_n3A_544 : vector<16xi32> to vector<16x1xi32>
      %gather3A_546 = vector.shape_cast %broadcast_in_dim3A_545 : vector<16x1xi32> to vector<16xi32>
      %gather3A_547 = tpu.dynamic_gather %masked_cumsum3A_529[%gather3A_546] in [0] : vector<16xi32>, vector<16xi32> -> vector<16xi32>
      %add3A_548 = arith.addi %add3A_515, %gather3A_547 : vector<16xi32>
      %add3A_549 = arith.constant 144 : i32
      %add3A_550 = vector.broadcast %add3A_549 : i32 to vector<16xi32>
      %add3A_551 = arith.addi %add3A_254, %add3A_550 : vector<16xi32>
      %gather3A_552 = tpu.vector_load_idx %arg5[%add3A_551] : memref<100000xf32, #tpu.memory_space<vmem>>[vector<16xi32>], vector<16xf32>,
      %ge3A_553 = arith.cmpf oge, %gather3A_552, %broadcast_in_dim3A_18 : vector<16xf32>
      %and3A_554 = arith.andi %ge3A_553, %lt3A_239 : vector<16xi1>
      %jit3A_555 = arith.constant 1 : i32
      %jit3A_556 = arith.constant 0 : i32
      %broadcast_in_dim3A_557 = vector.broadcast %jit3A_555 : i32 to vector<16xi32>
      %broadcast_in_dim3A_558 = vector.broadcast %jit3A_556 : i32 to vector<16xi32>
      %select_n3A_559 = arith.select %and3A_554, %broadcast_in_dim3A_557, %broadcast_in_dim3A_558 : vector<16xi1>, vector<16xi32>
      %broadcast_in_dim3A_560 = arith.constant true
      %broadcast_in_dim3A_561 = vector.broadcast %broadcast_in_dim3A_560 : i1 to vector<16xi1>
      %masked_cumsum3A_562 = tpu.scan <sum>, %select_n3A_559 masked %broadcast_in_dim3A_561 : vector<16xi32>, vector<16xi1> -> vector<16xi32>
      %add3A_563 = arith.addi %add3A_548, %masked_cumsum3A_562 : vector<16xi32>
      %sub3A_564 = arith.constant 1 : i32
      %sub3A_565 = vector.broadcast %sub3A_564 : i32 to vector<16xi32>
      %sub3A_566 = arith.subi %add3A_563, %sub3A_565 : vector<16xi32>
      %lt3A_567 = arith.constant 1024 : i32
      %lt3A_568 = vector.broadcast %lt3A_567 : i32 to vector<16xi32>
      %lt3A_569 = arith.cmpi slt, %sub3A_566, %lt3A_568 : vector<16xi32>
      %and3A_570 = arith.andi %and3A_554, %lt3A_569 : vector<16xi1>
      tpu.vector_store_idx %arg8[%sub3A_566], %add3A_551 masked %and3A_570 : memref<1024xi32, #tpu.memory_space<vmem>>[vector<16xi32>], vector<16xi32>, vector<16xi1>
      %lt3A_571 = arith.constant 0 : i32
      %lt3A_572 = vector.broadcast %lt3A_571 : i32 to vector<16xi32>
      %lt3A_573 = arith.cmpi slt, %broadcast_in_dim3A_3, %lt3A_572 : vector<16xi32>
      %add3A_574 = arith.constant 16 : i32
      %add3A_575 = vector.broadcast %add3A_574 : i32 to vector<16xi32>
      %add3A_576 = arith.addi %broadcast_in_dim3A_3, %add3A_575 : vector<16xi32>
      %select_n3A_577 = arith.select %lt3A_573, %add3A_576, %broadcast_in_dim3A_3 : vector<16xi1>, vector<16xi32>
      %broadcast_in_dim3A_578 = vector.shape_cast %select_n3A_577 : vector<16xi32> to vector<16x1xi32>
      %gather3A_579 = vector.shape_cast %broadcast_in_dim3A_578 : vector<16x1xi32> to vector<16xi32>
      %gather3A_580 = tpu.dynamic_gather %masked_cumsum3A_562[%gather3A_579] in [0] : vector<16xi32>, vector<16xi32> -> vector<16xi32>
      %add3A_581 = arith.addi %add3A_548, %gather3A_580 : vector<16xi32>
      scf.yield %add3A_581 : vector<16xi32>
    }
    %while3A_54 = arith.constant 1 : i32
    %while3A_55 = scf.for %while3A_233 = %while3A_51 to %while3A_47 step %while3A_54 iter_args(%while3A_234 = %while3A_53) -> (vector<16xi32>)  : i32 {
      %mul3A_235 = arith.constant 16 : i32
      %mul3A_236 = arith.muli %while3A_233, %mul3A_235 : i32
      %add3A_237 = vector.broadcast %mul3A_236 : i32 to vector<16xi32>
      %add3A_238 = arith.addi %add3A_237, %iota3A : vector<16xi32>
      %lt3A = vector.broadcast %min3A_25 : i32 to vector<16xi32>
      %lt3A_239 = arith.cmpi slt, %add3A_238, %lt3A : vector<16xi32>
      %mul3A_240 = arith.constant 16 : i32
      %mul3A_241 = arith.muli %while3A_233, %mul3A_240 : i32
      %get3A = arith.index_cast %mul3A_241 : i32 to index
      %get3A_242 = tpu.vector_load %arg7[%get3A] {strides = array<i32>} : memref<1024xi32, #tpu.memory_space<vmem>>, vector<16xi32>,
      %jit3A_243 = arith.constant 0 : i32
      %broadcast_in_dim3A_244 = vector.broadcast %jit3A_243 : i32 to vector<16xi32>
      %select_n3A_245 = arith.select %lt3A_239, %get3A_242, %broadcast_in_dim3A_244 : vector<16xi1>, vector<16xi32>
      %shift_right_arithmetic3A = arith.constant 4 : i32
      %shift_right_arithmetic3A_246 = vector.broadcast %shift_right_arithmetic3A : i32 to vector<16xi32>
      %shift_right_arithmetic3A_247 = arith.shrsi %select_n3A_245, %shift_right_arithmetic3A_246 : vector<16xi32>
      %and3A_248 = arith.constant 15 : i32
      %and3A_249 = vector.broadcast %and3A_248 : i32 to vector<16xi32>
      %and3A_250 = arith.andi %select_n3A_245, %and3A_249 : vector<16xi32>
      %mul3A_251 = arith.constant 160 : i32
      %mul3A_252 = vector.broadcast %mul3A_251 : i32 to vector<16xi32>
      %mul3A_253 = arith.muli %shift_right_arithmetic3A_247, %mul3A_252 : vector<16xi32>
      %add3A_254 = arith.addi %mul3A_253, %and3A_250 : vector<16xi32>
      %add3A_255 = arith.constant 0 : i32
      %add3A_256 = vector.broadcast %add3A_255 : i32 to vector<16xi32>
      %add3A_257 = arith.addi %add3A_254, %add3A_256 : vector<16xi32>
      %gather3A = tpu.vector_load_idx %arg5[%add3A_257] : memref<100000xf32, #tpu.memory_space<vmem>>[vector<16xi32>], vector<16xf32>,
      %ge3A = arith.cmpf oge, %gather3A, %broadcast_in_dim3A_18 : vector<16xf32>
      %and3A_258 = arith.andi %ge3A, %lt3A_239 : vector<16xi1>
      %jit3A_259 = arith.constant 1 : i32
      %jit3A_260 = arith.constant 0 : i32
      %broadcast_in_dim3A_261 = vector.broadcast %jit3A_259 : i32 to vector<16xi32>
      %broadcast_in_dim3A_262 = vector.broadcast %jit3A_260 : i32 to vector<16xi32>
      %select_n3A_263 = arith.select %and3A_258, %broadcast_in_dim3A_261, %broadcast_in_dim3A_262 : vector<16xi1>, vector<16xi32>
      %broadcast_in_dim3A_264 = arith.constant true
      %broadcast_in_dim3A_265 = vector.broadcast %broadcast_in_dim3A_264 : i1 to vector<16xi1>
      %masked_cumsum3A = tpu.scan <sum>, %select_n3A_263 masked %broadcast_in_dim3A_265 : vector<16xi32>, vector<16xi1> -> vector<16xi32>
      %add3A_266 = arith.addi %while3A_234, %masked_cumsum3A : vector<16xi32>
      %sub3A_267 = arith.constant 1 : i32
      %sub3A_268 = vector.broadcast %sub3A_267 : i32 to vector<16xi32>
      %sub3A_269 = arith.subi %add3A_266, %sub3A_268 : vector<16xi32>
      %lt3A_270 = arith.constant 1024 : i32
      %lt3A_271 = vector.broadcast %lt3A_270 : i32 to vector<16xi32>
      %lt3A_272 = arith.cmpi slt, %sub3A_269, %lt3A_271 : vector<16xi32>
      %and3A_273 = arith.andi %and3A_258, %lt3A_272 : vector<16xi1>
      tpu.vector_store_idx %arg8[%sub3A_269], %add3A_257 masked %and3A_273 : memref<1024xi32, #tpu.memory_space<vmem>>[vector<16xi32>], vector<16xi32>, vector<16xi1>
      %lt3A_274 = arith.constant 0 : i32
      %lt3A_275 = vector.broadcast %lt3A_274 : i32 to vector<16xi32>
      %lt3A_276 = arith.cmpi slt, %broadcast_in_dim3A_3, %lt3A_275 : vector<16xi32>
      %add3A_277 = arith.constant 16 : i32
      %add3A_278 = vector.broadcast %add3A_277 : i32 to vector<16xi32>
      %add3A_279 = arith.addi %broadcast_in_dim3A_3, %add3A_278 : vector<16xi32>
      %select_n3A_280 = arith.select %lt3A_276, %add3A_279, %broadcast_in_dim3A_3 : vector<16xi1>, vector<16xi32>
      %broadcast_in_dim3A_281 = vector.shape_cast %select_n3A_280 : vector<16xi32> to vector<16x1xi32>
      %gather3A_282 = vector.shape_cast %broadcast_in_dim3A_281 : vector<16x1xi32> to vector<16xi32>
      %gather3A_283 = tpu.dynamic_gather %masked_cumsum3A[%gather3A_282] in [0] : vector<16xi32>, vector<16xi32> -> vector<16xi32>
      %add3A_284 = arith.addi %while3A_234, %gather3A_283 : vector<16xi32>
      %add3A_285 = arith.constant 16 : i32
      %add3A_286 = vector.broadcast %add3A_285 : i32 to vector<16xi32>
      %add3A_287 = arith.addi %add3A_254, %add3A_286 : vector<16xi32>
      %gather3A_288 = tpu.vector_load_idx %arg5[%add3A_287] : memref<100000xf32, #tpu.memory_space<vmem>>[vector<16xi32>], vector<16xf32>,
      %ge3A_289 = arith.cmpf oge, %gather3A_288, %broadcast_in_dim3A_18 : vector<16xf32>
      %and3A_290 = arith.andi %ge3A_289, %lt3A_239 : vector<16xi1>
      %jit3A_291 = arith.constant 1 : i32
      %jit3A_292 = arith.constant 0 : i32
      %broadcast_in_dim3A_293 = vector.broadcast %jit3A_291 : i32 to vector<16xi32>
      %broadcast_in_dim3A_294 = vector.broadcast %jit3A_292 : i32 to vector<16xi32>
      %select_n3A_295 = arith.select %and3A_290, %broadcast_in_dim3A_293, %broadcast_in_dim3A_294 : vector<16xi1>, vector<16xi32>
      %broadcast_in_dim3A_296 = arith.constant true
      %broadcast_in_dim3A_297 = vector.broadcast %broadcast_in_dim3A_296 : i1 to vector<16xi1>
      %masked_cumsum3A_298 = tpu.scan <sum>, %select_n3A_295 masked %broadcast_in_dim3A_297 : vector<16xi32>, vector<16xi1> -> vector<16xi32>
      %add3A_299 = arith.addi %add3A_284, %masked_cumsum3A_298 : vector<16xi32>
      %sub3A_300 = arith.constant 1 : i32
      %sub3A_301 = vector.broadcast %sub3A_300 : i32 to vector<16xi32>
      %sub3A_302 = arith.subi %add3A_299, %sub3A_301 : vector<16xi32>
      %lt3A_303 = arith.constant 1024 : i32
      %lt3A_304 = vector.broadcast %lt3A_303 : i32 to vector<16xi32>
      %lt3A_305 = arith.cmpi slt, %sub3A_302, %lt3A_304 : vector<16xi32>
      %and3A_306 = arith.andi %and3A_290, %lt3A_305 : vector<16xi1>
      tpu.vector_store_idx %arg8[%sub3A_302], %add3A_287 masked %and3A_306 : memref<1024xi32, #tpu.memory_space<vmem>>[vector<16xi32>], vector<16xi32>, vector<16xi1>
      %lt3A_307 = arith.constant 0 : i32
      %lt3A_308 = vector.broadcast %lt3A_307 : i32 to vector<16xi32>
      %lt3A_309 = arith.cmpi slt, %broadcast_in_dim3A_3, %lt3A_308 : vector<16xi32>
      %add3A_310 = arith.constant 16 : i32
      %add3A_311 = vector.broadcast %add3A_310 : i32 to vector<16xi32>
      %add3A_312 = arith.addi %broadcast_in_dim3A_3, %add3A_311 : vector<16xi32>
      %select_n3A_313 = arith.select %lt3A_309, %add3A_312, %broadcast_in_dim3A_3 : vector<16xi1>, vector<16xi32>
      %broadcast_in_dim3A_314 = vector.shape_cast %select_n3A_313 : vector<16xi32> to vector<16x1xi32>
      %gather3A_315 = vector.shape_cast %broadcast_in_dim3A_314 : vector<16x1xi32> to vector<16xi32>
      %gather3A_316 = tpu.dynamic_gather %masked_cumsum3A_298[%gather3A_315] in [0] : vector<16xi32>, vector<16xi32> -> vector<16xi32>
      %add3A_317 = arith.addi %add3A_284, %gather3A_316 : vector<16xi32>
      %add3A_318 = arith.constant 32 : i32
      %add3A_319 = vector.broadcast %add3A_318 : i32 to vector<16xi32>
      %add3A_320 = arith.addi %add3A_254, %add3A_319 : vector<16xi32>
      %gather3A_321 = tpu.vector_load_idx %arg5[%add3A_320] : memref<100000xf32, #tpu.memory_space<vmem>>[vector<16xi32>], vector<16xf32>,
      %ge3A_322 = arith.cmpf oge, %gather3A_321, %broadcast_in_dim3A_18 : vector<16xf32>
      %and3A_323 = arith.andi %ge3A_322, %lt3A_239 : vector<16xi1>
      %jit3A_324 = arith.constant 1 : i32
      %jit3A_325 = arith.constant 0 : i32
      %broadcast_in_dim3A_326 = vector.broadcast %jit3A_324 : i32 to vector<16xi32>
      %broadcast_in_dim3A_327 = vector.broadcast %jit3A_325 : i32 to vector<16xi32>
      %select_n3A_328 = arith.select %and3A_323, %broadcast_in_dim3A_326, %broadcast_in_dim3A_327 : vector<16xi1>, vector<16xi32>
      %broadcast_in_dim3A_329 = arith.constant true
      %broadcast_in_dim3A_330 = vector.broadcast %broadcast_in_dim3A_329 : i1 to vector<16xi1>
      %masked_cumsum3A_331 = tpu.scan <sum>, %select_n3A_328 masked %broadcast_in_dim3A_330 : vector<16xi32>, vector<16xi1> -> vector<16xi32>
      %add3A_332 = arith.addi %add3A_317, %masked_cumsum3A_331 : vector<16xi32>
      %sub3A_333 = arith.constant 1 : i32
      %sub3A_334 = vector.broadcast %sub3A_333 : i32 to vector<16xi32>
      %sub3A_335 = arith.subi %add3A_332, %sub3A_334 : vector<16xi32>
      %lt3A_336 = arith.constant 1024 : i32
      %lt3A_337 = vector.broadcast %lt3A_336 : i32 to vector<16xi32>
      %lt3A_338 = arith.cmpi slt, %sub3A_335, %lt3A_337 : vector<16xi32>
      %and3A_339 = arith.andi %and3A_323, %lt3A_338 : vector<16xi1>
      tpu.vector_store_idx %arg8[%sub3A_335], %add3A_320 masked %and3A_339 : memref<1024xi32, #tpu.memory_space<vmem>>[vector<16xi32>], vector<16xi32>, vector<16xi1>
      %lt3A_340 = arith.constant 0 : i32
      %lt3A_341 = vector.broadcast %lt3A_340 : i32 to vector<16xi32>
      %lt3A_342 = arith.cmpi slt, %broadcast_in_dim3A_3, %lt3A_341 : vector<16xi32>
      %add3A_343 = arith.constant 16 : i32
      %add3A_344 = vector.broadcast %add3A_343 : i32 to vector<16xi32>
      %add3A_345 = arith.addi %broadcast_in_dim3A_3, %add3A_344 : vector<16xi32>
      %select_n3A_346 = arith.select %lt3A_342, %add3A_345, %broadcast_in_dim3A_3 : vector<16xi1>, vector<16xi32>
      %broadcast_in_dim3A_347 = vector.shape_cast %select_n3A_346 : vector<16xi32> to vector<16x1xi32>
      %gather3A_348 = vector.shape_cast %broadcast_in_dim3A_347 : vector<16x1xi32> to vector<16xi32>
      %gather3A_349 = tpu.dynamic_gather %masked_cumsum3A_331[%gather3A_348] in [0] : vector<16xi32>, vector<16xi32> -> vector<16xi32>
      %add3A_350 = arith.addi %add3A_317, %gather3A_349 : vector<16xi32>
      %add3A_351 = arith.constant 48 : i32
      %add3A_352 = vector.broadcast %add3A_351 : i32 to vector<16xi32>
      %add3A_353 = arith.addi %add3A_254, %add3A_352 : vector<16xi32>
      %gather3A_354 = tpu.vector_load_idx %arg5[%add3A_353] : memref<100000xf32, #tpu.memory_space<vmem>>[vector<16xi32>], vector<16xf32>,
      %ge3A_355 = arith.cmpf oge, %gather3A_354, %broadcast_in_dim3A_18 : vector<16xf32>
      %and3A_356 = arith.andi %ge3A_355, %lt3A_239 : vector<16xi1>
      %jit3A_357 = arith.constant 1 : i32
      %jit3A_358 = arith.constant 0 : i32
      %broadcast_in_dim3A_359 = vector.broadcast %jit3A_357 : i32 to vector<16xi32>
      %broadcast_in_dim3A_360 = vector.broadcast %jit3A_358 : i32 to vector<16xi32>
      %select_n3A_361 = arith.select %and3A_356, %broadcast_in_dim3A_359, %broadcast_in_dim3A_360 : vector<16xi1>, vector<16xi32>
      %broadcast_in_dim3A_362 = arith.constant true
      %broadcast_in_dim3A_363 = vector.broadcast %broadcast_in_dim3A_362 : i1 to vector<16xi1>
      %masked_cumsum3A_364 = tpu.scan <sum>, %select_n3A_361 masked %broadcast_in_dim3A_363 : vector<16xi32>, vector<16xi1> -> vector<16xi32>
      %add3A_365 = arith.addi %add3A_350, %masked_cumsum3A_364 : vector<16xi32>
      %sub3A_366 = arith.constant 1 : i32
      %sub3A_367 = vector.broadcast %sub3A_366 : i32 to vector<16xi32>
      %sub3A_368 = arith.subi %add3A_365, %sub3A_367 : vector<16xi32>
      %lt3A_369 = arith.constant 1024 : i32
      %lt3A_370 = vector.broadcast %lt3A_369 : i32 to vector<16xi32>
      %lt3A_371 = arith.cmpi slt, %sub3A_368, %lt3A_370 : vector<16xi32>
      %and3A_372 = arith.andi %and3A_356, %lt3A_371 : vector<16xi1>
      tpu.vector_store_idx %arg8[%sub3A_368], %add3A_353 masked %and3A_372 : memref<1024xi32, #tpu.memory_space<vmem>>[vector<16xi32>], vector<16xi32>, vector<16xi1>
      %lt3A_373 = arith.constant 0 : i32
      %lt3A_374 = vector.broadcast %lt3A_373 : i32 to vector<16xi32>
      %lt3A_375 = arith.cmpi slt, %broadcast_in_dim3A_3, %lt3A_374 : vector<16xi32>
      %add3A_376 = arith.constant 16 : i32
      %add3A_377 = vector.broadcast %add3A_376 : i32 to vector<16xi32>
      %add3A_378 = arith.addi %broadcast_in_dim3A_3, %add3A_377 : vector<16xi32>
      %select_n3A_379 = arith.select %lt3A_375, %add3A_378, %broadcast_in_dim3A_3 : vector<16xi1>, vector<16xi32>
      %broadcast_in_dim3A_380 = vector.shape_cast %select_n3A_379 : vector<16xi32> to vector<16x1xi32>
      %gather3A_381 = vector.shape_cast %broadcast_in_dim3A_380 : vector<16x1xi32> to vector<16xi32>
      %gather3A_382 = tpu.dynamic_gather %masked_cumsum3A_364[%gather3A_381] in [0] : vector<16xi32>, vector<16xi32> -> vector<16xi32>
      %add3A_383 = arith.addi %add3A_350, %gather3A_382 : vector<16xi32>
      %add3A_384 = arith.constant 64 : i32
      %add3A_385 = vector.broadcast %add3A_384 : i32 to vector<16xi32>
      %add3A_386 = arith.addi %add3A_254, %add3A_385 : vector<16xi32>
      %gather3A_387 = tpu.vector_load_idx %arg5[%add3A_386] : memref<100000xf32, #tpu.memory_space<vmem>>[vector<16xi32>], vector<16xf32>,
      %ge3A_388 = arith.cmpf oge, %gather3A_387, %broadcast_in_dim3A_18 : vector<16xf32>
      %and3A_389 = arith.andi %ge3A_388, %lt3A_239 : vector<16xi1>
      %jit3A_390 = arith.constant 1 : i32
      %jit3A_391 = arith.constant 0 : i32
      %broadcast_in_dim3A_392 = vector.broadcast %jit3A_390 : i32 to vector<16xi32>
      %broadcast_in_dim3A_393 = vector.broadcast %jit3A_391 : i32 to vector<16xi32>
      %select_n3A_394 = arith.select %and3A_389, %broadcast_in_dim3A_392, %broadcast_in_dim3A_393 : vector<16xi1>, vector<16xi32>
      %broadcast_in_dim3A_395 = arith.constant true
      %broadcast_in_dim3A_396 = vector.broadcast %broadcast_in_dim3A_395 : i1 to vector<16xi1>
      %masked_cumsum3A_397 = tpu.scan <sum>, %select_n3A_394 masked %broadcast_in_dim3A_396 : vector<16xi32>, vector<16xi1> -> vector<16xi32>
      %add3A_398 = arith.addi %add3A_383, %masked_cumsum3A_397 : vector<16xi32>
      %sub3A_399 = arith.constant 1 : i32
      %sub3A_400 = vector.broadcast %sub3A_399 : i32 to vector<16xi32>
      %sub3A_401 = arith.subi %add3A_398, %sub3A_400 : vector<16xi32>
      %lt3A_402 = arith.constant 1024 : i32
      %lt3A_403 = vector.broadcast %lt3A_402 : i32 to vector<16xi32>
      %lt3A_404 = arith.cmpi slt, %sub3A_401, %lt3A_403 : vector<16xi32>
      %and3A_405 = arith.andi %and3A_389, %lt3A_404 : vector<16xi1>
      tpu.vector_store_idx %arg8[%sub3A_401], %add3A_386 masked %and3A_405 : memref<1024xi32, #tpu.memory_space<vmem>>[vector<16xi32>], vector<16xi32>, vector<16xi1>
      %lt3A_406 = arith.constant 0 : i32
      %lt3A_407 = vector.broadcast %lt3A_406 : i32 to vector<16xi32>
      %lt3A_408 = arith.cmpi slt, %broadcast_in_dim3A_3, %lt3A_407 : vector<16xi32>
      %add3A_409 = arith.constant 16 : i32
      %add3A_410 = vector.broadcast %add3A_409 : i32 to vector<16xi32>
      %add3A_411 = arith.addi %broadcast_in_dim3A_3, %add3A_410 : vector<16xi32>
      %select_n3A_412 = arith.select %lt3A_408, %add3A_411, %broadcast_in_dim3A_3 : vector<16xi1>, vector<16xi32>
      %broadcast_in_dim3A_413 = vector.shape_cast %select_n3A_412 : vector<16xi32> to vector<16x1xi32>
      %gather3A_414 = vector.shape_cast %broadcast_in_dim3A_413 : vector<16x1xi32> to vector<16xi32>
      %gather3A_415 = tpu.dynamic_gather %masked_cumsum3A_397[%gather3A_414] in [0] : vector<16xi32>, vector<16xi32> -> vector<16xi32>
      %add3A_416 = arith.addi %add3A_383, %gather3A_415 : vector<16xi32>
      %add3A_417 = arith.constant 80 : i32
      %add3A_418 = vector.broadcast %add3A_417 : i32 to vector<16xi32>
      %add3A_419 = arith.addi %add3A_254, %add3A_418 : vector<16xi32>
      %gather3A_420 = tpu.vector_load_idx %arg5[%add3A_419] : memref<100000xf32, #tpu.memory_space<vmem>>[vector<16xi32>], vector<16xf32>,
      %ge3A_421 = arith.cmpf oge, %gather3A_420, %broadcast_in_dim3A_18 : vector<16xf32>
      %and3A_422 = arith.andi %ge3A_421, %lt3A_239 : vector<16xi1>
      %jit3A_423 = arith.constant 1 : i32
      %jit3A_424 = arith.constant 0 : i32
      %broadcast_in_dim3A_425 = vector.broadcast %jit3A_423 : i32 to vector<16xi32>
      %broadcast_in_dim3A_426 = vector.broadcast %jit3A_424 : i32 to vector<16xi32>
      %select_n3A_427 = arith.select %and3A_422, %broadcast_in_dim3A_425, %broadcast_in_dim3A_426 : vector<16xi1>, vector<16xi32>
      %broadcast_in_dim3A_428 = arith.constant true
      %broadcast_in_dim3A_429 = vector.broadcast %broadcast_in_dim3A_428 : i1 to vector<16xi1>
      %masked_cumsum3A_430 = tpu.scan <sum>, %select_n3A_427 masked %broadcast_in_dim3A_429 : vector<16xi32>, vector<16xi1> -> vector<16xi32>
      %add3A_431 = arith.addi %add3A_416, %masked_cumsum3A_430 : vector<16xi32>
      %sub3A_432 = arith.constant 1 : i32
      %sub3A_433 = vector.broadcast %sub3A_432 : i32 to vector<16xi32>
      %sub3A_434 = arith.subi %add3A_431, %sub3A_433 : vector<16xi32>
      %lt3A_435 = arith.constant 1024 : i32
      %lt3A_436 = vector.broadcast %lt3A_435 : i32 to vector<16xi32>
      %lt3A_437 = arith.cmpi slt, %sub3A_434, %lt3A_436 : vector<16xi32>
      %and3A_438 = arith.andi %and3A_422, %lt3A_437 : vector<16xi1>
      tpu.vector_store_idx %arg8[%sub3A_434], %add3A_419 masked %and3A_438 : memref<1024xi32, #tpu.memory_space<vmem>>[vector<16xi32>], vector<16xi32>, vector<16xi1>
      %lt3A_439 = arith.constant 0 : i32
      %lt3A_440 = vector.broadcast %lt3A_439 : i32 to vector<16xi32>
      %lt3A_441 = arith.cmpi slt, %broadcast_in_dim3A_3, %lt3A_440 : vector<16xi32>
      %add3A_442 = arith.constant 16 : i32
      %add3A_443 = vector.broadcast %add3A_442 : i32 to vector<16xi32>
      %add3A_444 = arith.addi %broadcast_in_dim3A_3, %add3A_443 : vector<16xi32>
      %select_n3A_445 = arith.select %lt3A_441, %add3A_444, %broadcast_in_dim3A_3 : vector<16xi1>, vector<16xi32>
      %broadcast_in_dim3A_446 = vector.shape_cast %select_n3A_445 : vector<16xi32> to vector<16x1xi32>
      %gather3A_447 = vector.shape_cast %broadcast_in_dim3A_446 : vector<16x1xi32> to vector<16xi32>
      %gather3A_448 = tpu.dynamic_gather %masked_cumsum3A_430[%gather3A_447] in [0] : vector<16xi32>, vector<16xi32> -> vector<16xi32>
      %add3A_449 = arith.addi %add3A_416, %gather3A_448 : vector<16xi32>
      %add3A_450 = arith.constant 96 : i32
      %add3A_451 = vector.broadcast %add3A_450 : i32 to vector<16xi32>
      %add3A_452 = arith.addi %add3A_254, %add3A_451 : vector<16xi32>
      %gather3A_453 = tpu.vector_load_idx %arg5[%add3A_452] : memref<100000xf32, #tpu.memory_space<vmem>>[vector<16xi32>], vector<16xf32>,
      %ge3A_454 = arith.cmpf oge, %gather3A_453, %broadcast_in_dim3A_18 : vector<16xf32>
      %and3A_455 = arith.andi %ge3A_454, %lt3A_239 : vector<16xi1>
      %jit3A_456 = arith.constant 1 : i32
      %jit3A_457 = arith.constant 0 : i32
      %broadcast_in_dim3A_458 = vector.broadcast %jit3A_456 : i32 to vector<16xi32>
      %broadcast_in_dim3A_459 = vector.broadcast %jit3A_457 : i32 to vector<16xi32>
      %select_n3A_460 = arith.select %and3A_455, %broadcast_in_dim3A_458, %broadcast_in_dim3A_459 : vector<16xi1>, vector<16xi32>
      %broadcast_in_dim3A_461 = arith.constant true
      %broadcast_in_dim3A_462 = vector.broadcast %broadcast_in_dim3A_461 : i1 to vector<16xi1>
      %masked_cumsum3A_463 = tpu.scan <sum>, %select_n3A_460 masked %broadcast_in_dim3A_462 : vector<16xi32>, vector<16xi1> -> vector<16xi32>
      %add3A_464 = arith.addi %add3A_449, %masked_cumsum3A_463 : vector<16xi32>
      %sub3A_465 = arith.constant 1 : i32
      %sub3A_466 = vector.broadcast %sub3A_465 : i32 to vector<16xi32>
      %sub3A_467 = arith.subi %add3A_464, %sub3A_466 : vector<16xi32>
      %lt3A_468 = arith.constant 1024 : i32
      %lt3A_469 = vector.broadcast %lt3A_468 : i32 to vector<16xi32>
      %lt3A_470 = arith.cmpi slt, %sub3A_467, %lt3A_469 : vector<16xi32>
      %and3A_471 = arith.andi %and3A_455, %lt3A_470 : vector<16xi1>
      tpu.vector_store_idx %arg8[%sub3A_467], %add3A_452 masked %and3A_471 : memref<1024xi32, #tpu.memory_space<vmem>>[vector<16xi32>], vector<16xi32>, vector<16xi1>
      %lt3A_472 = arith.constant 0 : i32
      %lt3A_473 = vector.broadcast %lt3A_472 : i32 to vector<16xi32>
      %lt3A_474 = arith.cmpi slt, %broadcast_in_dim3A_3, %lt3A_473 : vector<16xi32>
      %add3A_475 = arith.constant 16 : i32
      %add3A_476 = vector.broadcast %add3A_475 : i32 to vector<16xi32>
      %add3A_477 = arith.addi %broadcast_in_dim3A_3, %add3A_476 : vector<16xi32>
      %select_n3A_478 = arith.select %lt3A_474, %add3A_477, %broadcast_in_dim3A_3 : vector<16xi1>, vector<16xi32>
      %broadcast_in_dim3A_479 = vector.shape_cast %select_n3A_478 : vector<16xi32> to vector<16x1xi32>
      %gather3A_480 = vector.shape_cast %broadcast_in_dim3A_479 : vector<16x1xi32> to vector<16xi32>
      %gather3A_481 = tpu.dynamic_gather %masked_cumsum3A_463[%gather3A_480] in [0] : vector<16xi32>, vector<16xi32> -> vector<16xi32>
      %add3A_482 = arith.addi %add3A_449, %gather3A_481 : vector<16xi32>
      %add3A_483 = arith.constant 112 : i32
      %add3A_484 = vector.broadcast %add3A_483 : i32 to vector<16xi32>
      %add3A_485 = arith.addi %add3A_254, %add3A_484 : vector<16xi32>
      %gather3A_486 = tpu.vector_load_idx %arg5[%add3A_485] : memref<100000xf32, #tpu.memory_space<vmem>>[vector<16xi32>], vector<16xf32>,
      %ge3A_487 = arith.cmpf oge, %gather3A_486, %broadcast_in_dim3A_18 : vector<16xf32>
      %and3A_488 = arith.andi %ge3A_487, %lt3A_239 : vector<16xi1>
      %jit3A_489 = arith.constant 1 : i32
      %jit3A_490 = arith.constant 0 : i32
      %broadcast_in_dim3A_491 = vector.broadcast %jit3A_489 : i32 to vector<16xi32>
      %broadcast_in_dim3A_492 = vector.broadcast %jit3A_490 : i32 to vector<16xi32>
      %select_n3A_493 = arith.select %and3A_488, %broadcast_in_dim3A_491, %broadcast_in_dim3A_492 : vector<16xi1>, vector<16xi32>
      %broadcast_in_dim3A_494 = arith.constant true
      %broadcast_in_dim3A_495 = vector.broadcast %broadcast_in_dim3A_494 : i1 to vector<16xi1>
      %masked_cumsum3A_496 = tpu.scan <sum>, %select_n3A_493 masked %broadcast_in_dim3A_495 : vector<16xi32>, vector<16xi1> -> vector<16xi32>
      %add3A_497 = arith.addi %add3A_482, %masked_cumsum3A_496 : vector<16xi32>
      %sub3A_498 = arith.constant 1 : i32
      %sub3A_499 = vector.broadcast %sub3A_498 : i32 to vector<16xi32>
      %sub3A_500 = arith.subi %add3A_497, %sub3A_499 : vector<16xi32>
      %lt3A_501 = arith.constant 1024 : i32
      %lt3A_502 = vector.broadcast %lt3A_501 : i32 to vector<16xi32>
      %lt3A_503 = arith.cmpi slt, %sub3A_500, %lt3A_502 : vector<16xi32>
      %and3A_504 = arith.andi %and3A_488, %lt3A_503 : vector<16xi1>
      tpu.vector_store_idx %arg8[%sub3A_500], %add3A_485 masked %and3A_504 : memref<1024xi32, #tpu.memory_space<vmem>>[vector<16xi32>], vector<16xi32>, vector<16xi1>
      %lt3A_505 = arith.constant 0 : i32
      %lt3A_506 = vector.broadcast %lt3A_505 : i32 to vector<16xi32>
      %lt3A_507 = arith.cmpi slt, %broadcast_in_dim3A_3, %lt3A_506 : vector<16xi32>
      %add3A_508 = arith.constant 16 : i32
      %add3A_509 = vector.broadcast %add3A_508 : i32 to vector<16xi32>
      %add3A_510 = arith.addi %broadcast_in_dim3A_3, %add3A_509 : vector<16xi32>
      %select_n3A_511 = arith.select %lt3A_507, %add3A_510, %broadcast_in_dim3A_3 : vector<16xi1>, vector<16xi32>
      %broadcast_in_dim3A_512 = vector.shape_cast %select_n3A_511 : vector<16xi32> to vector<16x1xi32>
      %gather3A_513 = vector.shape_cast %broadcast_in_dim3A_512 : vector<16x1xi32> to vector<16xi32>
      %gather3A_514 = tpu.dynamic_gather %masked_cumsum3A_496[%gather3A_513] in [0] : vector<16xi32>, vector<16xi32> -> vector<16xi32>
      %add3A_515 = arith.addi %add3A_482, %gather3A_514 : vector<16xi32>
      %add3A_516 = arith.constant 128 : i32
      %add3A_517 = vector.broadcast %add3A_516 : i32 to vector<16xi32>
      %add3A_518 = arith.addi %add3A_254, %add3A_517 : vector<16xi32>
      %gather3A_519 = tpu.vector_load_idx %arg5[%add3A_518] : memref<100000xf32, #tpu.memory_space<vmem>>[vector<16xi32>], vector<16xf32>,
      %ge3A_520 = arith.cmpf oge, %gather3A_519, %broadcast_in_dim3A_18 : vector<16xf32>
      %and3A_521 = arith.andi %ge3A_520, %lt3A_239 : vector<16xi1>
      %jit3A_522 = arith.constant 1 : i32
      %jit3A_523 = arith.constant 0 : i32
      %broadcast_in_dim3A_524 = vector.broadcast %jit3A_522 : i32 to vector<16xi32>
      %broadcast_in_dim3A_525 = vector.broadcast %jit3A_523 : i32 to vector<16xi32>
      %select_n3A_526 = arith.select %and3A_521, %broadcast_in_dim3A_524, %broadcast_in_dim3A_525 : vector<16xi1>, vector<16xi32>
      %broadcast_in_dim3A_527 = arith.constant true
      %broadcast_in_dim3A_528 = vector.broadcast %broadcast_in_dim3A_527 : i1 to vector<16xi1>
      %masked_cumsum3A_529 = tpu.scan <sum>, %select_n3A_526 masked %broadcast_in_dim3A_528 : vector<16xi32>, vector<16xi1> -> vector<16xi32>
      %add3A_530 = arith.addi %add3A_515, %masked_cumsum3A_529 : vector<16xi32>
      %sub3A_531 = arith.constant 1 : i32
      %sub3A_532 = vector.broadcast %sub3A_531 : i32 to vector<16xi32>
      %sub3A_533 = arith.subi %add3A_530, %sub3A_532 : vector<16xi32>
      %lt3A_534 = arith.constant 1024 : i32
      %lt3A_535 = vector.broadcast %lt3A_534 : i32 to vector<16xi32>
      %lt3A_536 = arith.cmpi slt, %sub3A_533, %lt3A_535 : vector<16xi32>
      %and3A_537 = arith.andi %and3A_521, %lt3A_536 : vector<16xi1>
      tpu.vector_store_idx %arg8[%sub3A_533], %add3A_518 masked %and3A_537 : memref<1024xi32, #tpu.memory_space<vmem>>[vector<16xi32>], vector<16xi32>, vector<16xi1>
      %lt3A_538 = arith.constant 0 : i32
      %lt3A_539 = vector.broadcast %lt3A_538 : i32 to vector<16xi32>
      %lt3A_540 = arith.cmpi slt, %broadcast_in_dim3A_3, %lt3A_539 : vector<16xi32>
      %add3A_541 = arith.constant 16 : i32
      %add3A_542 = vector.broadcast %add3A_541 : i32 to vector<16xi32>
      %add3A_543 = arith.addi %broadcast_in_dim3A_3, %add3A_542 : vector<16xi32>
      %select_n3A_544 = arith.select %lt3A_540, %add3A_543, %broadcast_in_dim3A_3 : vector<16xi1>, vector<16xi32>
      %broadcast_in_dim3A_545 = vector.shape_cast %select_n3A_544 : vector<16xi32> to vector<16x1xi32>
      %gather3A_546 = vector.shape_cast %broadcast_in_dim3A_545 : vector<16x1xi32> to vector<16xi32>
      %gather3A_547 = tpu.dynamic_gather %masked_cumsum3A_529[%gather3A_546] in [0] : vector<16xi32>, vector<16xi32> -> vector<16xi32>
      %add3A_548 = arith.addi %add3A_515, %gather3A_547 : vector<16xi32>
      %add3A_549 = arith.constant 144 : i32
      %add3A_550 = vector.broadcast %add3A_549 : i32 to vector<16xi32>
      %add3A_551 = arith.addi %add3A_254, %add3A_550 : vector<16xi32>
      %gather3A_552 = tpu.vector_load_idx %arg5[%add3A_551] : memref<100000xf32, #tpu.memory_space<vmem>>[vector<16xi32>], vector<16xf32>,
      %ge3A_553 = arith.cmpf oge, %gather3A_552, %broadcast_in_dim3A_18 : vector<16xf32>
      %and3A_554 = arith.andi %ge3A_553, %lt3A_239 : vector<16xi1>
      %jit3A_555 = arith.constant 1 : i32
      %jit3A_556 = arith.constant 0 : i32
      %broadcast_in_dim3A_557 = vector.broadcast %jit3A_555 : i32 to vector<16xi32>
      %broadcast_in_dim3A_558 = vector.broadcast %jit3A_556 : i32 to vector<16xi32>
      %select_n3A_559 = arith.select %and3A_554, %broadcast_in_dim3A_557, %broadcast_in_dim3A_558 : vector<16xi1>, vector<16xi32>
      %broadcast_in_dim3A_560 = arith.constant true
      %broadcast_in_dim3A_561 = vector.broadcast %broadcast_in_dim3A_560 : i1 to vector<16xi1>
      %masked_cumsum3A_562 = tpu.scan <sum>, %select_n3A_559 masked %broadcast_in_dim3A_561 : vector<16xi32>, vector<16xi1> -> vector<16xi32>
      %add3A_563 = arith.addi %add3A_548, %masked_cumsum3A_562 : vector<16xi32>
      %sub3A_564 = arith.constant 1 : i32
      %sub3A_565 = vector.broadcast %sub3A_564 : i32 to vector<16xi32>
      %sub3A_566 = arith.subi %add3A_563, %sub3A_565 : vector<16xi32>
      %lt3A_567 = arith.constant 1024 : i32
      %lt3A_568 = vector.broadcast %lt3A_567 : i32 to vector<16xi32>
      %lt3A_569 = arith.cmpi slt, %sub3A_566, %lt3A_568 : vector<16xi32>
      %and3A_570 = arith.andi %and3A_554, %lt3A_569 : vector<16xi1>
      tpu.vector_store_idx %arg8[%sub3A_566], %add3A_551 masked %and3A_570 : memref<1024xi32, #tpu.memory_space<vmem>>[vector<16xi32>], vector<16xi32>, vector<16xi1>
      %lt3A_571 = arith.constant 0 : i32
      %lt3A_572 = vector.broadcast %lt3A_571 : i32 to vector<16xi32>
      %lt3A_573 = arith.cmpi slt, %broadcast_in_dim3A_3, %lt3A_572 : vector<16xi32>
      %add3A_574 = arith.constant 16 : i32
      %add3A_575 = vector.broadcast %add3A_574 : i32 to vector<16xi32>
      %add3A_576 = arith.addi %broadcast_in_dim3A_3, %add3A_575 : vector<16xi32>
      %select_n3A_577 = arith.select %lt3A_573, %add3A_576, %broadcast_in_dim3A_3 : vector<16xi1>, vector<16xi32>
      %broadcast_in_dim3A_578 = vector.shape_cast %select_n3A_577 : vector<16xi32> to vector<16x1xi32>
      %gather3A_579 = vector.shape_cast %broadcast_in_dim3A_578 : vector<16x1xi32> to vector<16xi32>
      %gather3A_580 = tpu.dynamic_gather %masked_cumsum3A_562[%gather3A_579] in [0] : vector<16xi32>, vector<16xi32> -> vector<16xi32>
      %add3A_581 = arith.addi %add3A_548, %gather3A_580 : vector<16xi32>
      scf.yield %add3A_581 : vector<16xi32>
    }
    %slice3A_56 = vector.extract_strided_slice %while3A_55 {offsets = [0], sizes = [1], strides = [1]} : vector<16xi32> to vector<1xi32>
    %squeeze3A_57 = vector.extract %slice3A_56[0] : i32 from vector<1xi32>
    %min3A_58 = arith.constant 1024 : i32
    %min3A_59 = arith.minsi %squeeze3A_57, %min3A_58 : i32
    %add3A_60 = arith.constant 16 : i32
    %add3A_61 = arith.addi %min3A_59, %add3A_60 : i32
    %sub3A_62 = arith.constant 1 : i32
    %sub3A_63 = arith.subi %add3A_61, %sub3A_62 : i32
    %jit3A_64 = arith.constant 16 : i32
    %div3A_65 = arith.divsi %sub3A_63, %jit3A_64 : i32
    %sign3A_66 = arith.constant 0 : i32
    %sign3A_67 = arith.cmpi sgt, %sub3A_63, %sign3A_66 : i32
    %sign3A_68 = arith.extui %sign3A_67 : i1 to i32
    %sign3A_69 = arith.constant 0 : i32
    %sign3A_70 = arith.cmpi slt, %sub3A_63, %sign3A_69 : i32
    %sign3A_71 = arith.extui %sign3A_70 : i1 to i32
    %sign3A_72 = arith.subi %sign3A_68, %sign3A_71 : i32
    %sign3A_73 = arith.constant 0 : i32
    %sign3A_74 = arith.cmpi sgt, %jit3A_64, %sign3A_73 : i32
    %sign3A_75 = arith.extui %sign3A_74 : i1 to i32
    %sign3A_76 = arith.constant 0 : i32
    %sign3A_77 = arith.cmpi slt, %jit3A_64, %sign3A_76 : i32
    %sign3A_78 = arith.extui %sign3A_77 : i1 to i32
    %sign3A_79 = arith.subi %sign3A_75, %sign3A_78 : i32
    %ne3A_80 = arith.cmpi ne, %sign3A_72, %sign3A_79 : i32
    %rem3A_81 = arith.remsi %sub3A_63, %jit3A_64 : i32
    %ne3A_82 = arith.constant 0 : i32
    %ne3A_83 = arith.cmpi ne, %rem3A_81, %ne3A_82 : i32
    %and3A_84 = arith.andi %ne3A_80, %ne3A_83 : i1
    %sub3A_85 = arith.constant 1 : i32
    %sub3A_86 = arith.subi %div3A_65, %sub3A_85 : i32
    %select_n3A_87 = arith.select %and3A_84, %sub3A_86, %div3A_65 : i32
    %while3A_88 = arith.constant 0 : i32
    %while3A_89 = arith.constant 0 : i32
    %while3A_90 = arith.subi %select_n3A_87, %while3A_88 : i32
    %while3A_91 = arith.addi %while3A_88, %while3A_90 : i32
    %while3A_92 = arith.constant 1 : i32
    %while3A_93 = arith.divsi %while3A_90, %while3A_92 : i32
    %while3A_94 = arith.muli %while3A_93, %while3A_92 : i32
    %while3A_95 = arith.addi %while3A_88, %while3A_94 : i32
    %while3A_96 = arith.constant 1 : i32
    %while3A_97 = scf.for %while3A_233 = %while3A_88 to %while3A_95 step %while3A_96 iter_args(%while3A_234 = %while3A_89) -> (i32)  : i32 {
      %mul3A_235 = arith.constant 16 : i32
      %mul3A_236 = arith.muli %while3A_233, %mul3A_235 : i32
      %add3A_237 = vector.broadcast %mul3A_236 : i32 to vector<16xi32>
      %add3A_238 = arith.addi %add3A_237, %iota3A : vector<16xi32>
      %lt3A = vector.broadcast %min3A_59 : i32 to vector<16xi32>
      %lt3A_239 = arith.cmpi slt, %add3A_238, %lt3A : vector<16xi32>
      %mul3A_240 = arith.constant 16 : i32
      %mul3A_241 = arith.muli %while3A_233, %mul3A_240 : i32
      %get3A = arith.index_cast %mul3A_241 : i32 to index
      %get3A_242 = tpu.vector_load %arg8[%get3A] {strides = array<i32>} : memref<1024xi32, #tpu.memory_space<vmem>>, vector<16xi32>,
      %jit3A_243 = arith.constant 0 : i32
      %broadcast_in_dim3A_244 = vector.broadcast %jit3A_243 : i32 to vector<16xi32>
      %select_n3A_245 = arith.select %lt3A_239, %get3A_242, %broadcast_in_dim3A_244 : vector<16xi1>, vector<16xi32>
      %mul3A_246 = arith.constant 16 : i32
      %mul3A_247 = arith.muli %while3A_233, %mul3A_246 : i32
      %swap3A_248 = arith.index_cast %mul3A_247 : i32 to index
      %swap3A_249 = tpu.vector_load %arg8[%swap3A_248] {strides = array<i32>} : memref<1024xi32, #tpu.memory_space<vmem>>, vector<16xi32>,
      tpu.vector_store %arg8[%swap3A_248], %select_n3A_245 {strides = array<i32>} : memref<1024xi32, #tpu.memory_space<vmem>>, vector<16xi32>,
      %gather3A = tpu.vector_load_idx %arg5[%select_n3A_245] : memref<100000xf32, #tpu.memory_space<vmem>>[vector<16xi32>], vector<16xf32>,
      %jit3A_250 = arith.constant -3.400000e+38 : f32
      %broadcast_in_dim3A_251 = vector.broadcast %jit3A_250 : f32 to vector<16xf32>
      %select_n3A_252 = arith.select %lt3A_239, %gather3A, %broadcast_in_dim3A_251 : vector<16xi1>, vector<16xf32>
      %mul3A_253 = arith.constant 16 : i32
      %mul3A_254 = arith.muli %while3A_233, %mul3A_253 : i32
      %swap3A_255 = arith.index_cast %mul3A_254 : i32 to index
      %swap3A_256 = tpu.vector_load %arg9[%swap3A_255] {strides = array<i32>} : memref<1024xf32, #tpu.memory_space<vmem>>, vector<16xf32>,
      tpu.vector_store %arg9[%swap3A_255], %select_n3A_252 {strides = array<i32>} : memref<1024xf32, #tpu.memory_space<vmem>>, vector<16xf32>,
      %while3A_257 = arith.constant 0 : i32
      scf.yield %while3A_257 : i32
    }
    %while3A_98 = arith.constant 1 : i32
    %while3A_99 = scf.for %while3A_233 = %while3A_95 to %while3A_91 step %while3A_98 iter_args(%while3A_234 = %while3A_97) -> (i32)  : i32 {
      %mul3A_235 = arith.constant 16 : i32
      %mul3A_236 = arith.muli %while3A_233, %mul3A_235 : i32
      %add3A_237 = vector.broadcast %mul3A_236 : i32 to vector<16xi32>
      %add3A_238 = arith.addi %add3A_237, %iota3A : vector<16xi32>
      %lt3A = vector.broadcast %min3A_59 : i32 to vector<16xi32>
      %lt3A_239 = arith.cmpi slt, %add3A_238, %lt3A : vector<16xi32>
      %mul3A_240 = arith.constant 16 : i32
      %mul3A_241 = arith.muli %while3A_233, %mul3A_240 : i32
      %get3A = arith.index_cast %mul3A_241 : i32 to index
      %get3A_242 = tpu.vector_load %arg8[%get3A] {strides = array<i32>} : memref<1024xi32, #tpu.memory_space<vmem>>, vector<16xi32>,
      %jit3A_243 = arith.constant 0 : i32
      %broadcast_in_dim3A_244 = vector.broadcast %jit3A_243 : i32 to vector<16xi32>
      %select_n3A_245 = arith.select %lt3A_239, %get3A_242, %broadcast_in_dim3A_244 : vector<16xi1>, vector<16xi32>
      %mul3A_246 = arith.constant 16 : i32
      %mul3A_247 = arith.muli %while3A_233, %mul3A_246 : i32
      %swap3A_248 = arith.index_cast %mul3A_247 : i32 to index
      %swap3A_249 = tpu.vector_load %arg8[%swap3A_248] {strides = array<i32>} : memref<1024xi32, #tpu.memory_space<vmem>>, vector<16xi32>,
      tpu.vector_store %arg8[%swap3A_248], %select_n3A_245 {strides = array<i32>} : memref<1024xi32, #tpu.memory_space<vmem>>, vector<16xi32>,
      %gather3A = tpu.vector_load_idx %arg5[%select_n3A_245] : memref<100000xf32, #tpu.memory_space<vmem>>[vector<16xi32>], vector<16xf32>,
      %jit3A_250 = arith.constant -3.400000e+38 : f32
      %broadcast_in_dim3A_251 = vector.broadcast %jit3A_250 : f32 to vector<16xf32>
      %select_n3A_252 = arith.select %lt3A_239, %gather3A, %broadcast_in_dim3A_251 : vector<16xi1>, vector<16xf32>
      %mul3A_253 = arith.constant 16 : i32
      %mul3A_254 = arith.muli %while3A_233, %mul3A_253 : i32
      %swap3A_255 = arith.index_cast %mul3A_254 : i32 to index
      %swap3A_256 = tpu.vector_load %arg9[%swap3A_255] {strides = array<i32>} : memref<1024xf32, #tpu.memory_space<vmem>>, vector<16xf32>,
      tpu.vector_store %arg9[%swap3A_255], %select_n3A_252 {strides = array<i32>} : memref<1024xf32, #tpu.memory_space<vmem>>, vector<16xf32>,
      %while3A_257 = arith.constant 0 : i32
      scf.yield %while3A_257 : i32
    }
    %broadcast_in_dim3A_100 = arith.constant -3.400000e+38 : f32
    %broadcast_in_dim3A_101 = vector.broadcast %broadcast_in_dim3A_100 : f32 to vector<16xf32>
    %scan3A_102 = arith.constant 0 : i32
    %scan3A_103 = arith.constant 16 : i32
    %scan3A_104 = arith.addi %scan3A_102, %scan3A_103 : i32
    %scan3A_105 = arith.constant 1 : i32
    %scan3A_106:2 = scf.for %scan3A_233 = %scan3A_102 to %scan3A_104 step %scan3A_105 iter_args(%scan3A_234 = %broadcast_in_dim3A_101, %scan3A_235 = %broadcast_in_dim3A_1) -> (vector<16xf32>, vector<16xi32>)  : i32 {
      %while3A_236 = arith.constant 0 : i32
      %while3A_237 = arith.subi %select_n3A_87, %while3A_236 : i32
      %while3A_238 = arith.addi %while3A_236, %while3A_237 : i32
      %while3A_239 = arith.constant 1 : i32
      %while3A_240 = arith.divsi %while3A_237, %while3A_239 : i32
      %while3A_241 = arith.muli %while3A_240, %while3A_239 : i32
      %while3A_242 = arith.addi %while3A_236, %while3A_241 : i32
      %while3A_243 = arith.constant 1 : i32
      %while3A_244:2 = scf.for %while3A_379 = %while3A_236 to %while3A_242 step %while3A_243 iter_args(%while3A_380 = %broadcast_in_dim3A_101, %while3A_381 = %broadcast_in_dim3A_1) -> (vector<16xf32>, vector<16xi32>)  : i32 {
        %mul3A_382 = arith.constant 16 : i32
        %mul3A_383 = arith.muli %while3A_379, %mul3A_382 : i32
        %get3A = arith.index_cast %mul3A_383 : i32 to index
        %get3A_384 = tpu.vector_load %arg9[%get3A] {strides = array<i32>} : memref<1024xf32, #tpu.memory_space<vmem>>, vector<16xf32>,
        %mul3A_385 = arith.constant 16 : i32
        %mul3A_386 = arith.muli %while3A_379, %mul3A_385 : i32
        %get3A_387 = arith.index_cast %mul3A_386 : i32 to index
        %get3A_388 = tpu.vector_load %arg8[%get3A_387] {strides = array<i32>} : memref<1024xi32, #tpu.memory_space<vmem>>, vector<16xi32>,
        %gt3A_389 = arith.cmpf ogt, %get3A_384, %while3A_380 : vector<16xf32>
        %eq3A_390 = arith.cmpf oeq, %get3A_384, %while3A_380 : vector<16xf32>
        %lt3A_391 = arith.cmpi slt, %get3A_388, %while3A_381 : vector<16xi32>
        %and3A_392 = arith.andi %eq3A_390, %lt3A_391 : vector<16xi1>
        %or3A_393 = arith.ori %gt3A_389, %and3A_392 : vector<16xi1>
        %select_n3A_394 = arith.select %or3A_393, %get3A_384, %while3A_380 : vector<16xi1>, vector<16xf32>
        %select_n3A_395 = arith.select %or3A_393, %get3A_388, %while3A_381 : vector<16xi1>, vector<16xi32>
        scf.yield %select_n3A_394, %select_n3A_395 : vector<16xf32>, vector<16xi32>
      }
      %while3A_245 = arith.constant 1 : i32
      %while3A_246:2 = scf.for %while3A_379 = %while3A_242 to %while3A_238 step %while3A_245 iter_args(%while3A_380 = %while3A_244#0, %while3A_381 = %while3A_244#1) -> (vector<16xf32>, vector<16xi32>)  : i32 {
        %mul3A_382 = arith.constant 16 : i32
        %mul3A_383 = arith.muli %while3A_379, %mul3A_382 : i32
        %get3A = arith.index_cast %mul3A_383 : i32 to index
        %get3A_384 = tpu.vector_load %arg9[%get3A] {strides = array<i32>} : memref<1024xf32, #tpu.memory_space<vmem>>, vector<16xf32>,
        %mul3A_385 = arith.constant 16 : i32
        %mul3A_386 = arith.muli %while3A_379, %mul3A_385 : i32
        %get3A_387 = arith.index_cast %mul3A_386 : i32 to index
        %get3A_388 = tpu.vector_load %arg8[%get3A_387] {strides = array<i32>} : memref<1024xi32, #tpu.memory_space<vmem>>, vector<16xi32>,
        %gt3A_389 = arith.cmpf ogt, %get3A_384, %while3A_380 : vector<16xf32>
        %eq3A_390 = arith.cmpf oeq, %get3A_384, %while3A_380 : vector<16xf32>
        %lt3A_391 = arith.cmpi slt, %get3A_388, %while3A_381 : vector<16xi32>
        %and3A_392 = arith.andi %eq3A_390, %lt3A_391 : vector<16xi1>
        %or3A_393 = arith.ori %gt3A_389, %and3A_392 : vector<16xi1>
        %select_n3A_394 = arith.select %or3A_393, %get3A_384, %while3A_380 : vector<16xi1>, vector<16xf32>
        %select_n3A_395 = arith.select %or3A_393, %get3A_388, %while3A_381 : vector<16xi1>, vector<16xi32>
        scf.yield %select_n3A_394, %select_n3A_395 : vector<16xf32>, vector<16xi32>
      }
      %xor3A = arith.constant 8 : i32
      %xor3A_247 = vector.broadcast %xor3A : i32 to vector<16xi32>
      %xor3A_248 = arith.xori %iota3A, %xor3A_247 : vector<16xi32>
      %lt3A = arith.constant 0 : i32
      %lt3A_249 = vector.broadcast %lt3A : i32 to vector<16xi32>
      %lt3A_250 = arith.cmpi slt, %xor3A_248, %lt3A_249 : vector<16xi32>
      %add3A_251 = arith.constant 16 : i32
      %add3A_252 = vector.broadcast %add3A_251 : i32 to vector<16xi32>
      %add3A_253 = arith.addi %xor3A_248, %add3A_252 : vector<16xi32>
      %select_n3A_254 = arith.select %lt3A_250, %add3A_253, %xor3A_248 : vector<16xi1>, vector<16xi32>
      %broadcast_in_dim3A_255 = vector.shape_cast %select_n3A_254 : vector<16xi32> to vector<16x1xi32>
      %gather3A = vector.shape_cast %broadcast_in_dim3A_255 : vector<16x1xi32> to vector<16xi32>
      %gather3A_256 = tpu.dynamic_gather %while3A_246#0[%gather3A] in [0] : vector<16xf32>, vector<16xi32> -> vector<16xf32>
      %lt3A_257 = arith.constant 0 : i32
      %lt3A_258 = vector.broadcast %lt3A_257 : i32 to vector<16xi32>
      %lt3A_259 = arith.cmpi slt, %xor3A_248, %lt3A_258 : vector<16xi32>
      %add3A_260 = arith.constant 16 : i32
      %add3A_261 = vector.broadcast %add3A_260 : i32 to vector<16xi32>
      %add3A_262 = arith.addi %xor3A_248, %add3A_261 : vector<16xi32>
      %select_n3A_263 = arith.select %lt3A_259, %add3A_262, %xor3A_248 : vector<16xi1>, vector<16xi32>
      %broadcast_in_dim3A_264 = vector.shape_cast %select_n3A_263 : vector<16xi32> to vector<16x1xi32>
      %gather3A_265 = vector.shape_cast %broadcast_in_dim3A_264 : vector<16x1xi32> to vector<16xi32>
      %gather3A_266 = tpu.dynamic_gather %while3A_246#1[%gather3A_265] in [0] : vector<16xi32>, vector<16xi32> -> vector<16xi32>
      %gt3A = arith.cmpf ogt, %gather3A_256, %while3A_246#0 : vector<16xf32>
      %eq3A = arith.cmpf oeq, %gather3A_256, %while3A_246#0 : vector<16xf32>
      %lt3A_267 = arith.cmpi slt, %gather3A_266, %while3A_246#1 : vector<16xi32>
      %and3A_268 = arith.andi %eq3A, %lt3A_267 : vector<16xi1>
      %or3A = arith.ori %gt3A, %and3A_268 : vector<16xi1>
      %select_n3A_269 = arith.select %or3A, %gather3A_256, %while3A_246#0 : vector<16xi1>, vector<16xf32>
      %select_n3A_270 = arith.select %or3A, %gather3A_266, %while3A_246#1 : vector<16xi1>, vector<16xi32>
      %xor3A_271 = arith.constant 4 : i32
      %xor3A_272 = vector.broadcast %xor3A_271 : i32 to vector<16xi32>
      %xor3A_273 = arith.xori %iota3A, %xor3A_272 : vector<16xi32>
      %lt3A_274 = arith.constant 0 : i32
      %lt3A_275 = vector.broadcast %lt3A_274 : i32 to vector<16xi32>
      %lt3A_276 = arith.cmpi slt, %xor3A_273, %lt3A_275 : vector<16xi32>
      %add3A_277 = arith.constant 16 : i32
      %add3A_278 = vector.broadcast %add3A_277 : i32 to vector<16xi32>
      %add3A_279 = arith.addi %xor3A_273, %add3A_278 : vector<16xi32>
      %select_n3A_280 = arith.select %lt3A_276, %add3A_279, %xor3A_273 : vector<16xi1>, vector<16xi32>
      %broadcast_in_dim3A_281 = vector.shape_cast %select_n3A_280 : vector<16xi32> to vector<16x1xi32>
      %gather3A_282 = vector.shape_cast %broadcast_in_dim3A_281 : vector<16x1xi32> to vector<16xi32>
      %gather3A_283 = tpu.dynamic_gather %select_n3A_269[%gather3A_282] in [0] : vector<16xf32>, vector<16xi32> -> vector<16xf32>
      %lt3A_284 = arith.constant 0 : i32
      %lt3A_285 = vector.broadcast %lt3A_284 : i32 to vector<16xi32>
      %lt3A_286 = arith.cmpi slt, %xor3A_273, %lt3A_285 : vector<16xi32>
      %add3A_287 = arith.constant 16 : i32
      %add3A_288 = vector.broadcast %add3A_287 : i32 to vector<16xi32>
      %add3A_289 = arith.addi %xor3A_273, %add3A_288 : vector<16xi32>
      %select_n3A_290 = arith.select %lt3A_286, %add3A_289, %xor3A_273 : vector<16xi1>, vector<16xi32>
      %broadcast_in_dim3A_291 = vector.shape_cast %select_n3A_290 : vector<16xi32> to vector<16x1xi32>
      %gather3A_292 = vector.shape_cast %broadcast_in_dim3A_291 : vector<16x1xi32> to vector<16xi32>
      %gather3A_293 = tpu.dynamic_gather %select_n3A_270[%gather3A_292] in [0] : vector<16xi32>, vector<16xi32> -> vector<16xi32>
      %gt3A_294 = arith.cmpf ogt, %gather3A_283, %select_n3A_269 : vector<16xf32>
      %eq3A_295 = arith.cmpf oeq, %gather3A_283, %select_n3A_269 : vector<16xf32>
      %lt3A_296 = arith.cmpi slt, %gather3A_293, %select_n3A_270 : vector<16xi32>
      %and3A_297 = arith.andi %eq3A_295, %lt3A_296 : vector<16xi1>
      %or3A_298 = arith.ori %gt3A_294, %and3A_297 : vector<16xi1>
      %select_n3A_299 = arith.select %or3A_298, %gather3A_283, %select_n3A_269 : vector<16xi1>, vector<16xf32>
      %select_n3A_300 = arith.select %or3A_298, %gather3A_293, %select_n3A_270 : vector<16xi1>, vector<16xi32>
      %xor3A_301 = arith.constant 2 : i32
      %xor3A_302 = vector.broadcast %xor3A_301 : i32 to vector<16xi32>
      %xor3A_303 = arith.xori %iota3A, %xor3A_302 : vector<16xi32>
      %lt3A_304 = arith.constant 0 : i32
      %lt3A_305 = vector.broadcast %lt3A_304 : i32 to vector<16xi32>
      %lt3A_306 = arith.cmpi slt, %xor3A_303, %lt3A_305 : vector<16xi32>
      %add3A_307 = arith.constant 16 : i32
      %add3A_308 = vector.broadcast %add3A_307 : i32 to vector<16xi32>
      %add3A_309 = arith.addi %xor3A_303, %add3A_308 : vector<16xi32>
      %select_n3A_310 = arith.select %lt3A_306, %add3A_309, %xor3A_303 : vector<16xi1>, vector<16xi32>
      %broadcast_in_dim3A_311 = vector.shape_cast %select_n3A_310 : vector<16xi32> to vector<16x1xi32>
      %gather3A_312 = vector.shape_cast %broadcast_in_dim3A_311 : vector<16x1xi32> to vector<16xi32>
      %gather3A_313 = tpu.dynamic_gather %select_n3A_299[%gather3A_312] in [0] : vector<16xf32>, vector<16xi32> -> vector<16xf32>
      %lt3A_314 = arith.constant 0 : i32
      %lt3A_315 = vector.broadcast %lt3A_314 : i32 to vector<16xi32>
      %lt3A_316 = arith.cmpi slt, %xor3A_303, %lt3A_315 : vector<16xi32>
      %add3A_317 = arith.constant 16 : i32
      %add3A_318 = vector.broadcast %add3A_317 : i32 to vector<16xi32>
      %add3A_319 = arith.addi %xor3A_303, %add3A_318 : vector<16xi32>
      %select_n3A_320 = arith.select %lt3A_316, %add3A_319, %xor3A_303 : vector<16xi1>, vector<16xi32>
      %broadcast_in_dim3A_321 = vector.shape_cast %select_n3A_320 : vector<16xi32> to vector<16x1xi32>
      %gather3A_322 = vector.shape_cast %broadcast_in_dim3A_321 : vector<16x1xi32> to vector<16xi32>
      %gather3A_323 = tpu.dynamic_gather %select_n3A_300[%gather3A_322] in [0] : vector<16xi32>, vector<16xi32> -> vector<16xi32>
      %gt3A_324 = arith.cmpf ogt, %gather3A_313, %select_n3A_299 : vector<16xf32>
      %eq3A_325 = arith.cmpf oeq, %gather3A_313, %select_n3A_299 : vector<16xf32>
      %lt3A_326 = arith.cmpi slt, %gather3A_323, %select_n3A_300 : vector<16xi32>
      %and3A_327 = arith.andi %eq3A_325, %lt3A_326 : vector<16xi1>
      %or3A_328 = arith.ori %gt3A_324, %and3A_327 : vector<16xi1>
      %select_n3A_329 = arith.select %or3A_328, %gather3A_313, %select_n3A_299 : vector<16xi1>, vector<16xf32>
      %select_n3A_330 = arith.select %or3A_328, %gather3A_323, %select_n3A_300 : vector<16xi1>, vector<16xi32>
      %xor3A_331 = arith.constant 1 : i32
      %xor3A_332 = vector.broadcast %xor3A_331 : i32 to vector<16xi32>
      %xor3A_333 = arith.xori %iota3A, %xor3A_332 : vector<16xi32>
      %lt3A_334 = arith.constant 0 : i32
      %lt3A_335 = vector.broadcast %lt3A_334 : i32 to vector<16xi32>
      %lt3A_336 = arith.cmpi slt, %xor3A_333, %lt3A_335 : vector<16xi32>
      %add3A_337 = arith.constant 16 : i32
      %add3A_338 = vector.broadcast %add3A_337 : i32 to vector<16xi32>
      %add3A_339 = arith.addi %xor3A_333, %add3A_338 : vector<16xi32>
      %select_n3A_340 = arith.select %lt3A_336, %add3A_339, %xor3A_333 : vector<16xi1>, vector<16xi32>
      %broadcast_in_dim3A_341 = vector.shape_cast %select_n3A_340 : vector<16xi32> to vector<16x1xi32>
      %gather3A_342 = vector.shape_cast %broadcast_in_dim3A_341 : vector<16x1xi32> to vector<16xi32>
      %gather3A_343 = tpu.dynamic_gather %select_n3A_329[%gather3A_342] in [0] : vector<16xf32>, vector<16xi32> -> vector<16xf32>
      %lt3A_344 = arith.constant 0 : i32
      %lt3A_345 = vector.broadcast %lt3A_344 : i32 to vector<16xi32>
      %lt3A_346 = arith.cmpi slt, %xor3A_333, %lt3A_345 : vector<16xi32>
      %add3A_347 = arith.constant 16 : i32
      %add3A_348 = vector.broadcast %add3A_347 : i32 to vector<16xi32>
      %add3A_349 = arith.addi %xor3A_333, %add3A_348 : vector<16xi32>
      %select_n3A_350 = arith.select %lt3A_346, %add3A_349, %xor3A_333 : vector<16xi1>, vector<16xi32>
      %broadcast_in_dim3A_351 = vector.shape_cast %select_n3A_350 : vector<16xi32> to vector<16x1xi32>
      %gather3A_352 = vector.shape_cast %broadcast_in_dim3A_351 : vector<16x1xi32> to vector<16xi32>
      %gather3A_353 = tpu.dynamic_gather %select_n3A_330[%gather3A_352] in [0] : vector<16xi32>, vector<16xi32> -> vector<16xi32>
      %gt3A_354 = arith.cmpf ogt, %gather3A_343, %select_n3A_329 : vector<16xf32>
      %eq3A_355 = arith.cmpf oeq, %gather3A_343, %select_n3A_329 : vector<16xf32>
      %lt3A_356 = arith.cmpi slt, %gather3A_353, %select_n3A_330 : vector<16xi32>
      %and3A_357 = arith.andi %eq3A_355, %lt3A_356 : vector<16xi1>
      %or3A_358 = arith.ori %gt3A_354, %and3A_357 : vector<16xi1>
      %select_n3A_359 = arith.select %or3A_358, %gather3A_343, %select_n3A_329 : vector<16xi1>, vector<16xf32>
      %select_n3A_360 = arith.select %or3A_358, %gather3A_353, %select_n3A_330 : vector<16xi1>, vector<16xi32>
      %eq3A_361 = vector.broadcast %scan3A_233 : i32 to vector<16xi32>
      %eq3A_362 = arith.cmpi eq, %iota3A, %eq3A_361 : vector<16xi32>
      %select_n3A_363 = arith.select %eq3A_362, %select_n3A_359, %scan3A_234 : vector<16xi1>, vector<16xf32>
      %eq3A_364 = vector.broadcast %scan3A_233 : i32 to vector<16xi32>
      %eq3A_365 = arith.cmpi eq, %iota3A, %eq3A_364 : vector<16xi32>
      %select_n3A_366 = arith.select %eq3A_365, %select_n3A_360, %scan3A_235 : vector<16xi1>, vector<16xi32>
      %while3A_367 = arith.constant 0 : i32
      %while3A_368 = arith.constant 0 : i32
      %while3A_369 = arith.subi %select_n3A_87, %while3A_367 : i32
      %while3A_370 = arith.addi %while3A_367, %while3A_369 : i32
      %while3A_371 = arith.constant 1 : i32
      %while3A_372 = arith.divsi %while3A_369, %while3A_371 : i32
      %while3A_373 = arith.muli %while3A_372, %while3A_371 : i32
      %while3A_374 = arith.addi %while3A_367, %while3A_373 : i32
      %while3A_375 = arith.constant 1 : i32
      %while3A_376 = scf.for %while3A_379 = %while3A_367 to %while3A_374 step %while3A_375 iter_args(%while3A_380 = %while3A_368) -> (i32)  : i32 {
        %mul3A_381 = arith.constant 16 : i32
        %mul3A_382 = arith.muli %while3A_379, %mul3A_381 : i32
        %get3A = arith.index_cast %mul3A_382 : i32 to index
        %get3A_383 = tpu.vector_load %arg9[%get3A] {strides = array<i32>} : memref<1024xf32, #tpu.memory_space<vmem>>, vector<16xf32>,
        %mul3A_384 = arith.constant 16 : i32
        %mul3A_385 = arith.muli %while3A_379, %mul3A_384 : i32
        %get3A_386 = arith.index_cast %mul3A_385 : i32 to index
        %get3A_387 = tpu.vector_load %arg8[%get3A_386] {strides = array<i32>} : memref<1024xi32, #tpu.memory_space<vmem>>, vector<16xi32>,
        %eq3A_388 = arith.cmpi eq, %get3A_387, %select_n3A_360 : vector<16xi32>
        %jit3A_389 = arith.constant -3.400000e+38 : f32
        %broadcast_in_dim3A_390 = vector.broadcast %jit3A_389 : f32 to vector<16xf32>
        %select_n3A_391 = arith.select %eq3A_388, %broadcast_in_dim3A_390, %get3A_383 : vector<16xi1>, vector<16xf32>
        %mul3A_392 = arith.constant 16 : i32
        %mul3A_393 = arith.muli %while3A_379, %mul3A_392 : i32
        %swap3A_394 = arith.index_cast %mul3A_393 : i32 to index
        %swap3A_395 = tpu.vector_load %arg9[%swap3A_394] {strides = array<i32>} : memref<1024xf32, #tpu.memory_space<vmem>>, vector<16xf32>,
        tpu.vector_store %arg9[%swap3A_394], %select_n3A_391 {strides = array<i32>} : memref<1024xf32, #tpu.memory_space<vmem>>, vector<16xf32>,
        %while3A_396 = arith.constant 0 : i32
        scf.yield %while3A_396 : i32
      }
      %while3A_377 = arith.constant 1 : i32
      %while3A_378 = scf.for %while3A_379 = %while3A_374 to %while3A_370 step %while3A_377 iter_args(%while3A_380 = %while3A_376) -> (i32)  : i32 {
        %mul3A_381 = arith.constant 16 : i32
        %mul3A_382 = arith.muli %while3A_379, %mul3A_381 : i32
        %get3A = arith.index_cast %mul3A_382 : i32 to index
        %get3A_383 = tpu.vector_load %arg9[%get3A] {strides = array<i32>} : memref<1024xf32, #tpu.memory_space<vmem>>, vector<16xf32>,
        %mul3A_384 = arith.constant 16 : i32
        %mul3A_385 = arith.muli %while3A_379, %mul3A_384 : i32
        %get3A_386 = arith.index_cast %mul3A_385 : i32 to index
        %get3A_387 = tpu.vector_load %arg8[%get3A_386] {strides = array<i32>} : memref<1024xi32, #tpu.memory_space<vmem>>, vector<16xi32>,
        %eq3A_388 = arith.cmpi eq, %get3A_387, %select_n3A_360 : vector<16xi32>
        %jit3A_389 = arith.constant -3.400000e+38 : f32
        %broadcast_in_dim3A_390 = vector.broadcast %jit3A_389 : f32 to vector<16xf32>
        %select_n3A_391 = arith.select %eq3A_388, %broadcast_in_dim3A_390, %get3A_383 : vector<16xi1>, vector<16xf32>
        %mul3A_392 = arith.constant 16 : i32
        %mul3A_393 = arith.muli %while3A_379, %mul3A_392 : i32
        %swap3A_394 = arith.index_cast %mul3A_393 : i32 to index
        %swap3A_395 = tpu.vector_load %arg9[%swap3A_394] {strides = array<i32>} : memref<1024xf32, #tpu.memory_space<vmem>>, vector<16xf32>,
        tpu.vector_store %arg9[%swap3A_394], %select_n3A_391 {strides = array<i32>} : memref<1024xf32, #tpu.memory_space<vmem>>, vector<16xf32>,
        %while3A_396 = arith.constant 0 : i32
        scf.yield %while3A_396 : i32
      }
      scf.yield %select_n3A_363, %select_n3A_366 : vector<16xf32>, vector<16xi32>
    }
    %scan3A_107 = arith.constant 16 : i32
    %swap3A = arith.constant 0 : index
    %swap3A_108 = tpu.vector_load %arg10[%swap3A] {strides = array<i32>} : memref<16xf32, #tpu.memory_space<vmem>>, vector<16xf32>,
    tpu.vector_store %arg10[%swap3A], %scan3A_106#0 {strides = array<i32>} : memref<16xf32, #tpu.memory_space<vmem>>, vector<16xf32>,
    %swap3A_109 = arith.constant 0 : index
    %swap3A_110 = tpu.vector_load %arg11[%swap3A_109] {strides = array<i32>} : memref<16xi32, #tpu.memory_space<vmem>>, vector<16xi32>,
    tpu.vector_store %arg11[%swap3A_109], %scan3A_106#1 {strides = array<i32>} : memref<16xi32, #tpu.memory_space<vmem>>, vector<16xi32>,
    "tpu.region"() ({
      %run_scoped3A = tpu.sem_alloc : memref<!tpu.dma_semaphore, #tpu.memory_space<semaphore_mem>>
      %dma_start3A = arith.constant 0 : i32
      %dma_start3A_233 = tpu.memref_slice %arg3[%add3A_7, %dma_start3A] : memref<64x16xf32, #tpu.memory_space<hbm>> -> memref<1x16xf32, #tpu.memory_space<hbm>>
      %dma_start3A_234 = tpu.memref_squeeze %dma_start3A_233 : memref<1x16xf32, #tpu.memory_space<hbm>> -> memref<16xf32, #tpu.memory_space<hbm>>
      %dma_start3A_235 = arith.constant 0 : i32
      %dma_start3A_236 = tpu.memref_slice %arg3[%add3A_7, %dma_start3A_235] : memref<64x16xf32, #tpu.memory_space<hbm>> -> memref<1x16xf32, #tpu.memory_space<hbm>>
      %dma_start3A_237 = tpu.memref_squeeze %dma_start3A_236 : memref<1x16xf32, #tpu.memory_space<hbm>> -> memref<16xf32, #tpu.memory_space<hbm>>
      tpu.enqueue_dma source(%arg10 : memref<16xf32, #tpu.memory_space<vmem>>) target(%dma_start3A_237 : memref<16xf32, #tpu.memory_space<hbm>>) target_semaphore(%run_scoped3A : memref<!tpu.dma_semaphore, #tpu.memory_space<semaphore_mem>>)
      %dma_wait3A = arith.constant 0 : i32
      %dma_wait3A_238 = tpu.memref_slice %arg3[%add3A_7, %dma_wait3A] : memref<64x16xf32, #tpu.memory_space<hbm>> -> memref<1x16xf32, #tpu.memory_space<hbm>>
      %dma_wait3A_239 = tpu.memref_squeeze %dma_wait3A_238 : memref<1x16xf32, #tpu.memory_space<hbm>> -> memref<16xf32, #tpu.memory_space<hbm>>
      %dma_wait3A_240 = arith.constant 0 : i32
      %dma_wait3A_241 = tpu.memref_slice %arg3[%add3A_7, %dma_wait3A_240] : memref<64x16xf32, #tpu.memory_space<hbm>> -> memref<1x16xf32, #tpu.memory_space<hbm>>
      %dma_wait3A_242 = tpu.memref_squeeze %dma_wait3A_241 : memref<1x16xf32, #tpu.memory_space<hbm>> -> memref<16xf32, #tpu.memory_space<hbm>>
      tpu.wait_dma2 semaphore(%run_scoped3A : memref<!tpu.dma_semaphore, #tpu.memory_space<semaphore_mem>>) src(%arg10 : memref<16xf32, #tpu.memory_space<vmem>>) dst(%dma_wait3A_242 : memref<16xf32, #tpu.memory_space<hbm>>)
      tpu.yield
    }) : () -> ()
    "tpu.region"() ({
      %run_scoped3A = tpu.sem_alloc : memref<!tpu.dma_semaphore, #tpu.memory_space<semaphore_mem>>
      %dma_start3A = arith.constant 0 : i32
      %dma_start3A_233 = tpu.memref_slice %arg4[%add3A_7, %dma_start3A] : memref<64x16xi32, #tpu.memory_space<hbm>> -> memref<1x16xi32, #tpu.memory_space<hbm>>
      %dma_start3A_234 = tpu.memref_squeeze %dma_start3A_233 : memref<1x16xi32, #tpu.memory_space<hbm>> -> memref<16xi32, #tpu.memory_space<hbm>>
      %dma_start3A_235 = arith.constant 0 : i32
      %dma_start3A_236 = tpu.memref_slice %arg4[%add3A_7, %dma_start3A_235] : memref<64x16xi32, #tpu.memory_space<hbm>> -> memref<1x16xi32, #tpu.memory_space<hbm>>
      %dma_start3A_237 = tpu.memref_squeeze %dma_start3A_236 : memref<1x16xi32, #tpu.memory_space<hbm>> -> memref<16xi32, #tpu.memory_space<hbm>>
      tpu.enqueue_dma source(%arg11 : memref<16xi32, #tpu.memory_space<vmem>>) target(%dma_start3A_237 : memref<16xi32, #tpu.memory_space<hbm>>) target_semaphore(%run_scoped3A : memref<!tpu.dma_semaphore, #tpu.memory_space<semaphore_mem>>)
      %dma_wait3A = arith.constant 0 : i32
      %dma_wait3A_238 = tpu.memref_slice %arg4[%add3A_7, %dma_wait3A] : memref<64x16xi32, #tpu.memory_space<hbm>> -> memref<1x16xi32, #tpu.memory_space<hbm>>
      %dma_wait3A_239 = tpu.memref_squeeze %dma_wait3A_238 : memref<1x16xi32, #tpu.memory_space<hbm>> -> memref<16xi32, #tpu.memory_space<hbm>>
      %dma_wait3A_240 = arith.constant 0 : i32
      %dma_wait3A_241 = tpu.memref_slice %arg4[%add3A_7, %dma_wait3A_240] : memref<64x16xi32, #tpu.memory_space<hbm>> -> memref<1x16xi32, #tpu.memory_space<hbm>>
      %dma_wait3A_242 = tpu.memref_squeeze %dma_wait3A_241 : memref<1x16xi32, #tpu.memory_space<hbm>> -> memref<16xi32, #tpu.memory_space<hbm>>
      tpu.wait_dma2 semaphore(%run_scoped3A : memref<!tpu.dma_semaphore, #tpu.memory_space<semaphore_mem>>) src(%arg11 : memref<16xi32, #tpu.memory_space<vmem>>) dst(%dma_wait3A_242 : memref<16xi32, #tpu.memory_space<hbm>>)
      tpu.yield
    }) : () -> ()
    %mul3A_111 = arith.constant 2 : i32
    %mul3A_112 = arith.muli %add3A, %mul3A_111 : i32
    %add3A_113 = arith.constant 1 : i32
    %add3A_114 = arith.addi %mul3A_112, %add3A_113 : i32
    "tpu.region"() ({
      %run_scoped3A = tpu.sem_alloc : memref<!tpu.dma_semaphore, #tpu.memory_space<semaphore_mem>>
      %dma_start3A = arith.constant 0 : i32
      %dma_start3A_233 = tpu.memref_slice %arg2[%add3A_114, %dma_start3A] : memref<64x100000xf32, #tpu.memory_space<hbm>> -> memref<1x100000xf32, #tpu.memory_space<hbm>>
      %dma_start3A_234 = tpu.memref_squeeze %dma_start3A_233 : memref<1x100000xf32, #tpu.memory_space<hbm>> -> memref<100000xf32, #tpu.memory_space<hbm>>
      %dma_start3A_235 = arith.constant 0 : i32
      %dma_start3A_236 = tpu.memref_slice %arg2[%add3A_114, %dma_start3A_235] : memref<64x100000xf32, #tpu.memory_space<hbm>> -> memref<1x100000xf32, #tpu.memory_space<hbm>>
      %dma_start3A_237 = tpu.memref_squeeze %dma_start3A_236 : memref<1x100000xf32, #tpu.memory_space<hbm>> -> memref<100000xf32, #tpu.memory_space<hbm>>
      tpu.enqueue_dma source(%dma_start3A_237 : memref<100000xf32, #tpu.memory_space<hbm>>) target(%arg5 : memref<100000xf32, #tpu.memory_space<vmem>>) target_semaphore(%run_scoped3A : memref<!tpu.dma_semaphore, #tpu.memory_space<semaphore_mem>>)
      %dma_wait3A = arith.constant 0 : i32
      %dma_wait3A_238 = tpu.memref_slice %arg2[%add3A_114, %dma_wait3A] : memref<64x100000xf32, #tpu.memory_space<hbm>> -> memref<1x100000xf32, #tpu.memory_space<hbm>>
      %dma_wait3A_239 = tpu.memref_squeeze %dma_wait3A_238 : memref<1x100000xf32, #tpu.memory_space<hbm>> -> memref<100000xf32, #tpu.memory_space<hbm>>
      %dma_wait3A_240 = arith.constant 0 : i32
      %dma_wait3A_241 = tpu.memref_slice %arg2[%add3A_114, %dma_wait3A_240] : memref<64x100000xf32, #tpu.memory_space<hbm>> -> memref<1x100000xf32, #tpu.memory_space<hbm>>
      %dma_wait3A_242 = tpu.memref_squeeze %dma_wait3A_241 : memref<1x100000xf32, #tpu.memory_space<hbm>> -> memref<100000xf32, #tpu.memory_space<hbm>>
      tpu.wait_dma2 semaphore(%run_scoped3A : memref<!tpu.dma_semaphore, #tpu.memory_space<semaphore_mem>>) src(%dma_wait3A_242 : memref<100000xf32, #tpu.memory_space<hbm>>) dst(%arg5 : memref<100000xf32, #tpu.memory_space<vmem>>)
      tpu.yield
    }) : () -> ()
    %broadcast_in_dim3A_115 = arith.constant -3.400000e+38 : f32
    %broadcast_in_dim3A_116 = vector.broadcast %broadcast_in_dim3A_115 : f32 to vector<16xf32>
    %scan3A_117 = arith.constant 0 : i32
    %scan3A_118 = arith.constant 625 : i32
    %scan3A_119 = arith.addi %scan3A_117, %scan3A_118 : i32
    %scan3A_120 = arith.constant 1 : i32
    %scan3A_121 = scf.for %scan3A_233 = %scan3A_117 to %scan3A_119 step %scan3A_120 iter_args(%scan3A_234 = %broadcast_in_dim3A_116) -> (vector<16xf32>)  : i32 {
      %mul3A_235 = arith.constant 160 : i32
      %mul3A_236 = arith.muli %scan3A_233, %mul3A_235 : i32
      %get3A = arith.index_cast %mul3A_236 : i32 to index
      %get3A_237 = tpu.vector_load %arg5[%get3A] {strides = array<i32>} : memref<100000xf32, #tpu.memory_space<vmem>>, vector<16xf32>,
      %add3A_238 = arith.constant 16 : i32
      %add3A_239 = arith.addi %mul3A_236, %add3A_238 : i32
      %get3A_240 = arith.index_cast %add3A_239 : i32 to index
      %get3A_241 = tpu.vector_load %arg5[%get3A_240] {strides = array<i32>} : memref<100000xf32, #tpu.memory_space<vmem>>, vector<16xf32>,
      %max3A = arith.maximumf %get3A_237, %get3A_241 : vector<16xf32>
      %add3A_242 = arith.constant 32 : i32
      %add3A_243 = arith.addi %mul3A_236, %add3A_242 : i32
      %get3A_244 = arith.index_cast %add3A_243 : i32 to index
      %get3A_245 = tpu.vector_load %arg5[%get3A_244] {strides = array<i32>} : memref<100000xf32, #tpu.memory_space<vmem>>, vector<16xf32>,
      %max3A_246 = arith.maximumf %max3A, %get3A_245 : vector<16xf32>
      %add3A_247 = arith.constant 48 : i32
      %add3A_248 = arith.addi %mul3A_236, %add3A_247 : i32
      %get3A_249 = arith.index_cast %add3A_248 : i32 to index
      %get3A_250 = tpu.vector_load %arg5[%get3A_249] {strides = array<i32>} : memref<100000xf32, #tpu.memory_space<vmem>>, vector<16xf32>,
      %max3A_251 = arith.maximumf %max3A_246, %get3A_250 : vector<16xf32>
      %add3A_252 = arith.constant 64 : i32
      %add3A_253 = arith.addi %mul3A_236, %add3A_252 : i32
      %get3A_254 = arith.index_cast %add3A_253 : i32 to index
      %get3A_255 = tpu.vector_load %arg5[%get3A_254] {strides = array<i32>} : memref<100000xf32, #tpu.memory_space<vmem>>, vector<16xf32>,
      %max3A_256 = arith.maximumf %max3A_251, %get3A_255 : vector<16xf32>
      %add3A_257 = arith.constant 80 : i32
      %add3A_258 = arith.addi %mul3A_236, %add3A_257 : i32
      %get3A_259 = arith.index_cast %add3A_258 : i32 to index
      %get3A_260 = tpu.vector_load %arg5[%get3A_259] {strides = array<i32>} : memref<100000xf32, #tpu.memory_space<vmem>>, vector<16xf32>,
      %max3A_261 = arith.maximumf %max3A_256, %get3A_260 : vector<16xf32>
      %add3A_262 = arith.constant 96 : i32
      %add3A_263 = arith.addi %mul3A_236, %add3A_262 : i32
      %get3A_264 = arith.index_cast %add3A_263 : i32 to index
      %get3A_265 = tpu.vector_load %arg5[%get3A_264] {strides = array<i32>} : memref<100000xf32, #tpu.memory_space<vmem>>, vector<16xf32>,
      %max3A_266 = arith.maximumf %max3A_261, %get3A_265 : vector<16xf32>
      %add3A_267 = arith.constant 112 : i32
      %add3A_268 = arith.addi %mul3A_236, %add3A_267 : i32
      %get3A_269 = arith.index_cast %add3A_268 : i32 to index
      %get3A_270 = tpu.vector_load %arg5[%get3A_269] {strides = array<i32>} : memref<100000xf32, #tpu.memory_space<vmem>>, vector<16xf32>,
      %max3A_271 = arith.maximumf %max3A_266, %get3A_270 : vector<16xf32>
      %add3A_272 = arith.constant 128 : i32
      %add3A_273 = arith.addi %mul3A_236, %add3A_272 : i32
      %get3A_274 = arith.index_cast %add3A_273 : i32 to index
      %get3A_275 = tpu.vector_load %arg5[%get3A_274] {strides = array<i32>} : memref<100000xf32, #tpu.memory_space<vmem>>, vector<16xf32>,
      %max3A_276 = arith.maximumf %max3A_271, %get3A_275 : vector<16xf32>
      %add3A_277 = arith.constant 144 : i32
      %add3A_278 = arith.addi %mul3A_236, %add3A_277 : i32
      %get3A_279 = arith.index_cast %add3A_278 : i32 to index
      %get3A_280 = tpu.vector_load %arg5[%get3A_279] {strides = array<i32>} : memref<100000xf32, #tpu.memory_space<vmem>>, vector<16xf32>,
      %max3A_281 = arith.maximumf %max3A_276, %get3A_280 : vector<16xf32>
      %mul3A_282 = arith.constant 16 : i32
      %mul3A_283 = arith.muli %scan3A_233, %mul3A_282 : i32
      %swap3A_284 = arith.index_cast %mul3A_283 : i32 to index
      %swap3A_285 = tpu.vector_load %arg6[%swap3A_284] {strides = array<i32>} : memref<10000xf32, #tpu.memory_space<vmem>>, vector<16xf32>,
      tpu.vector_store %arg6[%swap3A_284], %max3A_281 {strides = array<i32>} : memref<10000xf32, #tpu.memory_space<vmem>>, vector<16xf32>,
      %max3A_286 = arith.maximumf %scan3A_234, %max3A_281 : vector<16xf32>
      scf.yield %max3A_286 : vector<16xf32>
    }
    %scan3A_122 = arith.constant 625 : i32
    %reduce_min3A_123 = arith.constant true
    %reduce_min3A_124 = vector.broadcast %reduce_min3A_123 : i1 to vector<16xi1>
    %reduce_min3A_125 = tpu.scan <min>, %scan3A_121 masked %reduce_min3A_124 : vector<16xf32>, vector<16xi1> -> vector<16xf32>
    %reduce_min3A_126 = vector.extract %reduce_min3A_125[15] : f32 from vector<16xf32>
    %broadcast_in_dim3A_127 = vector.broadcast %reduce_min3A_126 : f32 to vector<16xf32>
    %scan3A_128 = arith.constant 0 : i32
    %scan3A_129 = arith.constant 125 : i32
    %scan3A_130 = arith.addi %scan3A_128, %scan3A_129 : i32
    %scan3A_131 = arith.constant 1 : i32
    %scan3A_132 = scf.for %scan3A_233 = %scan3A_128 to %scan3A_130 step %scan3A_131 iter_args(%scan3A_234 = %broadcast_in_dim3A_1) -> (vector<16xi32>)  : i32 {
      %mul3A_235 = arith.constant 80 : i32
      %mul3A_236 = arith.muli %scan3A_233, %mul3A_235 : i32
      %add3A_237 = arith.constant 0 : i32
      %add3A_238 = arith.addi %mul3A_236, %add3A_237 : i32
      %get3A = arith.index_cast %add3A_238 : i32 to index
      %get3A_239 = tpu.vector_load %arg6[%get3A] {strides = array<i32>} : memref<10000xf32, #tpu.memory_space<vmem>>, vector<16xf32>,
      %ge3A = arith.cmpf oge, %get3A_239, %broadcast_in_dim3A_127 : vector<16xf32>
      %jit3A_240 = arith.constant 1 : i32
      %jit3A_241 = arith.constant 0 : i32
      %broadcast_in_dim3A_242 = vector.broadcast %jit3A_240 : i32 to vector<16xi32>
      %broadcast_in_dim3A_243 = vector.broadcast %jit3A_241 : i32 to vector<16xi32>
      %select_n3A_244 = arith.select %ge3A, %broadcast_in_dim3A_242, %broadcast_in_dim3A_243 : vector<16xi1>, vector<16xi32>
      %broadcast_in_dim3A_245 = arith.constant true
      %broadcast_in_dim3A_246 = vector.broadcast %broadcast_in_dim3A_245 : i1 to vector<16xi1>
      %masked_cumsum3A = tpu.scan <sum>, %select_n3A_244 masked %broadcast_in_dim3A_246 : vector<16xi32>, vector<16xi1> -> vector<16xi32>
      %add3A_247 = arith.addi %scan3A_234, %masked_cumsum3A : vector<16xi32>
      %sub3A_248 = arith.constant 1 : i32
      %sub3A_249 = vector.broadcast %sub3A_248 : i32 to vector<16xi32>
      %sub3A_250 = arith.subi %add3A_247, %sub3A_249 : vector<16xi32>
      %lt3A = arith.constant 1024 : i32
      %lt3A_251 = vector.broadcast %lt3A : i32 to vector<16xi32>
      %lt3A_252 = arith.cmpi slt, %sub3A_250, %lt3A_251 : vector<16xi32>
      %and3A_253 = arith.andi %ge3A, %lt3A_252 : vector<16xi1>
      %add3A_254 = vector.broadcast %add3A_238 : i32 to vector<16xi32>
      %add3A_255 = arith.addi %iota3A, %add3A_254 : vector<16xi32>
      tpu.vector_store_idx %arg7[%sub3A_250], %add3A_255 masked %and3A_253 : memref<1024xi32, #tpu.memory_space<vmem>>[vector<16xi32>], vector<16xi32>, vector<16xi1>
      %lt3A_256 = arith.constant 0 : i32
      %lt3A_257 = vector.broadcast %lt3A_256 : i32 to vector<16xi32>
      %lt3A_258 = arith.cmpi slt, %broadcast_in_dim3A_3, %lt3A_257 : vector<16xi32>
      %add3A_259 = arith.constant 16 : i32
      %add3A_260 = vector.broadcast %add3A_259 : i32 to vector<16xi32>
      %add3A_261 = arith.addi %broadcast_in_dim3A_3, %add3A_260 : vector<16xi32>
      %select_n3A_262 = arith.select %lt3A_258, %add3A_261, %broadcast_in_dim3A_3 : vector<16xi1>, vector<16xi32>
      %broadcast_in_dim3A_263 = vector.shape_cast %select_n3A_262 : vector<16xi32> to vector<16x1xi32>
      %gather3A = vector.shape_cast %broadcast_in_dim3A_263 : vector<16x1xi32> to vector<16xi32>
      %gather3A_264 = tpu.dynamic_gather %masked_cumsum3A[%gather3A] in [0] : vector<16xi32>, vector<16xi32> -> vector<16xi32>
      %add3A_265 = arith.addi %scan3A_234, %gather3A_264 : vector<16xi32>
      %add3A_266 = arith.constant 16 : i32
      %add3A_267 = arith.addi %mul3A_236, %add3A_266 : i32
      %get3A_268 = arith.index_cast %add3A_267 : i32 to index
      %get3A_269 = tpu.vector_load %arg6[%get3A_268] {strides = array<i32>} : memref<10000xf32, #tpu.memory_space<vmem>>, vector<16xf32>,
      %ge3A_270 = arith.cmpf oge, %get3A_269, %broadcast_in_dim3A_127 : vector<16xf32>
      %jit3A_271 = arith.constant 1 : i32
      %jit3A_272 = arith.constant 0 : i32
      %broadcast_in_dim3A_273 = vector.broadcast %jit3A_271 : i32 to vector<16xi32>
      %broadcast_in_dim3A_274 = vector.broadcast %jit3A_272 : i32 to vector<16xi32>
      %select_n3A_275 = arith.select %ge3A_270, %broadcast_in_dim3A_273, %broadcast_in_dim3A_274 : vector<16xi1>, vector<16xi32>
      %broadcast_in_dim3A_276 = arith.constant true
      %broadcast_in_dim3A_277 = vector.broadcast %broadcast_in_dim3A_276 : i1 to vector<16xi1>
      %masked_cumsum3A_278 = tpu.scan <sum>, %select_n3A_275 masked %broadcast_in_dim3A_277 : vector<16xi32>, vector<16xi1> -> vector<16xi32>
      %add3A_279 = arith.addi %add3A_265, %masked_cumsum3A_278 : vector<16xi32>
      %sub3A_280 = arith.constant 1 : i32
      %sub3A_281 = vector.broadcast %sub3A_280 : i32 to vector<16xi32>
      %sub3A_282 = arith.subi %add3A_279, %sub3A_281 : vector<16xi32>
      %lt3A_283 = arith.constant 1024 : i32
      %lt3A_284 = vector.broadcast %lt3A_283 : i32 to vector<16xi32>
      %lt3A_285 = arith.cmpi slt, %sub3A_282, %lt3A_284 : vector<16xi32>
      %and3A_286 = arith.andi %ge3A_270, %lt3A_285 : vector<16xi1>
      %add3A_287 = vector.broadcast %add3A_267 : i32 to vector<16xi32>
      %add3A_288 = arith.addi %iota3A, %add3A_287 : vector<16xi32>
      tpu.vector_store_idx %arg7[%sub3A_282], %add3A_288 masked %and3A_286 : memref<1024xi32, #tpu.memory_space<vmem>>[vector<16xi32>], vector<16xi32>, vector<16xi1>
      %lt3A_289 = arith.constant 0 : i32
      %lt3A_290 = vector.broadcast %lt3A_289 : i32 to vector<16xi32>
      %lt3A_291 = arith.cmpi slt, %broadcast_in_dim3A_3, %lt3A_290 : vector<16xi32>
      %add3A_292 = arith.constant 16 : i32
      %add3A_293 = vector.broadcast %add3A_292 : i32 to vector<16xi32>
      %add3A_294 = arith.addi %broadcast_in_dim3A_3, %add3A_293 : vector<16xi32>
      %select_n3A_295 = arith.select %lt3A_291, %add3A_294, %broadcast_in_dim3A_3 : vector<16xi1>, vector<16xi32>
      %broadcast_in_dim3A_296 = vector.shape_cast %select_n3A_295 : vector<16xi32> to vector<16x1xi32>
      %gather3A_297 = vector.shape_cast %broadcast_in_dim3A_296 : vector<16x1xi32> to vector<16xi32>
      %gather3A_298 = tpu.dynamic_gather %masked_cumsum3A_278[%gather3A_297] in [0] : vector<16xi32>, vector<16xi32> -> vector<16xi32>
      %add3A_299 = arith.addi %add3A_265, %gather3A_298 : vector<16xi32>
      %add3A_300 = arith.constant 32 : i32
      %add3A_301 = arith.addi %mul3A_236, %add3A_300 : i32
      %get3A_302 = arith.index_cast %add3A_301 : i32 to index
      %get3A_303 = tpu.vector_load %arg6[%get3A_302] {strides = array<i32>} : memref<10000xf32, #tpu.memory_space<vmem>>, vector<16xf32>,
      %ge3A_304 = arith.cmpf oge, %get3A_303, %broadcast_in_dim3A_127 : vector<16xf32>
      %jit3A_305 = arith.constant 1 : i32
      %jit3A_306 = arith.constant 0 : i32
      %broadcast_in_dim3A_307 = vector.broadcast %jit3A_305 : i32 to vector<16xi32>
      %broadcast_in_dim3A_308 = vector.broadcast %jit3A_306 : i32 to vector<16xi32>
      %select_n3A_309 = arith.select %ge3A_304, %broadcast_in_dim3A_307, %broadcast_in_dim3A_308 : vector<16xi1>, vector<16xi32>
      %broadcast_in_dim3A_310 = arith.constant true
      %broadcast_in_dim3A_311 = vector.broadcast %broadcast_in_dim3A_310 : i1 to vector<16xi1>
      %masked_cumsum3A_312 = tpu.scan <sum>, %select_n3A_309 masked %broadcast_in_dim3A_311 : vector<16xi32>, vector<16xi1> -> vector<16xi32>
      %add3A_313 = arith.addi %add3A_299, %masked_cumsum3A_312 : vector<16xi32>
      %sub3A_314 = arith.constant 1 : i32
      %sub3A_315 = vector.broadcast %sub3A_314 : i32 to vector<16xi32>
      %sub3A_316 = arith.subi %add3A_313, %sub3A_315 : vector<16xi32>
      %lt3A_317 = arith.constant 1024 : i32
      %lt3A_318 = vector.broadcast %lt3A_317 : i32 to vector<16xi32>
      %lt3A_319 = arith.cmpi slt, %sub3A_316, %lt3A_318 : vector<16xi32>
      %and3A_320 = arith.andi %ge3A_304, %lt3A_319 : vector<16xi1>
      %add3A_321 = vector.broadcast %add3A_301 : i32 to vector<16xi32>
      %add3A_322 = arith.addi %iota3A, %add3A_321 : vector<16xi32>
      tpu.vector_store_idx %arg7[%sub3A_316], %add3A_322 masked %and3A_320 : memref<1024xi32, #tpu.memory_space<vmem>>[vector<16xi32>], vector<16xi32>, vector<16xi1>
      %lt3A_323 = arith.constant 0 : i32
      %lt3A_324 = vector.broadcast %lt3A_323 : i32 to vector<16xi32>
      %lt3A_325 = arith.cmpi slt, %broadcast_in_dim3A_3, %lt3A_324 : vector<16xi32>
      %add3A_326 = arith.constant 16 : i32
      %add3A_327 = vector.broadcast %add3A_326 : i32 to vector<16xi32>
      %add3A_328 = arith.addi %broadcast_in_dim3A_3, %add3A_327 : vector<16xi32>
      %select_n3A_329 = arith.select %lt3A_325, %add3A_328, %broadcast_in_dim3A_3 : vector<16xi1>, vector<16xi32>
      %broadcast_in_dim3A_330 = vector.shape_cast %select_n3A_329 : vector<16xi32> to vector<16x1xi32>
      %gather3A_331 = vector.shape_cast %broadcast_in_dim3A_330 : vector<16x1xi32> to vector<16xi32>
      %gather3A_332 = tpu.dynamic_gather %masked_cumsum3A_312[%gather3A_331] in [0] : vector<16xi32>, vector<16xi32> -> vector<16xi32>
      %add3A_333 = arith.addi %add3A_299, %gather3A_332 : vector<16xi32>
      %add3A_334 = arith.constant 48 : i32
      %add3A_335 = arith.addi %mul3A_236, %add3A_334 : i32
      %get3A_336 = arith.index_cast %add3A_335 : i32 to index
      %get3A_337 = tpu.vector_load %arg6[%get3A_336] {strides = array<i32>} : memref<10000xf32, #tpu.memory_space<vmem>>, vector<16xf32>,
      %ge3A_338 = arith.cmpf oge, %get3A_337, %broadcast_in_dim3A_127 : vector<16xf32>
      %jit3A_339 = arith.constant 1 : i32
      %jit3A_340 = arith.constant 0 : i32
      %broadcast_in_dim3A_341 = vector.broadcast %jit3A_339 : i32 to vector<16xi32>
      %broadcast_in_dim3A_342 = vector.broadcast %jit3A_340 : i32 to vector<16xi32>
      %select_n3A_343 = arith.select %ge3A_338, %broadcast_in_dim3A_341, %broadcast_in_dim3A_342 : vector<16xi1>, vector<16xi32>
      %broadcast_in_dim3A_344 = arith.constant true
      %broadcast_in_dim3A_345 = vector.broadcast %broadcast_in_dim3A_344 : i1 to vector<16xi1>
      %masked_cumsum3A_346 = tpu.scan <sum>, %select_n3A_343 masked %broadcast_in_dim3A_345 : vector<16xi32>, vector<16xi1> -> vector<16xi32>
      %add3A_347 = arith.addi %add3A_333, %masked_cumsum3A_346 : vector<16xi32>
      %sub3A_348 = arith.constant 1 : i32
      %sub3A_349 = vector.broadcast %sub3A_348 : i32 to vector<16xi32>
      %sub3A_350 = arith.subi %add3A_347, %sub3A_349 : vector<16xi32>
      %lt3A_351 = arith.constant 1024 : i32
      %lt3A_352 = vector.broadcast %lt3A_351 : i32 to vector<16xi32>
      %lt3A_353 = arith.cmpi slt, %sub3A_350, %lt3A_352 : vector<16xi32>
      %and3A_354 = arith.andi %ge3A_338, %lt3A_353 : vector<16xi1>
      %add3A_355 = vector.broadcast %add3A_335 : i32 to vector<16xi32>
      %add3A_356 = arith.addi %iota3A, %add3A_355 : vector<16xi32>
      tpu.vector_store_idx %arg7[%sub3A_350], %add3A_356 masked %and3A_354 : memref<1024xi32, #tpu.memory_space<vmem>>[vector<16xi32>], vector<16xi32>, vector<16xi1>
      %lt3A_357 = arith.constant 0 : i32
      %lt3A_358 = vector.broadcast %lt3A_357 : i32 to vector<16xi32>
      %lt3A_359 = arith.cmpi slt, %broadcast_in_dim3A_3, %lt3A_358 : vector<16xi32>
      %add3A_360 = arith.constant 16 : i32
      %add3A_361 = vector.broadcast %add3A_360 : i32 to vector<16xi32>
      %add3A_362 = arith.addi %broadcast_in_dim3A_3, %add3A_361 : vector<16xi32>
      %select_n3A_363 = arith.select %lt3A_359, %add3A_362, %broadcast_in_dim3A_3 : vector<16xi1>, vector<16xi32>
      %broadcast_in_dim3A_364 = vector.shape_cast %select_n3A_363 : vector<16xi32> to vector<16x1xi32>
      %gather3A_365 = vector.shape_cast %broadcast_in_dim3A_364 : vector<16x1xi32> to vector<16xi32>
      %gather3A_366 = tpu.dynamic_gather %masked_cumsum3A_346[%gather3A_365] in [0] : vector<16xi32>, vector<16xi32> -> vector<16xi32>
      %add3A_367 = arith.addi %add3A_333, %gather3A_366 : vector<16xi32>
      %add3A_368 = arith.constant 64 : i32
      %add3A_369 = arith.addi %mul3A_236, %add3A_368 : i32
      %get3A_370 = arith.index_cast %add3A_369 : i32 to index
      %get3A_371 = tpu.vector_load %arg6[%get3A_370] {strides = array<i32>} : memref<10000xf32, #tpu.memory_space<vmem>>, vector<16xf32>,
      %ge3A_372 = arith.cmpf oge, %get3A_371, %broadcast_in_dim3A_127 : vector<16xf32>
      %jit3A_373 = arith.constant 1 : i32
      %jit3A_374 = arith.constant 0 : i32
      %broadcast_in_dim3A_375 = vector.broadcast %jit3A_373 : i32 to vector<16xi32>
      %broadcast_in_dim3A_376 = vector.broadcast %jit3A_374 : i32 to vector<16xi32>
      %select_n3A_377 = arith.select %ge3A_372, %broadcast_in_dim3A_375, %broadcast_in_dim3A_376 : vector<16xi1>, vector<16xi32>
      %broadcast_in_dim3A_378 = arith.constant true
      %broadcast_in_dim3A_379 = vector.broadcast %broadcast_in_dim3A_378 : i1 to vector<16xi1>
      %masked_cumsum3A_380 = tpu.scan <sum>, %select_n3A_377 masked %broadcast_in_dim3A_379 : vector<16xi32>, vector<16xi1> -> vector<16xi32>
      %add3A_381 = arith.addi %add3A_367, %masked_cumsum3A_380 : vector<16xi32>
      %sub3A_382 = arith.constant 1 : i32
      %sub3A_383 = vector.broadcast %sub3A_382 : i32 to vector<16xi32>
      %sub3A_384 = arith.subi %add3A_381, %sub3A_383 : vector<16xi32>
      %lt3A_385 = arith.constant 1024 : i32
      %lt3A_386 = vector.broadcast %lt3A_385 : i32 to vector<16xi32>
      %lt3A_387 = arith.cmpi slt, %sub3A_384, %lt3A_386 : vector<16xi32>
      %and3A_388 = arith.andi %ge3A_372, %lt3A_387 : vector<16xi1>
      %add3A_389 = vector.broadcast %add3A_369 : i32 to vector<16xi32>
      %add3A_390 = arith.addi %iota3A, %add3A_389 : vector<16xi32>
      tpu.vector_store_idx %arg7[%sub3A_384], %add3A_390 masked %and3A_388 : memref<1024xi32, #tpu.memory_space<vmem>>[vector<16xi32>], vector<16xi32>, vector<16xi1>
      %lt3A_391 = arith.constant 0 : i32
      %lt3A_392 = vector.broadcast %lt3A_391 : i32 to vector<16xi32>
      %lt3A_393 = arith.cmpi slt, %broadcast_in_dim3A_3, %lt3A_392 : vector<16xi32>
      %add3A_394 = arith.constant 16 : i32
      %add3A_395 = vector.broadcast %add3A_394 : i32 to vector<16xi32>
      %add3A_396 = arith.addi %broadcast_in_dim3A_3, %add3A_395 : vector<16xi32>
      %select_n3A_397 = arith.select %lt3A_393, %add3A_396, %broadcast_in_dim3A_3 : vector<16xi1>, vector<16xi32>
      %broadcast_in_dim3A_398 = vector.shape_cast %select_n3A_397 : vector<16xi32> to vector<16x1xi32>
      %gather3A_399 = vector.shape_cast %broadcast_in_dim3A_398 : vector<16x1xi32> to vector<16xi32>
      %gather3A_400 = tpu.dynamic_gather %masked_cumsum3A_380[%gather3A_399] in [0] : vector<16xi32>, vector<16xi32> -> vector<16xi32>
      %add3A_401 = arith.addi %add3A_367, %gather3A_400 : vector<16xi32>
      scf.yield %add3A_401 : vector<16xi32>
    }
    %scan3A_133 = arith.constant 125 : i32
    %slice3A_134 = vector.extract_strided_slice %scan3A_132 {offsets = [0], sizes = [1], strides = [1]} : vector<16xi32> to vector<1xi32>
    %squeeze3A_135 = vector.extract %slice3A_134[0] : i32 from vector<1xi32>
    %min3A_136 = arith.constant 1024 : i32
    %min3A_137 = arith.minsi %squeeze3A_135, %min3A_136 : i32
    %add3A_138 = arith.constant 16 : i32
    %add3A_139 = arith.addi %min3A_137, %add3A_138 : i32
    %sub3A_140 = arith.constant 1 : i32
    %sub3A_141 = arith.subi %add3A_139, %sub3A_140 : i32
    %jit3A_142 = arith.constant 16 : i32
    %div3A_143 = arith.divsi %sub3A_141, %jit3A_142 : i32
    %sign3A_144 = arith.constant 0 : i32
    %sign3A_145 = arith.cmpi sgt, %sub3A_141, %sign3A_144 : i32
    %sign3A_146 = arith.extui %sign3A_145 : i1 to i32
    %sign3A_147 = arith.constant 0 : i32
    %sign3A_148 = arith.cmpi slt, %sub3A_141, %sign3A_147 : i32
    %sign3A_149 = arith.extui %sign3A_148 : i1 to i32
    %sign3A_150 = arith.subi %sign3A_146, %sign3A_149 : i32
    %sign3A_151 = arith.constant 0 : i32
    %sign3A_152 = arith.cmpi sgt, %jit3A_142, %sign3A_151 : i32
    %sign3A_153 = arith.extui %sign3A_152 : i1 to i32
    %sign3A_154 = arith.constant 0 : i32
    %sign3A_155 = arith.cmpi slt, %jit3A_142, %sign3A_154 : i32
    %sign3A_156 = arith.extui %sign3A_155 : i1 to i32
    %sign3A_157 = arith.subi %sign3A_153, %sign3A_156 : i32
    %ne3A_158 = arith.cmpi ne, %sign3A_150, %sign3A_157 : i32
    %rem3A_159 = arith.remsi %sub3A_141, %jit3A_142 : i32
    %ne3A_160 = arith.constant 0 : i32
    %ne3A_161 = arith.cmpi ne, %rem3A_159, %ne3A_160 : i32
    %and3A_162 = arith.andi %ne3A_158, %ne3A_161 : i1
    %sub3A_163 = arith.constant 1 : i32
    %sub3A_164 = arith.subi %div3A_143, %sub3A_163 : i32
    %select_n3A_165 = arith.select %and3A_162, %sub3A_164, %div3A_143 : i32
    %while3A_166 = arith.constant 0 : i32
    %while3A_167 = arith.subi %select_n3A_165, %while3A_166 : i32
    %while3A_168 = arith.addi %while3A_166, %while3A_167 : i32
    %while3A_169 = arith.constant 1 : i32
    %while3A_170 = arith.divsi %while3A_167, %while3A_169 : i32
    %while3A_171 = arith.muli %while3A_170, %while3A_169 : i32
    %while3A_172 = arith.addi %while3A_166, %while3A_171 : i32
    %while3A_173 = arith.constant 1 : i32
    %while3A_174 = scf.for %while3A_233 = %while3A_166 to %while3A_172 step %while3A_173 iter_args(%while3A_234 = %broadcast_in_dim3A_1) -> (vector<16xi32>)  : i32 {
      %mul3A_235 = arith.constant 16 : i32
      %mul3A_236 = arith.muli %while3A_233, %mul3A_235 : i32
      %add3A_237 = vector.broadcast %mul3A_236 : i32 to vector<16xi32>
      %add3A_238 = arith.addi %add3A_237, %iota3A : vector<16xi32>
      %lt3A = vector.broadcast %min3A_137 : i32 to vector<16xi32>
      %lt3A_239 = arith.cmpi slt, %add3A_238, %lt3A : vector<16xi32>
      %mul3A_240 = arith.constant 16 : i32
      %mul3A_241 = arith.muli %while3A_233, %mul3A_240 : i32
      %get3A = arith.index_cast %mul3A_241 : i32 to index
      %get3A_242 = tpu.vector_load %arg7[%get3A] {strides = array<i32>} : memref<1024xi32, #tpu.memory_space<vmem>>, vector<16xi32>,
      %jit3A_243 = arith.constant 0 : i32
      %broadcast_in_dim3A_244 = vector.broadcast %jit3A_243 : i32 to vector<16xi32>
      %select_n3A_245 = arith.select %lt3A_239, %get3A_242, %broadcast_in_dim3A_244 : vector<16xi1>, vector<16xi32>
      %shift_right_arithmetic3A = arith.constant 4 : i32
      %shift_right_arithmetic3A_246 = vector.broadcast %shift_right_arithmetic3A : i32 to vector<16xi32>
      %shift_right_arithmetic3A_247 = arith.shrsi %select_n3A_245, %shift_right_arithmetic3A_246 : vector<16xi32>
      %and3A_248 = arith.constant 15 : i32
      %and3A_249 = vector.broadcast %and3A_248 : i32 to vector<16xi32>
      %and3A_250 = arith.andi %select_n3A_245, %and3A_249 : vector<16xi32>
      %mul3A_251 = arith.constant 160 : i32
      %mul3A_252 = vector.broadcast %mul3A_251 : i32 to vector<16xi32>
      %mul3A_253 = arith.muli %shift_right_arithmetic3A_247, %mul3A_252 : vector<16xi32>
      %add3A_254 = arith.addi %mul3A_253, %and3A_250 : vector<16xi32>
      %add3A_255 = arith.constant 0 : i32
      %add3A_256 = vector.broadcast %add3A_255 : i32 to vector<16xi32>
      %add3A_257 = arith.addi %add3A_254, %add3A_256 : vector<16xi32>
      %gather3A = tpu.vector_load_idx %arg5[%add3A_257] : memref<100000xf32, #tpu.memory_space<vmem>>[vector<16xi32>], vector<16xf32>,
      %ge3A = arith.cmpf oge, %gather3A, %broadcast_in_dim3A_127 : vector<16xf32>
      %and3A_258 = arith.andi %ge3A, %lt3A_239 : vector<16xi1>
      %jit3A_259 = arith.constant 1 : i32
      %jit3A_260 = arith.constant 0 : i32
      %broadcast_in_dim3A_261 = vector.broadcast %jit3A_259 : i32 to vector<16xi32>
      %broadcast_in_dim3A_262 = vector.broadcast %jit3A_260 : i32 to vector<16xi32>
      %select_n3A_263 = arith.select %and3A_258, %broadcast_in_dim3A_261, %broadcast_in_dim3A_262 : vector<16xi1>, vector<16xi32>
      %broadcast_in_dim3A_264 = arith.constant true
      %broadcast_in_dim3A_265 = vector.broadcast %broadcast_in_dim3A_264 : i1 to vector<16xi1>
      %masked_cumsum3A = tpu.scan <sum>, %select_n3A_263 masked %broadcast_in_dim3A_265 : vector<16xi32>, vector<16xi1> -> vector<16xi32>
      %add3A_266 = arith.addi %while3A_234, %masked_cumsum3A : vector<16xi32>
      %sub3A_267 = arith.constant 1 : i32
      %sub3A_268 = vector.broadcast %sub3A_267 : i32 to vector<16xi32>
      %sub3A_269 = arith.subi %add3A_266, %sub3A_268 : vector<16xi32>
      %lt3A_270 = arith.constant 1024 : i32
      %lt3A_271 = vector.broadcast %lt3A_270 : i32 to vector<16xi32>
      %lt3A_272 = arith.cmpi slt, %sub3A_269, %lt3A_271 : vector<16xi32>
      %and3A_273 = arith.andi %and3A_258, %lt3A_272 : vector<16xi1>
      tpu.vector_store_idx %arg8[%sub3A_269], %add3A_257 masked %and3A_273 : memref<1024xi32, #tpu.memory_space<vmem>>[vector<16xi32>], vector<16xi32>, vector<16xi1>
      %lt3A_274 = arith.constant 0 : i32
      %lt3A_275 = vector.broadcast %lt3A_274 : i32 to vector<16xi32>
      %lt3A_276 = arith.cmpi slt, %broadcast_in_dim3A_3, %lt3A_275 : vector<16xi32>
      %add3A_277 = arith.constant 16 : i32
      %add3A_278 = vector.broadcast %add3A_277 : i32 to vector<16xi32>
      %add3A_279 = arith.addi %broadcast_in_dim3A_3, %add3A_278 : vector<16xi32>
      %select_n3A_280 = arith.select %lt3A_276, %add3A_279, %broadcast_in_dim3A_3 : vector<16xi1>, vector<16xi32>
      %broadcast_in_dim3A_281 = vector.shape_cast %select_n3A_280 : vector<16xi32> to vector<16x1xi32>
      %gather3A_282 = vector.shape_cast %broadcast_in_dim3A_281 : vector<16x1xi32> to vector<16xi32>
      %gather3A_283 = tpu.dynamic_gather %masked_cumsum3A[%gather3A_282] in [0] : vector<16xi32>, vector<16xi32> -> vector<16xi32>
      %add3A_284 = arith.addi %while3A_234, %gather3A_283 : vector<16xi32>
      %add3A_285 = arith.constant 16 : i32
      %add3A_286 = vector.broadcast %add3A_285 : i32 to vector<16xi32>
      %add3A_287 = arith.addi %add3A_254, %add3A_286 : vector<16xi32>
      %gather3A_288 = tpu.vector_load_idx %arg5[%add3A_287] : memref<100000xf32, #tpu.memory_space<vmem>>[vector<16xi32>], vector<16xf32>,
      %ge3A_289 = arith.cmpf oge, %gather3A_288, %broadcast_in_dim3A_127 : vector<16xf32>
      %and3A_290 = arith.andi %ge3A_289, %lt3A_239 : vector<16xi1>
      %jit3A_291 = arith.constant 1 : i32
      %jit3A_292 = arith.constant 0 : i32
      %broadcast_in_dim3A_293 = vector.broadcast %jit3A_291 : i32 to vector<16xi32>
      %broadcast_in_dim3A_294 = vector.broadcast %jit3A_292 : i32 to vector<16xi32>
      %select_n3A_295 = arith.select %and3A_290, %broadcast_in_dim3A_293, %broadcast_in_dim3A_294 : vector<16xi1>, vector<16xi32>
      %broadcast_in_dim3A_296 = arith.constant true
      %broadcast_in_dim3A_297 = vector.broadcast %broadcast_in_dim3A_296 : i1 to vector<16xi1>
      %masked_cumsum3A_298 = tpu.scan <sum>, %select_n3A_295 masked %broadcast_in_dim3A_297 : vector<16xi32>, vector<16xi1> -> vector<16xi32>
      %add3A_299 = arith.addi %add3A_284, %masked_cumsum3A_298 : vector<16xi32>
      %sub3A_300 = arith.constant 1 : i32
      %sub3A_301 = vector.broadcast %sub3A_300 : i32 to vector<16xi32>
      %sub3A_302 = arith.subi %add3A_299, %sub3A_301 : vector<16xi32>
      %lt3A_303 = arith.constant 1024 : i32
      %lt3A_304 = vector.broadcast %lt3A_303 : i32 to vector<16xi32>
      %lt3A_305 = arith.cmpi slt, %sub3A_302, %lt3A_304 : vector<16xi32>
      %and3A_306 = arith.andi %and3A_290, %lt3A_305 : vector<16xi1>
      tpu.vector_store_idx %arg8[%sub3A_302], %add3A_287 masked %and3A_306 : memref<1024xi32, #tpu.memory_space<vmem>>[vector<16xi32>], vector<16xi32>, vector<16xi1>
      %lt3A_307 = arith.constant 0 : i32
      %lt3A_308 = vector.broadcast %lt3A_307 : i32 to vector<16xi32>
      %lt3A_309 = arith.cmpi slt, %broadcast_in_dim3A_3, %lt3A_308 : vector<16xi32>
      %add3A_310 = arith.constant 16 : i32
      %add3A_311 = vector.broadcast %add3A_310 : i32 to vector<16xi32>
      %add3A_312 = arith.addi %broadcast_in_dim3A_3, %add3A_311 : vector<16xi32>
      %select_n3A_313 = arith.select %lt3A_309, %add3A_312, %broadcast_in_dim3A_3 : vector<16xi1>, vector<16xi32>
      %broadcast_in_dim3A_314 = vector.shape_cast %select_n3A_313 : vector<16xi32> to vector<16x1xi32>
      %gather3A_315 = vector.shape_cast %broadcast_in_dim3A_314 : vector<16x1xi32> to vector<16xi32>
      %gather3A_316 = tpu.dynamic_gather %masked_cumsum3A_298[%gather3A_315] in [0] : vector<16xi32>, vector<16xi32> -> vector<16xi32>
      %add3A_317 = arith.addi %add3A_284, %gather3A_316 : vector<16xi32>
      %add3A_318 = arith.constant 32 : i32
      %add3A_319 = vector.broadcast %add3A_318 : i32 to vector<16xi32>
      %add3A_320 = arith.addi %add3A_254, %add3A_319 : vector<16xi32>
      %gather3A_321 = tpu.vector_load_idx %arg5[%add3A_320] : memref<100000xf32, #tpu.memory_space<vmem>>[vector<16xi32>], vector<16xf32>,
      %ge3A_322 = arith.cmpf oge, %gather3A_321, %broadcast_in_dim3A_127 : vector<16xf32>
      %and3A_323 = arith.andi %ge3A_322, %lt3A_239 : vector<16xi1>
      %jit3A_324 = arith.constant 1 : i32
      %jit3A_325 = arith.constant 0 : i32
      %broadcast_in_dim3A_326 = vector.broadcast %jit3A_324 : i32 to vector<16xi32>
      %broadcast_in_dim3A_327 = vector.broadcast %jit3A_325 : i32 to vector<16xi32>
      %select_n3A_328 = arith.select %and3A_323, %broadcast_in_dim3A_326, %broadcast_in_dim3A_327 : vector<16xi1>, vector<16xi32>
      %broadcast_in_dim3A_329 = arith.constant true
      %broadcast_in_dim3A_330 = vector.broadcast %broadcast_in_dim3A_329 : i1 to vector<16xi1>
      %masked_cumsum3A_331 = tpu.scan <sum>, %select_n3A_328 masked %broadcast_in_dim3A_330 : vector<16xi32>, vector<16xi1> -> vector<16xi32>
      %add3A_332 = arith.addi %add3A_317, %masked_cumsum3A_331 : vector<16xi32>
      %sub3A_333 = arith.constant 1 : i32
      %sub3A_334 = vector.broadcast %sub3A_333 : i32 to vector<16xi32>
      %sub3A_335 = arith.subi %add3A_332, %sub3A_334 : vector<16xi32>
      %lt3A_336 = arith.constant 1024 : i32
      %lt3A_337 = vector.broadcast %lt3A_336 : i32 to vector<16xi32>
      %lt3A_338 = arith.cmpi slt, %sub3A_335, %lt3A_337 : vector<16xi32>
      %and3A_339 = arith.andi %and3A_323, %lt3A_338 : vector<16xi1>
      tpu.vector_store_idx %arg8[%sub3A_335], %add3A_320 masked %and3A_339 : memref<1024xi32, #tpu.memory_space<vmem>>[vector<16xi32>], vector<16xi32>, vector<16xi1>
      %lt3A_340 = arith.constant 0 : i32
      %lt3A_341 = vector.broadcast %lt3A_340 : i32 to vector<16xi32>
      %lt3A_342 = arith.cmpi slt, %broadcast_in_dim3A_3, %lt3A_341 : vector<16xi32>
      %add3A_343 = arith.constant 16 : i32
      %add3A_344 = vector.broadcast %add3A_343 : i32 to vector<16xi32>
      %add3A_345 = arith.addi %broadcast_in_dim3A_3, %add3A_344 : vector<16xi32>
      %select_n3A_346 = arith.select %lt3A_342, %add3A_345, %broadcast_in_dim3A_3 : vector<16xi1>, vector<16xi32>
      %broadcast_in_dim3A_347 = vector.shape_cast %select_n3A_346 : vector<16xi32> to vector<16x1xi32>
      %gather3A_348 = vector.shape_cast %broadcast_in_dim3A_347 : vector<16x1xi32> to vector<16xi32>
      %gather3A_349 = tpu.dynamic_gather %masked_cumsum3A_331[%gather3A_348] in [0] : vector<16xi32>, vector<16xi32> -> vector<16xi32>
      %add3A_350 = arith.addi %add3A_317, %gather3A_349 : vector<16xi32>
      %add3A_351 = arith.constant 48 : i32
      %add3A_352 = vector.broadcast %add3A_351 : i32 to vector<16xi32>
      %add3A_353 = arith.addi %add3A_254, %add3A_352 : vector<16xi32>
      %gather3A_354 = tpu.vector_load_idx %arg5[%add3A_353] : memref<100000xf32, #tpu.memory_space<vmem>>[vector<16xi32>], vector<16xf32>,
      %ge3A_355 = arith.cmpf oge, %gather3A_354, %broadcast_in_dim3A_127 : vector<16xf32>
      %and3A_356 = arith.andi %ge3A_355, %lt3A_239 : vector<16xi1>
      %jit3A_357 = arith.constant 1 : i32
      %jit3A_358 = arith.constant 0 : i32
      %broadcast_in_dim3A_359 = vector.broadcast %jit3A_357 : i32 to vector<16xi32>
      %broadcast_in_dim3A_360 = vector.broadcast %jit3A_358 : i32 to vector<16xi32>
      %select_n3A_361 = arith.select %and3A_356, %broadcast_in_dim3A_359, %broadcast_in_dim3A_360 : vector<16xi1>, vector<16xi32>
      %broadcast_in_dim3A_362 = arith.constant true
      %broadcast_in_dim3A_363 = vector.broadcast %broadcast_in_dim3A_362 : i1 to vector<16xi1>
      %masked_cumsum3A_364 = tpu.scan <sum>, %select_n3A_361 masked %broadcast_in_dim3A_363 : vector<16xi32>, vector<16xi1> -> vector<16xi32>
      %add3A_365 = arith.addi %add3A_350, %masked_cumsum3A_364 : vector<16xi32>
      %sub3A_366 = arith.constant 1 : i32
      %sub3A_367 = vector.broadcast %sub3A_366 : i32 to vector<16xi32>
      %sub3A_368 = arith.subi %add3A_365, %sub3A_367 : vector<16xi32>
      %lt3A_369 = arith.constant 1024 : i32
      %lt3A_370 = vector.broadcast %lt3A_369 : i32 to vector<16xi32>
      %lt3A_371 = arith.cmpi slt, %sub3A_368, %lt3A_370 : vector<16xi32>
      %and3A_372 = arith.andi %and3A_356, %lt3A_371 : vector<16xi1>
      tpu.vector_store_idx %arg8[%sub3A_368], %add3A_353 masked %and3A_372 : memref<1024xi32, #tpu.memory_space<vmem>>[vector<16xi32>], vector<16xi32>, vector<16xi1>
      %lt3A_373 = arith.constant 0 : i32
      %lt3A_374 = vector.broadcast %lt3A_373 : i32 to vector<16xi32>
      %lt3A_375 = arith.cmpi slt, %broadcast_in_dim3A_3, %lt3A_374 : vector<16xi32>
      %add3A_376 = arith.constant 16 : i32
      %add3A_377 = vector.broadcast %add3A_376 : i32 to vector<16xi32>
      %add3A_378 = arith.addi %broadcast_in_dim3A_3, %add3A_377 : vector<16xi32>
      %select_n3A_379 = arith.select %lt3A_375, %add3A_378, %broadcast_in_dim3A_3 : vector<16xi1>, vector<16xi32>
      %broadcast_in_dim3A_380 = vector.shape_cast %select_n3A_379 : vector<16xi32> to vector<16x1xi32>
      %gather3A_381 = vector.shape_cast %broadcast_in_dim3A_380 : vector<16x1xi32> to vector<16xi32>
      %gather3A_382 = tpu.dynamic_gather %masked_cumsum3A_364[%gather3A_381] in [0] : vector<16xi32>, vector<16xi32> -> vector<16xi32>
      %add3A_383 = arith.addi %add3A_350, %gather3A_382 : vector<16xi32>
      %add3A_384 = arith.constant 64 : i32
      %add3A_385 = vector.broadcast %add3A_384 : i32 to vector<16xi32>
      %add3A_386 = arith.addi %add3A_254, %add3A_385 : vector<16xi32>
      %gather3A_387 = tpu.vector_load_idx %arg5[%add3A_386] : memref<100000xf32, #tpu.memory_space<vmem>>[vector<16xi32>], vector<16xf32>,
      %ge3A_388 = arith.cmpf oge, %gather3A_387, %broadcast_in_dim3A_127 : vector<16xf32>
      %and3A_389 = arith.andi %ge3A_388, %lt3A_239 : vector<16xi1>
      %jit3A_390 = arith.constant 1 : i32
      %jit3A_391 = arith.constant 0 : i32
      %broadcast_in_dim3A_392 = vector.broadcast %jit3A_390 : i32 to vector<16xi32>
      %broadcast_in_dim3A_393 = vector.broadcast %jit3A_391 : i32 to vector<16xi32>
      %select_n3A_394 = arith.select %and3A_389, %broadcast_in_dim3A_392, %broadcast_in_dim3A_393 : vector<16xi1>, vector<16xi32>
      %broadcast_in_dim3A_395 = arith.constant true
      %broadcast_in_dim3A_396 = vector.broadcast %broadcast_in_dim3A_395 : i1 to vector<16xi1>
      %masked_cumsum3A_397 = tpu.scan <sum>, %select_n3A_394 masked %broadcast_in_dim3A_396 : vector<16xi32>, vector<16xi1> -> vector<16xi32>
      %add3A_398 = arith.addi %add3A_383, %masked_cumsum3A_397 : vector<16xi32>
      %sub3A_399 = arith.constant 1 : i32
      %sub3A_400 = vector.broadcast %sub3A_399 : i32 to vector<16xi32>
      %sub3A_401 = arith.subi %add3A_398, %sub3A_400 : vector<16xi32>
      %lt3A_402 = arith.constant 1024 : i32
      %lt3A_403 = vector.broadcast %lt3A_402 : i32 to vector<16xi32>
      %lt3A_404 = arith.cmpi slt, %sub3A_401, %lt3A_403 : vector<16xi32>
      %and3A_405 = arith.andi %and3A_389, %lt3A_404 : vector<16xi1>
      tpu.vector_store_idx %arg8[%sub3A_401], %add3A_386 masked %and3A_405 : memref<1024xi32, #tpu.memory_space<vmem>>[vector<16xi32>], vector<16xi32>, vector<16xi1>
      %lt3A_406 = arith.constant 0 : i32
      %lt3A_407 = vector.broadcast %lt3A_406 : i32 to vector<16xi32>
      %lt3A_408 = arith.cmpi slt, %broadcast_in_dim3A_3, %lt3A_407 : vector<16xi32>
      %add3A_409 = arith.constant 16 : i32
      %add3A_410 = vector.broadcast %add3A_409 : i32 to vector<16xi32>
      %add3A_411 = arith.addi %broadcast_in_dim3A_3, %add3A_410 : vector<16xi32>
      %select_n3A_412 = arith.select %lt3A_408, %add3A_411, %broadcast_in_dim3A_3 : vector<16xi1>, vector<16xi32>
      %broadcast_in_dim3A_413 = vector.shape_cast %select_n3A_412 : vector<16xi32> to vector<16x1xi32>
      %gather3A_414 = vector.shape_cast %broadcast_in_dim3A_413 : vector<16x1xi32> to vector<16xi32>
      %gather3A_415 = tpu.dynamic_gather %masked_cumsum3A_397[%gather3A_414] in [0] : vector<16xi32>, vector<16xi32> -> vector<16xi32>
      %add3A_416 = arith.addi %add3A_383, %gather3A_415 : vector<16xi32>
      %add3A_417 = arith.constant 80 : i32
      %add3A_418 = vector.broadcast %add3A_417 : i32 to vector<16xi32>
      %add3A_419 = arith.addi %add3A_254, %add3A_418 : vector<16xi32>
      %gather3A_420 = tpu.vector_load_idx %arg5[%add3A_419] : memref<100000xf32, #tpu.memory_space<vmem>>[vector<16xi32>], vector<16xf32>,
      %ge3A_421 = arith.cmpf oge, %gather3A_420, %broadcast_in_dim3A_127 : vector<16xf32>
      %and3A_422 = arith.andi %ge3A_421, %lt3A_239 : vector<16xi1>
      %jit3A_423 = arith.constant 1 : i32
      %jit3A_424 = arith.constant 0 : i32
      %broadcast_in_dim3A_425 = vector.broadcast %jit3A_423 : i32 to vector<16xi32>
      %broadcast_in_dim3A_426 = vector.broadcast %jit3A_424 : i32 to vector<16xi32>
      %select_n3A_427 = arith.select %and3A_422, %broadcast_in_dim3A_425, %broadcast_in_dim3A_426 : vector<16xi1>, vector<16xi32>
      %broadcast_in_dim3A_428 = arith.constant true
      %broadcast_in_dim3A_429 = vector.broadcast %broadcast_in_dim3A_428 : i1 to vector<16xi1>
      %masked_cumsum3A_430 = tpu.scan <sum>, %select_n3A_427 masked %broadcast_in_dim3A_429 : vector<16xi32>, vector<16xi1> -> vector<16xi32>
      %add3A_431 = arith.addi %add3A_416, %masked_cumsum3A_430 : vector<16xi32>
      %sub3A_432 = arith.constant 1 : i32
      %sub3A_433 = vector.broadcast %sub3A_432 : i32 to vector<16xi32>
      %sub3A_434 = arith.subi %add3A_431, %sub3A_433 : vector<16xi32>
      %lt3A_435 = arith.constant 1024 : i32
      %lt3A_436 = vector.broadcast %lt3A_435 : i32 to vector<16xi32>
      %lt3A_437 = arith.cmpi slt, %sub3A_434, %lt3A_436 : vector<16xi32>
      %and3A_438 = arith.andi %and3A_422, %lt3A_437 : vector<16xi1>
      tpu.vector_store_idx %arg8[%sub3A_434], %add3A_419 masked %and3A_438 : memref<1024xi32, #tpu.memory_space<vmem>>[vector<16xi32>], vector<16xi32>, vector<16xi1>
      %lt3A_439 = arith.constant 0 : i32
      %lt3A_440 = vector.broadcast %lt3A_439 : i32 to vector<16xi32>
      %lt3A_441 = arith.cmpi slt, %broadcast_in_dim3A_3, %lt3A_440 : vector<16xi32>
      %add3A_442 = arith.constant 16 : i32
      %add3A_443 = vector.broadcast %add3A_442 : i32 to vector<16xi32>
      %add3A_444 = arith.addi %broadcast_in_dim3A_3, %add3A_443 : vector<16xi32>
      %select_n3A_445 = arith.select %lt3A_441, %add3A_444, %broadcast_in_dim3A_3 : vector<16xi1>, vector<16xi32>
      %broadcast_in_dim3A_446 = vector.shape_cast %select_n3A_445 : vector<16xi32> to vector<16x1xi32>
      %gather3A_447 = vector.shape_cast %broadcast_in_dim3A_446 : vector<16x1xi32> to vector<16xi32>
      %gather3A_448 = tpu.dynamic_gather %masked_cumsum3A_430[%gather3A_447] in [0] : vector<16xi32>, vector<16xi32> -> vector<16xi32>
      %add3A_449 = arith.addi %add3A_416, %gather3A_448 : vector<16xi32>
      %add3A_450 = arith.constant 96 : i32
      %add3A_451 = vector.broadcast %add3A_450 : i32 to vector<16xi32>
      %add3A_452 = arith.addi %add3A_254, %add3A_451 : vector<16xi32>
      %gather3A_453 = tpu.vector_load_idx %arg5[%add3A_452] : memref<100000xf32, #tpu.memory_space<vmem>>[vector<16xi32>], vector<16xf32>,
      %ge3A_454 = arith.cmpf oge, %gather3A_453, %broadcast_in_dim3A_127 : vector<16xf32>
      %and3A_455 = arith.andi %ge3A_454, %lt3A_239 : vector<16xi1>
      %jit3A_456 = arith.constant 1 : i32
      %jit3A_457 = arith.constant 0 : i32
      %broadcast_in_dim3A_458 = vector.broadcast %jit3A_456 : i32 to vector<16xi32>
      %broadcast_in_dim3A_459 = vector.broadcast %jit3A_457 : i32 to vector<16xi32>
      %select_n3A_460 = arith.select %and3A_455, %broadcast_in_dim3A_458, %broadcast_in_dim3A_459 : vector<16xi1>, vector<16xi32>
      %broadcast_in_dim3A_461 = arith.constant true
      %broadcast_in_dim3A_462 = vector.broadcast %broadcast_in_dim3A_461 : i1 to vector<16xi1>
      %masked_cumsum3A_463 = tpu.scan <sum>, %select_n3A_460 masked %broadcast_in_dim3A_462 : vector<16xi32>, vector<16xi1> -> vector<16xi32>
      %add3A_464 = arith.addi %add3A_449, %masked_cumsum3A_463 : vector<16xi32>
      %sub3A_465 = arith.constant 1 : i32
      %sub3A_466 = vector.broadcast %sub3A_465 : i32 to vector<16xi32>
      %sub3A_467 = arith.subi %add3A_464, %sub3A_466 : vector<16xi32>
      %lt3A_468 = arith.constant 1024 : i32
      %lt3A_469 = vector.broadcast %lt3A_468 : i32 to vector<16xi32>
      %lt3A_470 = arith.cmpi slt, %sub3A_467, %lt3A_469 : vector<16xi32>
      %and3A_471 = arith.andi %and3A_455, %lt3A_470 : vector<16xi1>
      tpu.vector_store_idx %arg8[%sub3A_467], %add3A_452 masked %and3A_471 : memref<1024xi32, #tpu.memory_space<vmem>>[vector<16xi32>], vector<16xi32>, vector<16xi1>
      %lt3A_472 = arith.constant 0 : i32
      %lt3A_473 = vector.broadcast %lt3A_472 : i32 to vector<16xi32>
      %lt3A_474 = arith.cmpi slt, %broadcast_in_dim3A_3, %lt3A_473 : vector<16xi32>
      %add3A_475 = arith.constant 16 : i32
      %add3A_476 = vector.broadcast %add3A_475 : i32 to vector<16xi32>
      %add3A_477 = arith.addi %broadcast_in_dim3A_3, %add3A_476 : vector<16xi32>
      %select_n3A_478 = arith.select %lt3A_474, %add3A_477, %broadcast_in_dim3A_3 : vector<16xi1>, vector<16xi32>
      %broadcast_in_dim3A_479 = vector.shape_cast %select_n3A_478 : vector<16xi32> to vector<16x1xi32>
      %gather3A_480 = vector.shape_cast %broadcast_in_dim3A_479 : vector<16x1xi32> to vector<16xi32>
      %gather3A_481 = tpu.dynamic_gather %masked_cumsum3A_463[%gather3A_480] in [0] : vector<16xi32>, vector<16xi32> -> vector<16xi32>
      %add3A_482 = arith.addi %add3A_449, %gather3A_481 : vector<16xi32>
      %add3A_483 = arith.constant 112 : i32
      %add3A_484 = vector.broadcast %add3A_483 : i32 to vector<16xi32>
      %add3A_485 = arith.addi %add3A_254, %add3A_484 : vector<16xi32>
      %gather3A_486 = tpu.vector_load_idx %arg5[%add3A_485] : memref<100000xf32, #tpu.memory_space<vmem>>[vector<16xi32>], vector<16xf32>,
      %ge3A_487 = arith.cmpf oge, %gather3A_486, %broadcast_in_dim3A_127 : vector<16xf32>
      %and3A_488 = arith.andi %ge3A_487, %lt3A_239 : vector<16xi1>
      %jit3A_489 = arith.constant 1 : i32
      %jit3A_490 = arith.constant 0 : i32
      %broadcast_in_dim3A_491 = vector.broadcast %jit3A_489 : i32 to vector<16xi32>
      %broadcast_in_dim3A_492 = vector.broadcast %jit3A_490 : i32 to vector<16xi32>
      %select_n3A_493 = arith.select %and3A_488, %broadcast_in_dim3A_491, %broadcast_in_dim3A_492 : vector<16xi1>, vector<16xi32>
      %broadcast_in_dim3A_494 = arith.constant true
      %broadcast_in_dim3A_495 = vector.broadcast %broadcast_in_dim3A_494 : i1 to vector<16xi1>
      %masked_cumsum3A_496 = tpu.scan <sum>, %select_n3A_493 masked %broadcast_in_dim3A_495 : vector<16xi32>, vector<16xi1> -> vector<16xi32>
      %add3A_497 = arith.addi %add3A_482, %masked_cumsum3A_496 : vector<16xi32>
      %sub3A_498 = arith.constant 1 : i32
      %sub3A_499 = vector.broadcast %sub3A_498 : i32 to vector<16xi32>
      %sub3A_500 = arith.subi %add3A_497, %sub3A_499 : vector<16xi32>
      %lt3A_501 = arith.constant 1024 : i32
      %lt3A_502 = vector.broadcast %lt3A_501 : i32 to vector<16xi32>
      %lt3A_503 = arith.cmpi slt, %sub3A_500, %lt3A_502 : vector<16xi32>
      %and3A_504 = arith.andi %and3A_488, %lt3A_503 : vector<16xi1>
      tpu.vector_store_idx %arg8[%sub3A_500], %add3A_485 masked %and3A_504 : memref<1024xi32, #tpu.memory_space<vmem>>[vector<16xi32>], vector<16xi32>, vector<16xi1>
      %lt3A_505 = arith.constant 0 : i32
      %lt3A_506 = vector.broadcast %lt3A_505 : i32 to vector<16xi32>
      %lt3A_507 = arith.cmpi slt, %broadcast_in_dim3A_3, %lt3A_506 : vector<16xi32>
      %add3A_508 = arith.constant 16 : i32
      %add3A_509 = vector.broadcast %add3A_508 : i32 to vector<16xi32>
      %add3A_510 = arith.addi %broadcast_in_dim3A_3, %add3A_509 : vector<16xi32>
      %select_n3A_511 = arith.select %lt3A_507, %add3A_510, %broadcast_in_dim3A_3 : vector<16xi1>, vector<16xi32>
      %broadcast_in_dim3A_512 = vector.shape_cast %select_n3A_511 : vector<16xi32> to vector<16x1xi32>
      %gather3A_513 = vector.shape_cast %broadcast_in_dim3A_512 : vector<16x1xi32> to vector<16xi32>
      %gather3A_514 = tpu.dynamic_gather %masked_cumsum3A_496[%gather3A_513] in [0] : vector<16xi32>, vector<16xi32> -> vector<16xi32>
      %add3A_515 = arith.addi %add3A_482, %gather3A_514 : vector<16xi32>
      %add3A_516 = arith.constant 128 : i32
      %add3A_517 = vector.broadcast %add3A_516 : i32 to vector<16xi32>
      %add3A_518 = arith.addi %add3A_254, %add3A_517 : vector<16xi32>
      %gather3A_519 = tpu.vector_load_idx %arg5[%add3A_518] : memref<100000xf32, #tpu.memory_space<vmem>>[vector<16xi32>], vector<16xf32>,
      %ge3A_520 = arith.cmpf oge, %gather3A_519, %broadcast_in_dim3A_127 : vector<16xf32>
      %and3A_521 = arith.andi %ge3A_520, %lt3A_239 : vector<16xi1>
      %jit3A_522 = arith.constant 1 : i32
      %jit3A_523 = arith.constant 0 : i32
      %broadcast_in_dim3A_524 = vector.broadcast %jit3A_522 : i32 to vector<16xi32>
      %broadcast_in_dim3A_525 = vector.broadcast %jit3A_523 : i32 to vector<16xi32>
      %select_n3A_526 = arith.select %and3A_521, %broadcast_in_dim3A_524, %broadcast_in_dim3A_525 : vector<16xi1>, vector<16xi32>
      %broadcast_in_dim3A_527 = arith.constant true
      %broadcast_in_dim3A_528 = vector.broadcast %broadcast_in_dim3A_527 : i1 to vector<16xi1>
      %masked_cumsum3A_529 = tpu.scan <sum>, %select_n3A_526 masked %broadcast_in_dim3A_528 : vector<16xi32>, vector<16xi1> -> vector<16xi32>
      %add3A_530 = arith.addi %add3A_515, %masked_cumsum3A_529 : vector<16xi32>
      %sub3A_531 = arith.constant 1 : i32
      %sub3A_532 = vector.broadcast %sub3A_531 : i32 to vector<16xi32>
      %sub3A_533 = arith.subi %add3A_530, %sub3A_532 : vector<16xi32>
      %lt3A_534 = arith.constant 1024 : i32
      %lt3A_535 = vector.broadcast %lt3A_534 : i32 to vector<16xi32>
      %lt3A_536 = arith.cmpi slt, %sub3A_533, %lt3A_535 : vector<16xi32>
      %and3A_537 = arith.andi %and3A_521, %lt3A_536 : vector<16xi1>
      tpu.vector_store_idx %arg8[%sub3A_533], %add3A_518 masked %and3A_537 : memref<1024xi32, #tpu.memory_space<vmem>>[vector<16xi32>], vector<16xi32>, vector<16xi1>
      %lt3A_538 = arith.constant 0 : i32
      %lt3A_539 = vector.broadcast %lt3A_538 : i32 to vector<16xi32>
      %lt3A_540 = arith.cmpi slt, %broadcast_in_dim3A_3, %lt3A_539 : vector<16xi32>
      %add3A_541 = arith.constant 16 : i32
      %add3A_542 = vector.broadcast %add3A_541 : i32 to vector<16xi32>
      %add3A_543 = arith.addi %broadcast_in_dim3A_3, %add3A_542 : vector<16xi32>
      %select_n3A_544 = arith.select %lt3A_540, %add3A_543, %broadcast_in_dim3A_3 : vector<16xi1>, vector<16xi32>
      %broadcast_in_dim3A_545 = vector.shape_cast %select_n3A_544 : vector<16xi32> to vector<16x1xi32>
      %gather3A_546 = vector.shape_cast %broadcast_in_dim3A_545 : vector<16x1xi32> to vector<16xi32>
      %gather3A_547 = tpu.dynamic_gather %masked_cumsum3A_529[%gather3A_546] in [0] : vector<16xi32>, vector<16xi32> -> vector<16xi32>
      %add3A_548 = arith.addi %add3A_515, %gather3A_547 : vector<16xi32>
      %add3A_549 = arith.constant 144 : i32
      %add3A_550 = vector.broadcast %add3A_549 : i32 to vector<16xi32>
      %add3A_551 = arith.addi %add3A_254, %add3A_550 : vector<16xi32>
      %gather3A_552 = tpu.vector_load_idx %arg5[%add3A_551] : memref<100000xf32, #tpu.memory_space<vmem>>[vector<16xi32>], vector<16xf32>,
      %ge3A_553 = arith.cmpf oge, %gather3A_552, %broadcast_in_dim3A_127 : vector<16xf32>
      %and3A_554 = arith.andi %ge3A_553, %lt3A_239 : vector<16xi1>
      %jit3A_555 = arith.constant 1 : i32
      %jit3A_556 = arith.constant 0 : i32
      %broadcast_in_dim3A_557 = vector.broadcast %jit3A_555 : i32 to vector<16xi32>
      %broadcast_in_dim3A_558 = vector.broadcast %jit3A_556 : i32 to vector<16xi32>
      %select_n3A_559 = arith.select %and3A_554, %broadcast_in_dim3A_557, %broadcast_in_dim3A_558 : vector<16xi1>, vector<16xi32>
      %broadcast_in_dim3A_560 = arith.constant true
      %broadcast_in_dim3A_561 = vector.broadcast %broadcast_in_dim3A_560 : i1 to vector<16xi1>
      %masked_cumsum3A_562 = tpu.scan <sum>, %select_n3A_559 masked %broadcast_in_dim3A_561 : vector<16xi32>, vector<16xi1> -> vector<16xi32>
      %add3A_563 = arith.addi %add3A_548, %masked_cumsum3A_562 : vector<16xi32>
      %sub3A_564 = arith.constant 1 : i32
      %sub3A_565 = vector.broadcast %sub3A_564 : i32 to vector<16xi32>
      %sub3A_566 = arith.subi %add3A_563, %sub3A_565 : vector<16xi32>
      %lt3A_567 = arith.constant 1024 : i32
      %lt3A_568 = vector.broadcast %lt3A_567 : i32 to vector<16xi32>
      %lt3A_569 = arith.cmpi slt, %sub3A_566, %lt3A_568 : vector<16xi32>
      %and3A_570 = arith.andi %and3A_554, %lt3A_569 : vector<16xi1>
      tpu.vector_store_idx %arg8[%sub3A_566], %add3A_551 masked %and3A_570 : memref<1024xi32, #tpu.memory_space<vmem>>[vector<16xi32>], vector<16xi32>, vector<16xi1>
      %lt3A_571 = arith.constant 0 : i32
      %lt3A_572 = vector.broadcast %lt3A_571 : i32 to vector<16xi32>
      %lt3A_573 = arith.cmpi slt, %broadcast_in_dim3A_3, %lt3A_572 : vector<16xi32>
      %add3A_574 = arith.constant 16 : i32
      %add3A_575 = vector.broadcast %add3A_574 : i32 to vector<16xi32>
      %add3A_576 = arith.addi %broadcast_in_dim3A_3, %add3A_575 : vector<16xi32>
      %select_n3A_577 = arith.select %lt3A_573, %add3A_576, %broadcast_in_dim3A_3 : vector<16xi1>, vector<16xi32>
      %broadcast_in_dim3A_578 = vector.shape_cast %select_n3A_577 : vector<16xi32> to vector<16x1xi32>
      %gather3A_579 = vector.shape_cast %broadcast_in_dim3A_578 : vector<16x1xi32> to vector<16xi32>
      %gather3A_580 = tpu.dynamic_gather %masked_cumsum3A_562[%gather3A_579] in [0] : vector<16xi32>, vector<16xi32> -> vector<16xi32>
      %add3A_581 = arith.addi %add3A_548, %gather3A_580 : vector<16xi32>
      scf.yield %add3A_581 : vector<16xi32>
    }
    %while3A_175 = arith.constant 1 : i32
    %while3A_176 = scf.for %while3A_233 = %while3A_172 to %while3A_168 step %while3A_175 iter_args(%while3A_234 = %while3A_174) -> (vector<16xi32>)  : i32 {
      %mul3A_235 = arith.constant 16 : i32
      %mul3A_236 = arith.muli %while3A_233, %mul3A_235 : i32
      %add3A_237 = vector.broadcast %mul3A_236 : i32 to vector<16xi32>
      %add3A_238 = arith.addi %add3A_237, %iota3A : vector<16xi32>
      %lt3A = vector.broadcast %min3A_137 : i32 to vector<16xi32>
      %lt3A_239 = arith.cmpi slt, %add3A_238, %lt3A : vector<16xi32>
      %mul3A_240 = arith.constant 16 : i32
      %mul3A_241 = arith.muli %while3A_233, %mul3A_240 : i32
      %get3A = arith.index_cast %mul3A_241 : i32 to index
      %get3A_242 = tpu.vector_load %arg7[%get3A] {strides = array<i32>} : memref<1024xi32, #tpu.memory_space<vmem>>, vector<16xi32>,
      %jit3A_243 = arith.constant 0 : i32
      %broadcast_in_dim3A_244 = vector.broadcast %jit3A_243 : i32 to vector<16xi32>
      %select_n3A_245 = arith.select %lt3A_239, %get3A_242, %broadcast_in_dim3A_244 : vector<16xi1>, vector<16xi32>
      %shift_right_arithmetic3A = arith.constant 4 : i32
      %shift_right_arithmetic3A_246 = vector.broadcast %shift_right_arithmetic3A : i32 to vector<16xi32>
      %shift_right_arithmetic3A_247 = arith.shrsi %select_n3A_245, %shift_right_arithmetic3A_246 : vector<16xi32>
      %and3A_248 = arith.constant 15 : i32
      %and3A_249 = vector.broadcast %and3A_248 : i32 to vector<16xi32>
      %and3A_250 = arith.andi %select_n3A_245, %and3A_249 : vector<16xi32>
      %mul3A_251 = arith.constant 160 : i32
      %mul3A_252 = vector.broadcast %mul3A_251 : i32 to vector<16xi32>
      %mul3A_253 = arith.muli %shift_right_arithmetic3A_247, %mul3A_252 : vector<16xi32>
      %add3A_254 = arith.addi %mul3A_253, %and3A_250 : vector<16xi32>
      %add3A_255 = arith.constant 0 : i32
      %add3A_256 = vector.broadcast %add3A_255 : i32 to vector<16xi32>
      %add3A_257 = arith.addi %add3A_254, %add3A_256 : vector<16xi32>
      %gather3A = tpu.vector_load_idx %arg5[%add3A_257] : memref<100000xf32, #tpu.memory_space<vmem>>[vector<16xi32>], vector<16xf32>,
      %ge3A = arith.cmpf oge, %gather3A, %broadcast_in_dim3A_127 : vector<16xf32>
      %and3A_258 = arith.andi %ge3A, %lt3A_239 : vector<16xi1>
      %jit3A_259 = arith.constant 1 : i32
      %jit3A_260 = arith.constant 0 : i32
      %broadcast_in_dim3A_261 = vector.broadcast %jit3A_259 : i32 to vector<16xi32>
      %broadcast_in_dim3A_262 = vector.broadcast %jit3A_260 : i32 to vector<16xi32>
      %select_n3A_263 = arith.select %and3A_258, %broadcast_in_dim3A_261, %broadcast_in_dim3A_262 : vector<16xi1>, vector<16xi32>
      %broadcast_in_dim3A_264 = arith.constant true
      %broadcast_in_dim3A_265 = vector.broadcast %broadcast_in_dim3A_264 : i1 to vector<16xi1>
      %masked_cumsum3A = tpu.scan <sum>, %select_n3A_263 masked %broadcast_in_dim3A_265 : vector<16xi32>, vector<16xi1> -> vector<16xi32>
      %add3A_266 = arith.addi %while3A_234, %masked_cumsum3A : vector<16xi32>
      %sub3A_267 = arith.constant 1 : i32
      %sub3A_268 = vector.broadcast %sub3A_267 : i32 to vector<16xi32>
      %sub3A_269 = arith.subi %add3A_266, %sub3A_268 : vector<16xi32>
      %lt3A_270 = arith.constant 1024 : i32
      %lt3A_271 = vector.broadcast %lt3A_270 : i32 to vector<16xi32>
      %lt3A_272 = arith.cmpi slt, %sub3A_269, %lt3A_271 : vector<16xi32>
      %and3A_273 = arith.andi %and3A_258, %lt3A_272 : vector<16xi1>
      tpu.vector_store_idx %arg8[%sub3A_269], %add3A_257 masked %and3A_273 : memref<1024xi32, #tpu.memory_space<vmem>>[vector<16xi32>], vector<16xi32>, vector<16xi1>
      %lt3A_274 = arith.constant 0 : i32
      %lt3A_275 = vector.broadcast %lt3A_274 : i32 to vector<16xi32>
      %lt3A_276 = arith.cmpi slt, %broadcast_in_dim3A_3, %lt3A_275 : vector<16xi32>
      %add3A_277 = arith.constant 16 : i32
      %add3A_278 = vector.broadcast %add3A_277 : i32 to vector<16xi32>
      %add3A_279 = arith.addi %broadcast_in_dim3A_3, %add3A_278 : vector<16xi32>
      %select_n3A_280 = arith.select %lt3A_276, %add3A_279, %broadcast_in_dim3A_3 : vector<16xi1>, vector<16xi32>
      %broadcast_in_dim3A_281 = vector.shape_cast %select_n3A_280 : vector<16xi32> to vector<16x1xi32>
      %gather3A_282 = vector.shape_cast %broadcast_in_dim3A_281 : vector<16x1xi32> to vector<16xi32>
      %gather3A_283 = tpu.dynamic_gather %masked_cumsum3A[%gather3A_282] in [0] : vector<16xi32>, vector<16xi32> -> vector<16xi32>
      %add3A_284 = arith.addi %while3A_234, %gather3A_283 : vector<16xi32>
      %add3A_285 = arith.constant 16 : i32
      %add3A_286 = vector.broadcast %add3A_285 : i32 to vector<16xi32>
      %add3A_287 = arith.addi %add3A_254, %add3A_286 : vector<16xi32>
      %gather3A_288 = tpu.vector_load_idx %arg5[%add3A_287] : memref<100000xf32, #tpu.memory_space<vmem>>[vector<16xi32>], vector<16xf32>,
      %ge3A_289 = arith.cmpf oge, %gather3A_288, %broadcast_in_dim3A_127 : vector<16xf32>
      %and3A_290 = arith.andi %ge3A_289, %lt3A_239 : vector<16xi1>
      %jit3A_291 = arith.constant 1 : i32
      %jit3A_292 = arith.constant 0 : i32
      %broadcast_in_dim3A_293 = vector.broadcast %jit3A_291 : i32 to vector<16xi32>
      %broadcast_in_dim3A_294 = vector.broadcast %jit3A_292 : i32 to vector<16xi32>
      %select_n3A_295 = arith.select %and3A_290, %broadcast_in_dim3A_293, %broadcast_in_dim3A_294 : vector<16xi1>, vector<16xi32>
      %broadcast_in_dim3A_296 = arith.constant true
      %broadcast_in_dim3A_297 = vector.broadcast %broadcast_in_dim3A_296 : i1 to vector<16xi1>
      %masked_cumsum3A_298 = tpu.scan <sum>, %select_n3A_295 masked %broadcast_in_dim3A_297 : vector<16xi32>, vector<16xi1> -> vector<16xi32>
      %add3A_299 = arith.addi %add3A_284, %masked_cumsum3A_298 : vector<16xi32>
      %sub3A_300 = arith.constant 1 : i32
      %sub3A_301 = vector.broadcast %sub3A_300 : i32 to vector<16xi32>
      %sub3A_302 = arith.subi %add3A_299, %sub3A_301 : vector<16xi32>
      %lt3A_303 = arith.constant 1024 : i32
      %lt3A_304 = vector.broadcast %lt3A_303 : i32 to vector<16xi32>
      %lt3A_305 = arith.cmpi slt, %sub3A_302, %lt3A_304 : vector<16xi32>
      %and3A_306 = arith.andi %and3A_290, %lt3A_305 : vector<16xi1>
      tpu.vector_store_idx %arg8[%sub3A_302], %add3A_287 masked %and3A_306 : memref<1024xi32, #tpu.memory_space<vmem>>[vector<16xi32>], vector<16xi32>, vector<16xi1>
      %lt3A_307 = arith.constant 0 : i32
      %lt3A_308 = vector.broadcast %lt3A_307 : i32 to vector<16xi32>
      %lt3A_309 = arith.cmpi slt, %broadcast_in_dim3A_3, %lt3A_308 : vector<16xi32>
      %add3A_310 = arith.constant 16 : i32
      %add3A_311 = vector.broadcast %add3A_310 : i32 to vector<16xi32>
      %add3A_312 = arith.addi %broadcast_in_dim3A_3, %add3A_311 : vector<16xi32>
      %select_n3A_313 = arith.select %lt3A_309, %add3A_312, %broadcast_in_dim3A_3 : vector<16xi1>, vector<16xi32>
      %broadcast_in_dim3A_314 = vector.shape_cast %select_n3A_313 : vector<16xi32> to vector<16x1xi32>
      %gather3A_315 = vector.shape_cast %broadcast_in_dim3A_314 : vector<16x1xi32> to vector<16xi32>
      %gather3A_316 = tpu.dynamic_gather %masked_cumsum3A_298[%gather3A_315] in [0] : vector<16xi32>, vector<16xi32> -> vector<16xi32>
      %add3A_317 = arith.addi %add3A_284, %gather3A_316 : vector<16xi32>
      %add3A_318 = arith.constant 32 : i32
      %add3A_319 = vector.broadcast %add3A_318 : i32 to vector<16xi32>
      %add3A_320 = arith.addi %add3A_254, %add3A_319 : vector<16xi32>
      %gather3A_321 = tpu.vector_load_idx %arg5[%add3A_320] : memref<100000xf32, #tpu.memory_space<vmem>>[vector<16xi32>], vector<16xf32>,
      %ge3A_322 = arith.cmpf oge, %gather3A_321, %broadcast_in_dim3A_127 : vector<16xf32>
      %and3A_323 = arith.andi %ge3A_322, %lt3A_239 : vector<16xi1>
      %jit3A_324 = arith.constant 1 : i32
      %jit3A_325 = arith.constant 0 : i32
      %broadcast_in_dim3A_326 = vector.broadcast %jit3A_324 : i32 to vector<16xi32>
      %broadcast_in_dim3A_327 = vector.broadcast %jit3A_325 : i32 to vector<16xi32>
      %select_n3A_328 = arith.select %and3A_323, %broadcast_in_dim3A_326, %broadcast_in_dim3A_327 : vector<16xi1>, vector<16xi32>
      %broadcast_in_dim3A_329 = arith.constant true
      %broadcast_in_dim3A_330 = vector.broadcast %broadcast_in_dim3A_329 : i1 to vector<16xi1>
      %masked_cumsum3A_331 = tpu.scan <sum>, %select_n3A_328 masked %broadcast_in_dim3A_330 : vector<16xi32>, vector<16xi1> -> vector<16xi32>
      %add3A_332 = arith.addi %add3A_317, %masked_cumsum3A_331 : vector<16xi32>
      %sub3A_333 = arith.constant 1 : i32
      %sub3A_334 = vector.broadcast %sub3A_333 : i32 to vector<16xi32>
      %sub3A_335 = arith.subi %add3A_332, %sub3A_334 : vector<16xi32>
      %lt3A_336 = arith.constant 1024 : i32
      %lt3A_337 = vector.broadcast %lt3A_336 : i32 to vector<16xi32>
      %lt3A_338 = arith.cmpi slt, %sub3A_335, %lt3A_337 : vector<16xi32>
      %and3A_339 = arith.andi %and3A_323, %lt3A_338 : vector<16xi1>
      tpu.vector_store_idx %arg8[%sub3A_335], %add3A_320 masked %and3A_339 : memref<1024xi32, #tpu.memory_space<vmem>>[vector<16xi32>], vector<16xi32>, vector<16xi1>
      %lt3A_340 = arith.constant 0 : i32
      %lt3A_341 = vector.broadcast %lt3A_340 : i32 to vector<16xi32>
      %lt3A_342 = arith.cmpi slt, %broadcast_in_dim3A_3, %lt3A_341 : vector<16xi32>
      %add3A_343 = arith.constant 16 : i32
      %add3A_344 = vector.broadcast %add3A_343 : i32 to vector<16xi32>
      %add3A_345 = arith.addi %broadcast_in_dim3A_3, %add3A_344 : vector<16xi32>
      %select_n3A_346 = arith.select %lt3A_342, %add3A_345, %broadcast_in_dim3A_3 : vector<16xi1>, vector<16xi32>
      %broadcast_in_dim3A_347 = vector.shape_cast %select_n3A_346 : vector<16xi32> to vector<16x1xi32>
      %gather3A_348 = vector.shape_cast %broadcast_in_dim3A_347 : vector<16x1xi32> to vector<16xi32>
      %gather3A_349 = tpu.dynamic_gather %masked_cumsum3A_331[%gather3A_348] in [0] : vector<16xi32>, vector<16xi32> -> vector<16xi32>
      %add3A_350 = arith.addi %add3A_317, %gather3A_349 : vector<16xi32>
      %add3A_351 = arith.constant 48 : i32
      %add3A_352 = vector.broadcast %add3A_351 : i32 to vector<16xi32>
      %add3A_353 = arith.addi %add3A_254, %add3A_352 : vector<16xi32>
      %gather3A_354 = tpu.vector_load_idx %arg5[%add3A_353] : memref<100000xf32, #tpu.memory_space<vmem>>[vector<16xi32>], vector<16xf32>,
      %ge3A_355 = arith.cmpf oge, %gather3A_354, %broadcast_in_dim3A_127 : vector<16xf32>
      %and3A_356 = arith.andi %ge3A_355, %lt3A_239 : vector<16xi1>
      %jit3A_357 = arith.constant 1 : i32
      %jit3A_358 = arith.constant 0 : i32
      %broadcast_in_dim3A_359 = vector.broadcast %jit3A_357 : i32 to vector<16xi32>
      %broadcast_in_dim3A_360 = vector.broadcast %jit3A_358 : i32 to vector<16xi32>
      %select_n3A_361 = arith.select %and3A_356, %broadcast_in_dim3A_359, %broadcast_in_dim3A_360 : vector<16xi1>, vector<16xi32>
      %broadcast_in_dim3A_362 = arith.constant true
      %broadcast_in_dim3A_363 = vector.broadcast %broadcast_in_dim3A_362 : i1 to vector<16xi1>
      %masked_cumsum3A_364 = tpu.scan <sum>, %select_n3A_361 masked %broadcast_in_dim3A_363 : vector<16xi32>, vector<16xi1> -> vector<16xi32>
      %add3A_365 = arith.addi %add3A_350, %masked_cumsum3A_364 : vector<16xi32>
      %sub3A_366 = arith.constant 1 : i32
      %sub3A_367 = vector.broadcast %sub3A_366 : i32 to vector<16xi32>
      %sub3A_368 = arith.subi %add3A_365, %sub3A_367 : vector<16xi32>
      %lt3A_369 = arith.constant 1024 : i32
      %lt3A_370 = vector.broadcast %lt3A_369 : i32 to vector<16xi32>
      %lt3A_371 = arith.cmpi slt, %sub3A_368, %lt3A_370 : vector<16xi32>
      %and3A_372 = arith.andi %and3A_356, %lt3A_371 : vector<16xi1>
      tpu.vector_store_idx %arg8[%sub3A_368], %add3A_353 masked %and3A_372 : memref<1024xi32, #tpu.memory_space<vmem>>[vector<16xi32>], vector<16xi32>, vector<16xi1>
      %lt3A_373 = arith.constant 0 : i32
      %lt3A_374 = vector.broadcast %lt3A_373 : i32 to vector<16xi32>
      %lt3A_375 = arith.cmpi slt, %broadcast_in_dim3A_3, %lt3A_374 : vector<16xi32>
      %add3A_376 = arith.constant 16 : i32
      %add3A_377 = vector.broadcast %add3A_376 : i32 to vector<16xi32>
      %add3A_378 = arith.addi %broadcast_in_dim3A_3, %add3A_377 : vector<16xi32>
      %select_n3A_379 = arith.select %lt3A_375, %add3A_378, %broadcast_in_dim3A_3 : vector<16xi1>, vector<16xi32>
      %broadcast_in_dim3A_380 = vector.shape_cast %select_n3A_379 : vector<16xi32> to vector<16x1xi32>
      %gather3A_381 = vector.shape_cast %broadcast_in_dim3A_380 : vector<16x1xi32> to vector<16xi32>
      %gather3A_382 = tpu.dynamic_gather %masked_cumsum3A_364[%gather3A_381] in [0] : vector<16xi32>, vector<16xi32> -> vector<16xi32>
      %add3A_383 = arith.addi %add3A_350, %gather3A_382 : vector<16xi32>
      %add3A_384 = arith.constant 64 : i32
      %add3A_385 = vector.broadcast %add3A_384 : i32 to vector<16xi32>
      %add3A_386 = arith.addi %add3A_254, %add3A_385 : vector<16xi32>
      %gather3A_387 = tpu.vector_load_idx %arg5[%add3A_386] : memref<100000xf32, #tpu.memory_space<vmem>>[vector<16xi32>], vector<16xf32>,
      %ge3A_388 = arith.cmpf oge, %gather3A_387, %broadcast_in_dim3A_127 : vector<16xf32>
      %and3A_389 = arith.andi %ge3A_388, %lt3A_239 : vector<16xi1>
      %jit3A_390 = arith.constant 1 : i32
      %jit3A_391 = arith.constant 0 : i32
      %broadcast_in_dim3A_392 = vector.broadcast %jit3A_390 : i32 to vector<16xi32>
      %broadcast_in_dim3A_393 = vector.broadcast %jit3A_391 : i32 to vector<16xi32>
      %select_n3A_394 = arith.select %and3A_389, %broadcast_in_dim3A_392, %broadcast_in_dim3A_393 : vector<16xi1>, vector<16xi32>
      %broadcast_in_dim3A_395 = arith.constant true
      %broadcast_in_dim3A_396 = vector.broadcast %broadcast_in_dim3A_395 : i1 to vector<16xi1>
      %masked_cumsum3A_397 = tpu.scan <sum>, %select_n3A_394 masked %broadcast_in_dim3A_396 : vector<16xi32>, vector<16xi1> -> vector<16xi32>
      %add3A_398 = arith.addi %add3A_383, %masked_cumsum3A_397 : vector<16xi32>
      %sub3A_399 = arith.constant 1 : i32
      %sub3A_400 = vector.broadcast %sub3A_399 : i32 to vector<16xi32>
      %sub3A_401 = arith.subi %add3A_398, %sub3A_400 : vector<16xi32>
      %lt3A_402 = arith.constant 1024 : i32
      %lt3A_403 = vector.broadcast %lt3A_402 : i32 to vector<16xi32>
      %lt3A_404 = arith.cmpi slt, %sub3A_401, %lt3A_403 : vector<16xi32>
      %and3A_405 = arith.andi %and3A_389, %lt3A_404 : vector<16xi1>
      tpu.vector_store_idx %arg8[%sub3A_401], %add3A_386 masked %and3A_405 : memref<1024xi32, #tpu.memory_space<vmem>>[vector<16xi32>], vector<16xi32>, vector<16xi1>
      %lt3A_406 = arith.constant 0 : i32
      %lt3A_407 = vector.broadcast %lt3A_406 : i32 to vector<16xi32>
      %lt3A_408 = arith.cmpi slt, %broadcast_in_dim3A_3, %lt3A_407 : vector<16xi32>
      %add3A_409 = arith.constant 16 : i32
      %add3A_410 = vector.broadcast %add3A_409 : i32 to vector<16xi32>
      %add3A_411 = arith.addi %broadcast_in_dim3A_3, %add3A_410 : vector<16xi32>
      %select_n3A_412 = arith.select %lt3A_408, %add3A_411, %broadcast_in_dim3A_3 : vector<16xi1>, vector<16xi32>
      %broadcast_in_dim3A_413 = vector.shape_cast %select_n3A_412 : vector<16xi32> to vector<16x1xi32>
      %gather3A_414 = vector.shape_cast %broadcast_in_dim3A_413 : vector<16x1xi32> to vector<16xi32>
      %gather3A_415 = tpu.dynamic_gather %masked_cumsum3A_397[%gather3A_414] in [0] : vector<16xi32>, vector<16xi32> -> vector<16xi32>
      %add3A_416 = arith.addi %add3A_383, %gather3A_415 : vector<16xi32>
      %add3A_417 = arith.constant 80 : i32
      %add3A_418 = vector.broadcast %add3A_417 : i32 to vector<16xi32>
      %add3A_419 = arith.addi %add3A_254, %add3A_418 : vector<16xi32>
      %gather3A_420 = tpu.vector_load_idx %arg5[%add3A_419] : memref<100000xf32, #tpu.memory_space<vmem>>[vector<16xi32>], vector<16xf32>,
      %ge3A_421 = arith.cmpf oge, %gather3A_420, %broadcast_in_dim3A_127 : vector<16xf32>
      %and3A_422 = arith.andi %ge3A_421, %lt3A_239 : vector<16xi1>
      %jit3A_423 = arith.constant 1 : i32
      %jit3A_424 = arith.constant 0 : i32
      %broadcast_in_dim3A_425 = vector.broadcast %jit3A_423 : i32 to vector<16xi32>
      %broadcast_in_dim3A_426 = vector.broadcast %jit3A_424 : i32 to vector<16xi32>
      %select_n3A_427 = arith.select %and3A_422, %broadcast_in_dim3A_425, %broadcast_in_dim3A_426 : vector<16xi1>, vector<16xi32>
      %broadcast_in_dim3A_428 = arith.constant true
      %broadcast_in_dim3A_429 = vector.broadcast %broadcast_in_dim3A_428 : i1 to vector<16xi1>
      %masked_cumsum3A_430 = tpu.scan <sum>, %select_n3A_427 masked %broadcast_in_dim3A_429 : vector<16xi32>, vector<16xi1> -> vector<16xi32>
      %add3A_431 = arith.addi %add3A_416, %masked_cumsum3A_430 : vector<16xi32>
      %sub3A_432 = arith.constant 1 : i32
      %sub3A_433 = vector.broadcast %sub3A_432 : i32 to vector<16xi32>
      %sub3A_434 = arith.subi %add3A_431, %sub3A_433 : vector<16xi32>
      %lt3A_435 = arith.constant 1024 : i32
      %lt3A_436 = vector.broadcast %lt3A_435 : i32 to vector<16xi32>
      %lt3A_437 = arith.cmpi slt, %sub3A_434, %lt3A_436 : vector<16xi32>
      %and3A_438 = arith.andi %and3A_422, %lt3A_437 : vector<16xi1>
      tpu.vector_store_idx %arg8[%sub3A_434], %add3A_419 masked %and3A_438 : memref<1024xi32, #tpu.memory_space<vmem>>[vector<16xi32>], vector<16xi32>, vector<16xi1>
      %lt3A_439 = arith.constant 0 : i32
      %lt3A_440 = vector.broadcast %lt3A_439 : i32 to vector<16xi32>
      %lt3A_441 = arith.cmpi slt, %broadcast_in_dim3A_3, %lt3A_440 : vector<16xi32>
      %add3A_442 = arith.constant 16 : i32
      %add3A_443 = vector.broadcast %add3A_442 : i32 to vector<16xi32>
      %add3A_444 = arith.addi %broadcast_in_dim3A_3, %add3A_443 : vector<16xi32>
      %select_n3A_445 = arith.select %lt3A_441, %add3A_444, %broadcast_in_dim3A_3 : vector<16xi1>, vector<16xi32>
      %broadcast_in_dim3A_446 = vector.shape_cast %select_n3A_445 : vector<16xi32> to vector<16x1xi32>
      %gather3A_447 = vector.shape_cast %broadcast_in_dim3A_446 : vector<16x1xi32> to vector<16xi32>
      %gather3A_448 = tpu.dynamic_gather %masked_cumsum3A_430[%gather3A_447] in [0] : vector<16xi32>, vector<16xi32> -> vector<16xi32>
      %add3A_449 = arith.addi %add3A_416, %gather3A_448 : vector<16xi32>
      %add3A_450 = arith.constant 96 : i32
      %add3A_451 = vector.broadcast %add3A_450 : i32 to vector<16xi32>
      %add3A_452 = arith.addi %add3A_254, %add3A_451 : vector<16xi32>
      %gather3A_453 = tpu.vector_load_idx %arg5[%add3A_452] : memref<100000xf32, #tpu.memory_space<vmem>>[vector<16xi32>], vector<16xf32>,
      %ge3A_454 = arith.cmpf oge, %gather3A_453, %broadcast_in_dim3A_127 : vector<16xf32>
      %and3A_455 = arith.andi %ge3A_454, %lt3A_239 : vector<16xi1>
      %jit3A_456 = arith.constant 1 : i32
      %jit3A_457 = arith.constant 0 : i32
      %broadcast_in_dim3A_458 = vector.broadcast %jit3A_456 : i32 to vector<16xi32>
      %broadcast_in_dim3A_459 = vector.broadcast %jit3A_457 : i32 to vector<16xi32>
      %select_n3A_460 = arith.select %and3A_455, %broadcast_in_dim3A_458, %broadcast_in_dim3A_459 : vector<16xi1>, vector<16xi32>
      %broadcast_in_dim3A_461 = arith.constant true
      %broadcast_in_dim3A_462 = vector.broadcast %broadcast_in_dim3A_461 : i1 to vector<16xi1>
      %masked_cumsum3A_463 = tpu.scan <sum>, %select_n3A_460 masked %broadcast_in_dim3A_462 : vector<16xi32>, vector<16xi1> -> vector<16xi32>
      %add3A_464 = arith.addi %add3A_449, %masked_cumsum3A_463 : vector<16xi32>
      %sub3A_465 = arith.constant 1 : i32
      %sub3A_466 = vector.broadcast %sub3A_465 : i32 to vector<16xi32>
      %sub3A_467 = arith.subi %add3A_464, %sub3A_466 : vector<16xi32>
      %lt3A_468 = arith.constant 1024 : i32
      %lt3A_469 = vector.broadcast %lt3A_468 : i32 to vector<16xi32>
      %lt3A_470 = arith.cmpi slt, %sub3A_467, %lt3A_469 : vector<16xi32>
      %and3A_471 = arith.andi %and3A_455, %lt3A_470 : vector<16xi1>
      tpu.vector_store_idx %arg8[%sub3A_467], %add3A_452 masked %and3A_471 : memref<1024xi32, #tpu.memory_space<vmem>>[vector<16xi32>], vector<16xi32>, vector<16xi1>
      %lt3A_472 = arith.constant 0 : i32
      %lt3A_473 = vector.broadcast %lt3A_472 : i32 to vector<16xi32>
      %lt3A_474 = arith.cmpi slt, %broadcast_in_dim3A_3, %lt3A_473 : vector<16xi32>
      %add3A_475 = arith.constant 16 : i32
      %add3A_476 = vector.broadcast %add3A_475 : i32 to vector<16xi32>
      %add3A_477 = arith.addi %broadcast_in_dim3A_3, %add3A_476 : vector<16xi32>
      %select_n3A_478 = arith.select %lt3A_474, %add3A_477, %broadcast_in_dim3A_3 : vector<16xi1>, vector<16xi32>
      %broadcast_in_dim3A_479 = vector.shape_cast %select_n3A_478 : vector<16xi32> to vector<16x1xi32>
      %gather3A_480 = vector.shape_cast %broadcast_in_dim3A_479 : vector<16x1xi32> to vector<16xi32>
      %gather3A_481 = tpu.dynamic_gather %masked_cumsum3A_463[%gather3A_480] in [0] : vector<16xi32>, vector<16xi32> -> vector<16xi32>
      %add3A_482 = arith.addi %add3A_449, %gather3A_481 : vector<16xi32>
      %add3A_483 = arith.constant 112 : i32
      %add3A_484 = vector.broadcast %add3A_483 : i32 to vector<16xi32>
      %add3A_485 = arith.addi %add3A_254, %add3A_484 : vector<16xi32>
      %gather3A_486 = tpu.vector_load_idx %arg5[%add3A_485] : memref<100000xf32, #tpu.memory_space<vmem>>[vector<16xi32>], vector<16xf32>,
      %ge3A_487 = arith.cmpf oge, %gather3A_486, %broadcast_in_dim3A_127 : vector<16xf32>
      %and3A_488 = arith.andi %ge3A_487, %lt3A_239 : vector<16xi1>
      %jit3A_489 = arith.constant 1 : i32
      %jit3A_490 = arith.constant 0 : i32
      %broadcast_in_dim3A_491 = vector.broadcast %jit3A_489 : i32 to vector<16xi32>
      %broadcast_in_dim3A_492 = vector.broadcast %jit3A_490 : i32 to vector<16xi32>
      %select_n3A_493 = arith.select %and3A_488, %broadcast_in_dim3A_491, %broadcast_in_dim3A_492 : vector<16xi1>, vector<16xi32>
      %broadcast_in_dim3A_494 = arith.constant true
      %broadcast_in_dim3A_495 = vector.broadcast %broadcast_in_dim3A_494 : i1 to vector<16xi1>
      %masked_cumsum3A_496 = tpu.scan <sum>, %select_n3A_493 masked %broadcast_in_dim3A_495 : vector<16xi32>, vector<16xi1> -> vector<16xi32>
      %add3A_497 = arith.addi %add3A_482, %masked_cumsum3A_496 : vector<16xi32>
      %sub3A_498 = arith.constant 1 : i32
      %sub3A_499 = vector.broadcast %sub3A_498 : i32 to vector<16xi32>
      %sub3A_500 = arith.subi %add3A_497, %sub3A_499 : vector<16xi32>
      %lt3A_501 = arith.constant 1024 : i32
      %lt3A_502 = vector.broadcast %lt3A_501 : i32 to vector<16xi32>
      %lt3A_503 = arith.cmpi slt, %sub3A_500, %lt3A_502 : vector<16xi32>
      %and3A_504 = arith.andi %and3A_488, %lt3A_503 : vector<16xi1>
      tpu.vector_store_idx %arg8[%sub3A_500], %add3A_485 masked %and3A_504 : memref<1024xi32, #tpu.memory_space<vmem>>[vector<16xi32>], vector<16xi32>, vector<16xi1>
      %lt3A_505 = arith.constant 0 : i32
      %lt3A_506 = vector.broadcast %lt3A_505 : i32 to vector<16xi32>
      %lt3A_507 = arith.cmpi slt, %broadcast_in_dim3A_3, %lt3A_506 : vector<16xi32>
      %add3A_508 = arith.constant 16 : i32
      %add3A_509 = vector.broadcast %add3A_508 : i32 to vector<16xi32>
      %add3A_510 = arith.addi %broadcast_in_dim3A_3, %add3A_509 : vector<16xi32>
      %select_n3A_511 = arith.select %lt3A_507, %add3A_510, %broadcast_in_dim3A_3 : vector<16xi1>, vector<16xi32>
      %broadcast_in_dim3A_512 = vector.shape_cast %select_n3A_511 : vector<16xi32> to vector<16x1xi32>
      %gather3A_513 = vector.shape_cast %broadcast_in_dim3A_512 : vector<16x1xi32> to vector<16xi32>
      %gather3A_514 = tpu.dynamic_gather %masked_cumsum3A_496[%gather3A_513] in [0] : vector<16xi32>, vector<16xi32> -> vector<16xi32>
      %add3A_515 = arith.addi %add3A_482, %gather3A_514 : vector<16xi32>
      %add3A_516 = arith.constant 128 : i32
      %add3A_517 = vector.broadcast %add3A_516 : i32 to vector<16xi32>
      %add3A_518 = arith.addi %add3A_254, %add3A_517 : vector<16xi32>
      %gather3A_519 = tpu.vector_load_idx %arg5[%add3A_518] : memref<100000xf32, #tpu.memory_space<vmem>>[vector<16xi32>], vector<16xf32>,
      %ge3A_520 = arith.cmpf oge, %gather3A_519, %broadcast_in_dim3A_127 : vector<16xf32>
      %and3A_521 = arith.andi %ge3A_520, %lt3A_239 : vector<16xi1>
      %jit3A_522 = arith.constant 1 : i32
      %jit3A_523 = arith.constant 0 : i32
      %broadcast_in_dim3A_524 = vector.broadcast %jit3A_522 : i32 to vector<16xi32>
      %broadcast_in_dim3A_525 = vector.broadcast %jit3A_523 : i32 to vector<16xi32>
      %select_n3A_526 = arith.select %and3A_521, %broadcast_in_dim3A_524, %broadcast_in_dim3A_525 : vector<16xi1>, vector<16xi32>
      %broadcast_in_dim3A_527 = arith.constant true
      %broadcast_in_dim3A_528 = vector.broadcast %broadcast_in_dim3A_527 : i1 to vector<16xi1>
      %masked_cumsum3A_529 = tpu.scan <sum>, %select_n3A_526 masked %broadcast_in_dim3A_528 : vector<16xi32>, vector<16xi1> -> vector<16xi32>
      %add3A_530 = arith.addi %add3A_515, %masked_cumsum3A_529 : vector<16xi32>
      %sub3A_531 = arith.constant 1 : i32
      %sub3A_532 = vector.broadcast %sub3A_531 : i32 to vector<16xi32>
      %sub3A_533 = arith.subi %add3A_530, %sub3A_532 : vector<16xi32>
      %lt3A_534 = arith.constant 1024 : i32
      %lt3A_535 = vector.broadcast %lt3A_534 : i32 to vector<16xi32>
      %lt3A_536 = arith.cmpi slt, %sub3A_533, %lt3A_535 : vector<16xi32>
      %and3A_537 = arith.andi %and3A_521, %lt3A_536 : vector<16xi1>
      tpu.vector_store_idx %arg8[%sub3A_533], %add3A_518 masked %and3A_537 : memref<1024xi32, #tpu.memory_space<vmem>>[vector<16xi32>], vector<16xi32>, vector<16xi1>
      %lt3A_538 = arith.constant 0 : i32
      %lt3A_539 = vector.broadcast %lt3A_538 : i32 to vector<16xi32>
      %lt3A_540 = arith.cmpi slt, %broadcast_in_dim3A_3, %lt3A_539 : vector<16xi32>
      %add3A_541 = arith.constant 16 : i32
      %add3A_542 = vector.broadcast %add3A_541 : i32 to vector<16xi32>
      %add3A_543 = arith.addi %broadcast_in_dim3A_3, %add3A_542 : vector<16xi32>
      %select_n3A_544 = arith.select %lt3A_540, %add3A_543, %broadcast_in_dim3A_3 : vector<16xi1>, vector<16xi32>
      %broadcast_in_dim3A_545 = vector.shape_cast %select_n3A_544 : vector<16xi32> to vector<16x1xi32>
      %gather3A_546 = vector.shape_cast %broadcast_in_dim3A_545 : vector<16x1xi32> to vector<16xi32>
      %gather3A_547 = tpu.dynamic_gather %masked_cumsum3A_529[%gather3A_546] in [0] : vector<16xi32>, vector<16xi32> -> vector<16xi32>
      %add3A_548 = arith.addi %add3A_515, %gather3A_547 : vector<16xi32>
      %add3A_549 = arith.constant 144 : i32
      %add3A_550 = vector.broadcast %add3A_549 : i32 to vector<16xi32>
      %add3A_551 = arith.addi %add3A_254, %add3A_550 : vector<16xi32>
      %gather3A_552 = tpu.vector_load_idx %arg5[%add3A_551] : memref<100000xf32, #tpu.memory_space<vmem>>[vector<16xi32>], vector<16xf32>,
      %ge3A_553 = arith.cmpf oge, %gather3A_552, %broadcast_in_dim3A_127 : vector<16xf32>
      %and3A_554 = arith.andi %ge3A_553, %lt3A_239 : vector<16xi1>
      %jit3A_555 = arith.constant 1 : i32
      %jit3A_556 = arith.constant 0 : i32
      %broadcast_in_dim3A_557 = vector.broadcast %jit3A_555 : i32 to vector<16xi32>
      %broadcast_in_dim3A_558 = vector.broadcast %jit3A_556 : i32 to vector<16xi32>
      %select_n3A_559 = arith.select %and3A_554, %broadcast_in_dim3A_557, %broadcast_in_dim3A_558 : vector<16xi1>, vector<16xi32>
      %broadcast_in_dim3A_560 = arith.constant true
      %broadcast_in_dim3A_561 = vector.broadcast %broadcast_in_dim3A_560 : i1 to vector<16xi1>
      %masked_cumsum3A_562 = tpu.scan <sum>, %select_n3A_559 masked %broadcast_in_dim3A_561 : vector<16xi32>, vector<16xi1> -> vector<16xi32>
      %add3A_563 = arith.addi %add3A_548, %masked_cumsum3A_562 : vector<16xi32>
      %sub3A_564 = arith.constant 1 : i32
      %sub3A_565 = vector.broadcast %sub3A_564 : i32 to vector<16xi32>
      %sub3A_566 = arith.subi %add3A_563, %sub3A_565 : vector<16xi32>
      %lt3A_567 = arith.constant 1024 : i32
      %lt3A_568 = vector.broadcast %lt3A_567 : i32 to vector<16xi32>
      %lt3A_569 = arith.cmpi slt, %sub3A_566, %lt3A_568 : vector<16xi32>
      %and3A_570 = arith.andi %and3A_554, %lt3A_569 : vector<16xi1>
      tpu.vector_store_idx %arg8[%sub3A_566], %add3A_551 masked %and3A_570 : memref<1024xi32, #tpu.memory_space<vmem>>[vector<16xi32>], vector<16xi32>, vector<16xi1>
      %lt3A_571 = arith.constant 0 : i32
      %lt3A_572 = vector.broadcast %lt3A_571 : i32 to vector<16xi32>
      %lt3A_573 = arith.cmpi slt, %broadcast_in_dim3A_3, %lt3A_572 : vector<16xi32>
      %add3A_574 = arith.constant 16 : i32
      %add3A_575 = vector.broadcast %add3A_574 : i32 to vector<16xi32>
      %add3A_576 = arith.addi %broadcast_in_dim3A_3, %add3A_575 : vector<16xi32>
      %select_n3A_577 = arith.select %lt3A_573, %add3A_576, %broadcast_in_dim3A_3 : vector<16xi1>, vector<16xi32>
      %broadcast_in_dim3A_578 = vector.shape_cast %select_n3A_577 : vector<16xi32> to vector<16x1xi32>
      %gather3A_579 = vector.shape_cast %broadcast_in_dim3A_578 : vector<16x1xi32> to vector<16xi32>
      %gather3A_580 = tpu.dynamic_gather %masked_cumsum3A_562[%gather3A_579] in [0] : vector<16xi32>, vector<16xi32> -> vector<16xi32>
      %add3A_581 = arith.addi %add3A_548, %gather3A_580 : vector<16xi32>
      scf.yield %add3A_581 : vector<16xi32>
    }
    %slice3A_177 = vector.extract_strided_slice %while3A_176 {offsets = [0], sizes = [1], strides = [1]} : vector<16xi32> to vector<1xi32>
    %squeeze3A_178 = vector.extract %slice3A_177[0] : i32 from vector<1xi32>
    %min3A_179 = arith.constant 1024 : i32
    %min3A_180 = arith.minsi %squeeze3A_178, %min3A_179 : i32
    %add3A_181 = arith.constant 16 : i32
    %add3A_182 = arith.addi %min3A_180, %add3A_181 : i32
    %sub3A_183 = arith.constant 1 : i32
    %sub3A_184 = arith.subi %add3A_182, %sub3A_183 : i32
    %jit3A_185 = arith.constant 16 : i32
    %div3A_186 = arith.divsi %sub3A_184, %jit3A_185 : i32
    %sign3A_187 = arith.constant 0 : i32
    %sign3A_188 = arith.cmpi sgt, %sub3A_184, %sign3A_187 : i32
    %sign3A_189 = arith.extui %sign3A_188 : i1 to i32
    %sign3A_190 = arith.constant 0 : i32
    %sign3A_191 = arith.cmpi slt, %sub3A_184, %sign3A_190 : i32
    %sign3A_192 = arith.extui %sign3A_191 : i1 to i32
    %sign3A_193 = arith.subi %sign3A_189, %sign3A_192 : i32
    %sign3A_194 = arith.constant 0 : i32
    %sign3A_195 = arith.cmpi sgt, %jit3A_185, %sign3A_194 : i32
    %sign3A_196 = arith.extui %sign3A_195 : i1 to i32
    %sign3A_197 = arith.constant 0 : i32
    %sign3A_198 = arith.cmpi slt, %jit3A_185, %sign3A_197 : i32
    %sign3A_199 = arith.extui %sign3A_198 : i1 to i32
    %sign3A_200 = arith.subi %sign3A_196, %sign3A_199 : i32
    %ne3A_201 = arith.cmpi ne, %sign3A_193, %sign3A_200 : i32
    %rem3A_202 = arith.remsi %sub3A_184, %jit3A_185 : i32
    %ne3A_203 = arith.constant 0 : i32
    %ne3A_204 = arith.cmpi ne, %rem3A_202, %ne3A_203 : i32
    %and3A_205 = arith.andi %ne3A_201, %ne3A_204 : i1
    %sub3A_206 = arith.constant 1 : i32
    %sub3A_207 = arith.subi %div3A_186, %sub3A_206 : i32
    %select_n3A_208 = arith.select %and3A_205, %sub3A_207, %div3A_186 : i32
    %while3A_209 = arith.constant 0 : i32
    %while3A_210 = arith.constant 0 : i32
    %while3A_211 = arith.subi %select_n3A_208, %while3A_209 : i32
    %while3A_212 = arith.addi %while3A_209, %while3A_211 : i32
    %while3A_213 = arith.constant 1 : i32
    %while3A_214 = arith.divsi %while3A_211, %while3A_213 : i32
    %while3A_215 = arith.muli %while3A_214, %while3A_213 : i32
    %while3A_216 = arith.addi %while3A_209, %while3A_215 : i32
    %while3A_217 = arith.constant 1 : i32
    %while3A_218 = scf.for %while3A_233 = %while3A_209 to %while3A_216 step %while3A_217 iter_args(%while3A_234 = %while3A_210) -> (i32)  : i32 {
      %mul3A_235 = arith.constant 16 : i32
      %mul3A_236 = arith.muli %while3A_233, %mul3A_235 : i32
      %add3A_237 = vector.broadcast %mul3A_236 : i32 to vector<16xi32>
      %add3A_238 = arith.addi %add3A_237, %iota3A : vector<16xi32>
      %lt3A = vector.broadcast %min3A_180 : i32 to vector<16xi32>
      %lt3A_239 = arith.cmpi slt, %add3A_238, %lt3A : vector<16xi32>
      %mul3A_240 = arith.constant 16 : i32
      %mul3A_241 = arith.muli %while3A_233, %mul3A_240 : i32
      %get3A = arith.index_cast %mul3A_241 : i32 to index
      %get3A_242 = tpu.vector_load %arg8[%get3A] {strides = array<i32>} : memref<1024xi32, #tpu.memory_space<vmem>>, vector<16xi32>,
      %jit3A_243 = arith.constant 0 : i32
      %broadcast_in_dim3A_244 = vector.broadcast %jit3A_243 : i32 to vector<16xi32>
      %select_n3A_245 = arith.select %lt3A_239, %get3A_242, %broadcast_in_dim3A_244 : vector<16xi1>, vector<16xi32>
      %mul3A_246 = arith.constant 16 : i32
      %mul3A_247 = arith.muli %while3A_233, %mul3A_246 : i32
      %swap3A_248 = arith.index_cast %mul3A_247 : i32 to index
      %swap3A_249 = tpu.vector_load %arg8[%swap3A_248] {strides = array<i32>} : memref<1024xi32, #tpu.memory_space<vmem>>, vector<16xi32>,
      tpu.vector_store %arg8[%swap3A_248], %select_n3A_245 {strides = array<i32>} : memref<1024xi32, #tpu.memory_space<vmem>>, vector<16xi32>,
      %gather3A = tpu.vector_load_idx %arg5[%select_n3A_245] : memref<100000xf32, #tpu.memory_space<vmem>>[vector<16xi32>], vector<16xf32>,
      %jit3A_250 = arith.constant -3.400000e+38 : f32
      %broadcast_in_dim3A_251 = vector.broadcast %jit3A_250 : f32 to vector<16xf32>
      %select_n3A_252 = arith.select %lt3A_239, %gather3A, %broadcast_in_dim3A_251 : vector<16xi1>, vector<16xf32>
      %mul3A_253 = arith.constant 16 : i32
      %mul3A_254 = arith.muli %while3A_233, %mul3A_253 : i32
      %swap3A_255 = arith.index_cast %mul3A_254 : i32 to index
      %swap3A_256 = tpu.vector_load %arg9[%swap3A_255] {strides = array<i32>} : memref<1024xf32, #tpu.memory_space<vmem>>, vector<16xf32>,
      tpu.vector_store %arg9[%swap3A_255], %select_n3A_252 {strides = array<i32>} : memref<1024xf32, #tpu.memory_space<vmem>>, vector<16xf32>,
      %while3A_257 = arith.constant 0 : i32
      scf.yield %while3A_257 : i32
    }
    %while3A_219 = arith.constant 1 : i32
    %while3A_220 = scf.for %while3A_233 = %while3A_216 to %while3A_212 step %while3A_219 iter_args(%while3A_234 = %while3A_218) -> (i32)  : i32 {
      %mul3A_235 = arith.constant 16 : i32
      %mul3A_236 = arith.muli %while3A_233, %mul3A_235 : i32
      %add3A_237 = vector.broadcast %mul3A_236 : i32 to vector<16xi32>
      %add3A_238 = arith.addi %add3A_237, %iota3A : vector<16xi32>
      %lt3A = vector.broadcast %min3A_180 : i32 to vector<16xi32>
      %lt3A_239 = arith.cmpi slt, %add3A_238, %lt3A : vector<16xi32>
      %mul3A_240 = arith.constant 16 : i32
      %mul3A_241 = arith.muli %while3A_233, %mul3A_240 : i32
      %get3A = arith.index_cast %mul3A_241 : i32 to index
      %get3A_242 = tpu.vector_load %arg8[%get3A] {strides = array<i32>} : memref<1024xi32, #tpu.memory_space<vmem>>, vector<16xi32>,
      %jit3A_243 = arith.constant 0 : i32
      %broadcast_in_dim3A_244 = vector.broadcast %jit3A_243 : i32 to vector<16xi32>
      %select_n3A_245 = arith.select %lt3A_239, %get3A_242, %broadcast_in_dim3A_244 : vector<16xi1>, vector<16xi32>
      %mul3A_246 = arith.constant 16 : i32
      %mul3A_247 = arith.muli %while3A_233, %mul3A_246 : i32
      %swap3A_248 = arith.index_cast %mul3A_247 : i32 to index
      %swap3A_249 = tpu.vector_load %arg8[%swap3A_248] {strides = array<i32>} : memref<1024xi32, #tpu.memory_space<vmem>>, vector<16xi32>,
      tpu.vector_store %arg8[%swap3A_248], %select_n3A_245 {strides = array<i32>} : memref<1024xi32, #tpu.memory_space<vmem>>, vector<16xi32>,
      %gather3A = tpu.vector_load_idx %arg5[%select_n3A_245] : memref<100000xf32, #tpu.memory_space<vmem>>[vector<16xi32>], vector<16xf32>,
      %jit3A_250 = arith.constant -3.400000e+38 : f32
      %broadcast_in_dim3A_251 = vector.broadcast %jit3A_250 : f32 to vector<16xf32>
      %select_n3A_252 = arith.select %lt3A_239, %gather3A, %broadcast_in_dim3A_251 : vector<16xi1>, vector<16xf32>
      %mul3A_253 = arith.constant 16 : i32
      %mul3A_254 = arith.muli %while3A_233, %mul3A_253 : i32
      %swap3A_255 = arith.index_cast %mul3A_254 : i32 to index
      %swap3A_256 = tpu.vector_load %arg9[%swap3A_255] {strides = array<i32>} : memref<1024xf32, #tpu.memory_space<vmem>>, vector<16xf32>,
      tpu.vector_store %arg9[%swap3A_255], %select_n3A_252 {strides = array<i32>} : memref<1024xf32, #tpu.memory_space<vmem>>, vector<16xf32>,
      %while3A_257 = arith.constant 0 : i32
      scf.yield %while3A_257 : i32
    }
    %broadcast_in_dim3A_221 = arith.constant -3.400000e+38 : f32
    %broadcast_in_dim3A_222 = vector.broadcast %broadcast_in_dim3A_221 : f32 to vector<16xf32>
    %scan3A_223 = arith.constant 0 : i32
    %scan3A_224 = arith.constant 16 : i32
    %scan3A_225 = arith.addi %scan3A_223, %scan3A_224 : i32
    %scan3A_226 = arith.constant 1 : i32
    %scan3A_227:2 = scf.for %scan3A_233 = %scan3A_223 to %scan3A_225 step %scan3A_226 iter_args(%scan3A_234 = %broadcast_in_dim3A_222, %scan3A_235 = %broadcast_in_dim3A_1) -> (vector<16xf32>, vector<16xi32>)  : i32 {
      %while3A_236 = arith.constant 0 : i32
      %while3A_237 = arith.subi %select_n3A_208, %while3A_236 : i32
      %while3A_238 = arith.addi %while3A_236, %while3A_237 : i32
      %while3A_239 = arith.constant 1 : i32
      %while3A_240 = arith.divsi %while3A_237, %while3A_239 : i32
      %while3A_241 = arith.muli %while3A_240, %while3A_239 : i32
      %while3A_242 = arith.addi %while3A_236, %while3A_241 : i32
      %while3A_243 = arith.constant 1 : i32
      %while3A_244:2 = scf.for %while3A_379 = %while3A_236 to %while3A_242 step %while3A_243 iter_args(%while3A_380 = %broadcast_in_dim3A_222, %while3A_381 = %broadcast_in_dim3A_1) -> (vector<16xf32>, vector<16xi32>)  : i32 {
        %mul3A_382 = arith.constant 16 : i32
        %mul3A_383 = arith.muli %while3A_379, %mul3A_382 : i32
        %get3A = arith.index_cast %mul3A_383 : i32 to index
        %get3A_384 = tpu.vector_load %arg9[%get3A] {strides = array<i32>} : memref<1024xf32, #tpu.memory_space<vmem>>, vector<16xf32>,
        %mul3A_385 = arith.constant 16 : i32
        %mul3A_386 = arith.muli %while3A_379, %mul3A_385 : i32
        %get3A_387 = arith.index_cast %mul3A_386 : i32 to index
        %get3A_388 = tpu.vector_load %arg8[%get3A_387] {strides = array<i32>} : memref<1024xi32, #tpu.memory_space<vmem>>, vector<16xi32>,
        %gt3A_389 = arith.cmpf ogt, %get3A_384, %while3A_380 : vector<16xf32>
        %eq3A_390 = arith.cmpf oeq, %get3A_384, %while3A_380 : vector<16xf32>
        %lt3A_391 = arith.cmpi slt, %get3A_388, %while3A_381 : vector<16xi32>
        %and3A_392 = arith.andi %eq3A_390, %lt3A_391 : vector<16xi1>
        %or3A_393 = arith.ori %gt3A_389, %and3A_392 : vector<16xi1>
        %select_n3A_394 = arith.select %or3A_393, %get3A_384, %while3A_380 : vector<16xi1>, vector<16xf32>
        %select_n3A_395 = arith.select %or3A_393, %get3A_388, %while3A_381 : vector<16xi1>, vector<16xi32>
        scf.yield %select_n3A_394, %select_n3A_395 : vector<16xf32>, vector<16xi32>
      }
      %while3A_245 = arith.constant 1 : i32
      %while3A_246:2 = scf.for %while3A_379 = %while3A_242 to %while3A_238 step %while3A_245 iter_args(%while3A_380 = %while3A_244#0, %while3A_381 = %while3A_244#1) -> (vector<16xf32>, vector<16xi32>)  : i32 {
        %mul3A_382 = arith.constant 16 : i32
        %mul3A_383 = arith.muli %while3A_379, %mul3A_382 : i32
        %get3A = arith.index_cast %mul3A_383 : i32 to index
        %get3A_384 = tpu.vector_load %arg9[%get3A] {strides = array<i32>} : memref<1024xf32, #tpu.memory_space<vmem>>, vector<16xf32>,
        %mul3A_385 = arith.constant 16 : i32
        %mul3A_386 = arith.muli %while3A_379, %mul3A_385 : i32
        %get3A_387 = arith.index_cast %mul3A_386 : i32 to index
        %get3A_388 = tpu.vector_load %arg8[%get3A_387] {strides = array<i32>} : memref<1024xi32, #tpu.memory_space<vmem>>, vector<16xi32>,
        %gt3A_389 = arith.cmpf ogt, %get3A_384, %while3A_380 : vector<16xf32>
        %eq3A_390 = arith.cmpf oeq, %get3A_384, %while3A_380 : vector<16xf32>
        %lt3A_391 = arith.cmpi slt, %get3A_388, %while3A_381 : vector<16xi32>
        %and3A_392 = arith.andi %eq3A_390, %lt3A_391 : vector<16xi1>
        %or3A_393 = arith.ori %gt3A_389, %and3A_392 : vector<16xi1>
        %select_n3A_394 = arith.select %or3A_393, %get3A_384, %while3A_380 : vector<16xi1>, vector<16xf32>
        %select_n3A_395 = arith.select %or3A_393, %get3A_388, %while3A_381 : vector<16xi1>, vector<16xi32>
        scf.yield %select_n3A_394, %select_n3A_395 : vector<16xf32>, vector<16xi32>
      }
      %xor3A = arith.constant 8 : i32
      %xor3A_247 = vector.broadcast %xor3A : i32 to vector<16xi32>
      %xor3A_248 = arith.xori %iota3A, %xor3A_247 : vector<16xi32>
      %lt3A = arith.constant 0 : i32
      %lt3A_249 = vector.broadcast %lt3A : i32 to vector<16xi32>
      %lt3A_250 = arith.cmpi slt, %xor3A_248, %lt3A_249 : vector<16xi32>
      %add3A_251 = arith.constant 16 : i32
      %add3A_252 = vector.broadcast %add3A_251 : i32 to vector<16xi32>
      %add3A_253 = arith.addi %xor3A_248, %add3A_252 : vector<16xi32>
      %select_n3A_254 = arith.select %lt3A_250, %add3A_253, %xor3A_248 : vector<16xi1>, vector<16xi32>
      %broadcast_in_dim3A_255 = vector.shape_cast %select_n3A_254 : vector<16xi32> to vector<16x1xi32>
      %gather3A = vector.shape_cast %broadcast_in_dim3A_255 : vector<16x1xi32> to vector<16xi32>
      %gather3A_256 = tpu.dynamic_gather %while3A_246#0[%gather3A] in [0] : vector<16xf32>, vector<16xi32> -> vector<16xf32>
      %lt3A_257 = arith.constant 0 : i32
      %lt3A_258 = vector.broadcast %lt3A_257 : i32 to vector<16xi32>
      %lt3A_259 = arith.cmpi slt, %xor3A_248, %lt3A_258 : vector<16xi32>
      %add3A_260 = arith.constant 16 : i32
      %add3A_261 = vector.broadcast %add3A_260 : i32 to vector<16xi32>
      %add3A_262 = arith.addi %xor3A_248, %add3A_261 : vector<16xi32>
      %select_n3A_263 = arith.select %lt3A_259, %add3A_262, %xor3A_248 : vector<16xi1>, vector<16xi32>
      %broadcast_in_dim3A_264 = vector.shape_cast %select_n3A_263 : vector<16xi32> to vector<16x1xi32>
      %gather3A_265 = vector.shape_cast %broadcast_in_dim3A_264 : vector<16x1xi32> to vector<16xi32>
      %gather3A_266 = tpu.dynamic_gather %while3A_246#1[%gather3A_265] in [0] : vector<16xi32>, vector<16xi32> -> vector<16xi32>
      %gt3A = arith.cmpf ogt, %gather3A_256, %while3A_246#0 : vector<16xf32>
      %eq3A = arith.cmpf oeq, %gather3A_256, %while3A_246#0 : vector<16xf32>
      %lt3A_267 = arith.cmpi slt, %gather3A_266, %while3A_246#1 : vector<16xi32>
      %and3A_268 = arith.andi %eq3A, %lt3A_267 : vector<16xi1>
      %or3A = arith.ori %gt3A, %and3A_268 : vector<16xi1>
      %select_n3A_269 = arith.select %or3A, %gather3A_256, %while3A_246#0 : vector<16xi1>, vector<16xf32>
      %select_n3A_270 = arith.select %or3A, %gather3A_266, %while3A_246#1 : vector<16xi1>, vector<16xi32>
      %xor3A_271 = arith.constant 4 : i32
      %xor3A_272 = vector.broadcast %xor3A_271 : i32 to vector<16xi32>
      %xor3A_273 = arith.xori %iota3A, %xor3A_272 : vector<16xi32>
      %lt3A_274 = arith.constant 0 : i32
      %lt3A_275 = vector.broadcast %lt3A_274 : i32 to vector<16xi32>
      %lt3A_276 = arith.cmpi slt, %xor3A_273, %lt3A_275 : vector<16xi32>
      %add3A_277 = arith.constant 16 : i32
      %add3A_278 = vector.broadcast %add3A_277 : i32 to vector<16xi32>
      %add3A_279 = arith.addi %xor3A_273, %add3A_278 : vector<16xi32>
      %select_n3A_280 = arith.select %lt3A_276, %add3A_279, %xor3A_273 : vector<16xi1>, vector<16xi32>
      %broadcast_in_dim3A_281 = vector.shape_cast %select_n3A_280 : vector<16xi32> to vector<16x1xi32>
      %gather3A_282 = vector.shape_cast %broadcast_in_dim3A_281 : vector<16x1xi32> to vector<16xi32>
      %gather3A_283 = tpu.dynamic_gather %select_n3A_269[%gather3A_282] in [0] : vector<16xf32>, vector<16xi32> -> vector<16xf32>
      %lt3A_284 = arith.constant 0 : i32
      %lt3A_285 = vector.broadcast %lt3A_284 : i32 to vector<16xi32>
      %lt3A_286 = arith.cmpi slt, %xor3A_273, %lt3A_285 : vector<16xi32>
      %add3A_287 = arith.constant 16 : i32
      %add3A_288 = vector.broadcast %add3A_287 : i32 to vector<16xi32>
      %add3A_289 = arith.addi %xor3A_273, %add3A_288 : vector<16xi32>
      %select_n3A_290 = arith.select %lt3A_286, %add3A_289, %xor3A_273 : vector<16xi1>, vector<16xi32>
      %broadcast_in_dim3A_291 = vector.shape_cast %select_n3A_290 : vector<16xi32> to vector<16x1xi32>
      %gather3A_292 = vector.shape_cast %broadcast_in_dim3A_291 : vector<16x1xi32> to vector<16xi32>
      %gather3A_293 = tpu.dynamic_gather %select_n3A_270[%gather3A_292] in [0] : vector<16xi32>, vector<16xi32> -> vector<16xi32>
      %gt3A_294 = arith.cmpf ogt, %gather3A_283, %select_n3A_269 : vector<16xf32>
      %eq3A_295 = arith.cmpf oeq, %gather3A_283, %select_n3A_269 : vector<16xf32>
      %lt3A_296 = arith.cmpi slt, %gather3A_293, %select_n3A_270 : vector<16xi32>
      %and3A_297 = arith.andi %eq3A_295, %lt3A_296 : vector<16xi1>
      %or3A_298 = arith.ori %gt3A_294, %and3A_297 : vector<16xi1>
      %select_n3A_299 = arith.select %or3A_298, %gather3A_283, %select_n3A_269 : vector<16xi1>, vector<16xf32>
      %select_n3A_300 = arith.select %or3A_298, %gather3A_293, %select_n3A_270 : vector<16xi1>, vector<16xi32>
      %xor3A_301 = arith.constant 2 : i32
      %xor3A_302 = vector.broadcast %xor3A_301 : i32 to vector<16xi32>
      %xor3A_303 = arith.xori %iota3A, %xor3A_302 : vector<16xi32>
      %lt3A_304 = arith.constant 0 : i32
      %lt3A_305 = vector.broadcast %lt3A_304 : i32 to vector<16xi32>
      %lt3A_306 = arith.cmpi slt, %xor3A_303, %lt3A_305 : vector<16xi32>
      %add3A_307 = arith.constant 16 : i32
      %add3A_308 = vector.broadcast %add3A_307 : i32 to vector<16xi32>
      %add3A_309 = arith.addi %xor3A_303, %add3A_308 : vector<16xi32>
      %select_n3A_310 = arith.select %lt3A_306, %add3A_309, %xor3A_303 : vector<16xi1>, vector<16xi32>
      %broadcast_in_dim3A_311 = vector.shape_cast %select_n3A_310 : vector<16xi32> to vector<16x1xi32>
      %gather3A_312 = vector.shape_cast %broadcast_in_dim3A_311 : vector<16x1xi32> to vector<16xi32>
      %gather3A_313 = tpu.dynamic_gather %select_n3A_299[%gather3A_312] in [0] : vector<16xf32>, vector<16xi32> -> vector<16xf32>
      %lt3A_314 = arith.constant 0 : i32
      %lt3A_315 = vector.broadcast %lt3A_314 : i32 to vector<16xi32>
      %lt3A_316 = arith.cmpi slt, %xor3A_303, %lt3A_315 : vector<16xi32>
      %add3A_317 = arith.constant 16 : i32
      %add3A_318 = vector.broadcast %add3A_317 : i32 to vector<16xi32>
      %add3A_319 = arith.addi %xor3A_303, %add3A_318 : vector<16xi32>
      %select_n3A_320 = arith.select %lt3A_316, %add3A_319, %xor3A_303 : vector<16xi1>, vector<16xi32>
      %broadcast_in_dim3A_321 = vector.shape_cast %select_n3A_320 : vector<16xi32> to vector<16x1xi32>
      %gather3A_322 = vector.shape_cast %broadcast_in_dim3A_321 : vector<16x1xi32> to vector<16xi32>
      %gather3A_323 = tpu.dynamic_gather %select_n3A_300[%gather3A_322] in [0] : vector<16xi32>, vector<16xi32> -> vector<16xi32>
      %gt3A_324 = arith.cmpf ogt, %gather3A_313, %select_n3A_299 : vector<16xf32>
      %eq3A_325 = arith.cmpf oeq, %gather3A_313, %select_n3A_299 : vector<16xf32>
      %lt3A_326 = arith.cmpi slt, %gather3A_323, %select_n3A_300 : vector<16xi32>
      %and3A_327 = arith.andi %eq3A_325, %lt3A_326 : vector<16xi1>
      %or3A_328 = arith.ori %gt3A_324, %and3A_327 : vector<16xi1>
      %select_n3A_329 = arith.select %or3A_328, %gather3A_313, %select_n3A_299 : vector<16xi1>, vector<16xf32>
      %select_n3A_330 = arith.select %or3A_328, %gather3A_323, %select_n3A_300 : vector<16xi1>, vector<16xi32>
      %xor3A_331 = arith.constant 1 : i32
      %xor3A_332 = vector.broadcast %xor3A_331 : i32 to vector<16xi32>
      %xor3A_333 = arith.xori %iota3A, %xor3A_332 : vector<16xi32>
      %lt3A_334 = arith.constant 0 : i32
      %lt3A_335 = vector.broadcast %lt3A_334 : i32 to vector<16xi32>
      %lt3A_336 = arith.cmpi slt, %xor3A_333, %lt3A_335 : vector<16xi32>
      %add3A_337 = arith.constant 16 : i32
      %add3A_338 = vector.broadcast %add3A_337 : i32 to vector<16xi32>
      %add3A_339 = arith.addi %xor3A_333, %add3A_338 : vector<16xi32>
      %select_n3A_340 = arith.select %lt3A_336, %add3A_339, %xor3A_333 : vector<16xi1>, vector<16xi32>
      %broadcast_in_dim3A_341 = vector.shape_cast %select_n3A_340 : vector<16xi32> to vector<16x1xi32>
      %gather3A_342 = vector.shape_cast %broadcast_in_dim3A_341 : vector<16x1xi32> to vector<16xi32>
      %gather3A_343 = tpu.dynamic_gather %select_n3A_329[%gather3A_342] in [0] : vector<16xf32>, vector<16xi32> -> vector<16xf32>
      %lt3A_344 = arith.constant 0 : i32
      %lt3A_345 = vector.broadcast %lt3A_344 : i32 to vector<16xi32>
      %lt3A_346 = arith.cmpi slt, %xor3A_333, %lt3A_345 : vector<16xi32>
      %add3A_347 = arith.constant 16 : i32
      %add3A_348 = vector.broadcast %add3A_347 : i32 to vector<16xi32>
      %add3A_349 = arith.addi %xor3A_333, %add3A_348 : vector<16xi32>
      %select_n3A_350 = arith.select %lt3A_346, %add3A_349, %xor3A_333 : vector<16xi1>, vector<16xi32>
      %broadcast_in_dim3A_351 = vector.shape_cast %select_n3A_350 : vector<16xi32> to vector<16x1xi32>
      %gather3A_352 = vector.shape_cast %broadcast_in_dim3A_351 : vector<16x1xi32> to vector<16xi32>
      %gather3A_353 = tpu.dynamic_gather %select_n3A_330[%gather3A_352] in [0] : vector<16xi32>, vector<16xi32> -> vector<16xi32>
      %gt3A_354 = arith.cmpf ogt, %gather3A_343, %select_n3A_329 : vector<16xf32>
      %eq3A_355 = arith.cmpf oeq, %gather3A_343, %select_n3A_329 : vector<16xf32>
      %lt3A_356 = arith.cmpi slt, %gather3A_353, %select_n3A_330 : vector<16xi32>
      %and3A_357 = arith.andi %eq3A_355, %lt3A_356 : vector<16xi1>
      %or3A_358 = arith.ori %gt3A_354, %and3A_357 : vector<16xi1>
      %select_n3A_359 = arith.select %or3A_358, %gather3A_343, %select_n3A_329 : vector<16xi1>, vector<16xf32>
      %select_n3A_360 = arith.select %or3A_358, %gather3A_353, %select_n3A_330 : vector<16xi1>, vector<16xi32>
      %eq3A_361 = vector.broadcast %scan3A_233 : i32 to vector<16xi32>
      %eq3A_362 = arith.cmpi eq, %iota3A, %eq3A_361 : vector<16xi32>
      %select_n3A_363 = arith.select %eq3A_362, %select_n3A_359, %scan3A_234 : vector<16xi1>, vector<16xf32>
      %eq3A_364 = vector.broadcast %scan3A_233 : i32 to vector<16xi32>
      %eq3A_365 = arith.cmpi eq, %iota3A, %eq3A_364 : vector<16xi32>
      %select_n3A_366 = arith.select %eq3A_365, %select_n3A_360, %scan3A_235 : vector<16xi1>, vector<16xi32>
      %while3A_367 = arith.constant 0 : i32
      %while3A_368 = arith.constant 0 : i32
      %while3A_369 = arith.subi %select_n3A_208, %while3A_367 : i32
      %while3A_370 = arith.addi %while3A_367, %while3A_369 : i32
      %while3A_371 = arith.constant 1 : i32
      %while3A_372 = arith.divsi %while3A_369, %while3A_371 : i32
      %while3A_373 = arith.muli %while3A_372, %while3A_371 : i32
      %while3A_374 = arith.addi %while3A_367, %while3A_373 : i32
      %while3A_375 = arith.constant 1 : i32
      %while3A_376 = scf.for %while3A_379 = %while3A_367 to %while3A_374 step %while3A_375 iter_args(%while3A_380 = %while3A_368) -> (i32)  : i32 {
        %mul3A_381 = arith.constant 16 : i32
        %mul3A_382 = arith.muli %while3A_379, %mul3A_381 : i32
        %get3A = arith.index_cast %mul3A_382 : i32 to index
        %get3A_383 = tpu.vector_load %arg9[%get3A] {strides = array<i32>} : memref<1024xf32, #tpu.memory_space<vmem>>, vector<16xf32>,
        %mul3A_384 = arith.constant 16 : i32
        %mul3A_385 = arith.muli %while3A_379, %mul3A_384 : i32
        %get3A_386 = arith.index_cast %mul3A_385 : i32 to index
        %get3A_387 = tpu.vector_load %arg8[%get3A_386] {strides = array<i32>} : memref<1024xi32, #tpu.memory_space<vmem>>, vector<16xi32>,
        %eq3A_388 = arith.cmpi eq, %get3A_387, %select_n3A_360 : vector<16xi32>
        %jit3A_389 = arith.constant -3.400000e+38 : f32
        %broadcast_in_dim3A_390 = vector.broadcast %jit3A_389 : f32 to vector<16xf32>
        %select_n3A_391 = arith.select %eq3A_388, %broadcast_in_dim3A_390, %get3A_383 : vector<16xi1>, vector<16xf32>
        %mul3A_392 = arith.constant 16 : i32
        %mul3A_393 = arith.muli %while3A_379, %mul3A_392 : i32
        %swap3A_394 = arith.index_cast %mul3A_393 : i32 to index
        %swap3A_395 = tpu.vector_load %arg9[%swap3A_394] {strides = array<i32>} : memref<1024xf32, #tpu.memory_space<vmem>>, vector<16xf32>,
        tpu.vector_store %arg9[%swap3A_394], %select_n3A_391 {strides = array<i32>} : memref<1024xf32, #tpu.memory_space<vmem>>, vector<16xf32>,
        %while3A_396 = arith.constant 0 : i32
        scf.yield %while3A_396 : i32
      }
      %while3A_377 = arith.constant 1 : i32
      %while3A_378 = scf.for %while3A_379 = %while3A_374 to %while3A_370 step %while3A_377 iter_args(%while3A_380 = %while3A_376) -> (i32)  : i32 {
        %mul3A_381 = arith.constant 16 : i32
        %mul3A_382 = arith.muli %while3A_379, %mul3A_381 : i32
        %get3A = arith.index_cast %mul3A_382 : i32 to index
        %get3A_383 = tpu.vector_load %arg9[%get3A] {strides = array<i32>} : memref<1024xf32, #tpu.memory_space<vmem>>, vector<16xf32>,
        %mul3A_384 = arith.constant 16 : i32
        %mul3A_385 = arith.muli %while3A_379, %mul3A_384 : i32
        %get3A_386 = arith.index_cast %mul3A_385 : i32 to index
        %get3A_387 = tpu.vector_load %arg8[%get3A_386] {strides = array<i32>} : memref<1024xi32, #tpu.memory_space<vmem>>, vector<16xi32>,
        %eq3A_388 = arith.cmpi eq, %get3A_387, %select_n3A_360 : vector<16xi32>
        %jit3A_389 = arith.constant -3.400000e+38 : f32
        %broadcast_in_dim3A_390 = vector.broadcast %jit3A_389 : f32 to vector<16xf32>
        %select_n3A_391 = arith.select %eq3A_388, %broadcast_in_dim3A_390, %get3A_383 : vector<16xi1>, vector<16xf32>
        %mul3A_392 = arith.constant 16 : i32
        %mul3A_393 = arith.muli %while3A_379, %mul3A_392 : i32
        %swap3A_394 = arith.index_cast %mul3A_393 : i32 to index
        %swap3A_395 = tpu.vector_load %arg9[%swap3A_394] {strides = array<i32>} : memref<1024xf32, #tpu.memory_space<vmem>>, vector<16xf32>,
        tpu.vector_store %arg9[%swap3A_394], %select_n3A_391 {strides = array<i32>} : memref<1024xf32, #tpu.memory_space<vmem>>, vector<16xf32>,
        %while3A_396 = arith.constant 0 : i32
        scf.yield %while3A_396 : i32
      }
      scf.yield %select_n3A_363, %select_n3A_366 : vector<16xf32>, vector<16xi32>
    }
    %scan3A_228 = arith.constant 16 : i32
    %swap3A_229 = arith.constant 0 : index
    %swap3A_230 = tpu.vector_load %arg10[%swap3A_229] {strides = array<i32>} : memref<16xf32, #tpu.memory_space<vmem>>, vector<16xf32>,
    tpu.vector_store %arg10[%swap3A_229], %scan3A_227#0 {strides = array<i32>} : memref<16xf32, #tpu.memory_space<vmem>>, vector<16xf32>,
    %swap3A_231 = arith.constant 0 : index
    %swap3A_232 = tpu.vector_load %arg11[%swap3A_231] {strides = array<i32>} : memref<16xi32, #tpu.memory_space<vmem>>, vector<16xi32>,
    tpu.vector_store %arg11[%swap3A_231], %scan3A_227#1 {strides = array<i32>} : memref<16xi32, #tpu.memory_space<vmem>>, vector<16xi32>,
    "tpu.region"() ({
      %run_scoped3A = tpu.sem_alloc : memref<!tpu.dma_semaphore, #tpu.memory_space<semaphore_mem>>
      %dma_start3A = arith.constant 0 : i32
      %dma_start3A_233 = tpu.memref_slice %arg3[%add3A_114, %dma_start3A] : memref<64x16xf32, #tpu.memory_space<hbm>> -> memref<1x16xf32, #tpu.memory_space<hbm>>
      %dma_start3A_234 = tpu.memref_squeeze %dma_start3A_233 : memref<1x16xf32, #tpu.memory_space<hbm>> -> memref<16xf32, #tpu.memory_space<hbm>>
      %dma_start3A_235 = arith.constant 0 : i32
      %dma_start3A_236 = tpu.memref_slice %arg3[%add3A_114, %dma_start3A_235] : memref<64x16xf32, #tpu.memory_space<hbm>> -> memref<1x16xf32, #tpu.memory_space<hbm>>
      %dma_start3A_237 = tpu.memref_squeeze %dma_start3A_236 : memref<1x16xf32, #tpu.memory_space<hbm>> -> memref<16xf32, #tpu.memory_space<hbm>>
      tpu.enqueue_dma source(%arg10 : memref<16xf32, #tpu.memory_space<vmem>>) target(%dma_start3A_237 : memref<16xf32, #tpu.memory_space<hbm>>) target_semaphore(%run_scoped3A : memref<!tpu.dma_semaphore, #tpu.memory_space<semaphore_mem>>)
      %dma_wait3A = arith.constant 0 : i32
      %dma_wait3A_238 = tpu.memref_slice %arg3[%add3A_114, %dma_wait3A] : memref<64x16xf32, #tpu.memory_space<hbm>> -> memref<1x16xf32, #tpu.memory_space<hbm>>
      %dma_wait3A_239 = tpu.memref_squeeze %dma_wait3A_238 : memref<1x16xf32, #tpu.memory_space<hbm>> -> memref<16xf32, #tpu.memory_space<hbm>>
      %dma_wait3A_240 = arith.constant 0 : i32
      %dma_wait3A_241 = tpu.memref_slice %arg3[%add3A_114, %dma_wait3A_240] : memref<64x16xf32, #tpu.memory_space<hbm>> -> memref<1x16xf32, #tpu.memory_space<hbm>>
      %dma_wait3A_242 = tpu.memref_squeeze %dma_wait3A_241 : memref<1x16xf32, #tpu.memory_space<hbm>> -> memref<16xf32, #tpu.memory_space<hbm>>
      tpu.wait_dma2 semaphore(%run_scoped3A : memref<!tpu.dma_semaphore, #tpu.memory_space<semaphore_mem>>) src(%arg10 : memref<16xf32, #tpu.memory_space<vmem>>) dst(%dma_wait3A_242 : memref<16xf32, #tpu.memory_space<hbm>>)
      tpu.yield
    }) : () -> ()
    "tpu.region"() ({
      %run_scoped3A = tpu.sem_alloc : memref<!tpu.dma_semaphore, #tpu.memory_space<semaphore_mem>>
      %dma_start3A = arith.constant 0 : i32
      %dma_start3A_233 = tpu.memref_slice %arg4[%add3A_114, %dma_start3A] : memref<64x16xi32, #tpu.memory_space<hbm>> -> memref<1x16xi32, #tpu.memory_space<hbm>>
      %dma_start3A_234 = tpu.memref_squeeze %dma_start3A_233 : memref<1x16xi32, #tpu.memory_space<hbm>> -> memref<16xi32, #tpu.memory_space<hbm>>
      %dma_start3A_235 = arith.constant 0 : i32
      %dma_start3A_236 = tpu.memref_slice %arg4[%add3A_114, %dma_start3A_235] : memref<64x16xi32, #tpu.memory_space<hbm>> -> memref<1x16xi32, #tpu.memory_space<hbm>>
      %dma_start3A_237 = tpu.memref_squeeze %dma_start3A_236 : memref<1x16xi32, #tpu.memory_space<hbm>> -> memref<16xi32, #tpu.memory_space<hbm>>
      tpu.enqueue_dma source(%arg11 : memref<16xi32, #tpu.memory_space<vmem>>) target(%dma_start3A_237 : memref<16xi32, #tpu.memory_space<hbm>>) target_semaphore(%run_scoped3A : memref<!tpu.dma_semaphore, #tpu.memory_space<semaphore_mem>>)
      %dma_wait3A = arith.constant 0 : i32
      %dma_wait3A_238 = tpu.memref_slice %arg4[%add3A_114, %dma_wait3A] : memref<64x16xi32, #tpu.memory_space<hbm>> -> memref<1x16xi32, #tpu.memory_space<hbm>>
      %dma_wait3A_239 = tpu.memref_squeeze %dma_wait3A_238 : memref<1x16xi32, #tpu.memory_space<hbm>> -> memref<16xi32, #tpu.memory_space<hbm>>
      %dma_wait3A_240 = arith.constant 0 : i32
      %dma_wait3A_241 = tpu.memref_slice %arg4[%add3A_114, %dma_wait3A_240] : memref<64x16xi32, #tpu.memory_space<hbm>> -> memref<1x16xi32, #tpu.memory_space<hbm>>
      %dma_wait3A_242 = tpu.memref_squeeze %dma_wait3A_241 : memref<1x16xi32, #tpu.memory_space<hbm>> -> memref<16xi32, #tpu.memory_space<hbm>>
      tpu.wait_dma2 semaphore(%run_scoped3A : memref<!tpu.dma_semaphore, #tpu.memory_space<semaphore_mem>>) src(%arg11 : memref<16xi32, #tpu.memory_space<vmem>>) dst(%dma_wait3A_242 : memref<16xi32, #tpu.memory_space<hbm>>)
      tpu.yield
    }) : () -> ()
    return
  }
}

</mosaic_0001>

<sc_bundles>
// kernel: kernel.3.cloned.1.call-start
scs
__scs_entry_jumppad:
0x0: {  	(pc) =	sbr.rel $0x88, $3  }
0x1: {  	(tag) =	ssettag $0x0;
	lr =	simm.s32 $0x1  }
0x2: {  	[smem:$0x3F9F] =	sst lr;
	_ =	strace $0xD0000000  }
0x3: {  	_ = 	snop  }
0x4: {  	_ = 	snop  }
0x5: {  	_ = 	snop  }
0x6: {  	_ = 	snop  }
0x7: {  	_ = 	snop  }
__scs_overlays_trampoline_lowered:
0x8: {  	[smem:$0x3FAE] =	sst s0  }
0x9: {  	[smem:$0x3FAF] =	sst s1  }
0xa: {  	[smem:$0x3FB0] =	sst s2  }
0xb: {  	[smem:$0x3FB1] =	sst s3  }
0xc: {  	[smem:$0x3FB2] =	sst s4  }
0xd: {  	[smem:$0x3FB3] =	sst s5  }
0xe: {  	[smem:$0x3FB4] =	sst s6  }
0xf: {  	[smem:$0x3FB5] =	sst s7  }
0x10: {  	[smem:$0x3FB6] =	sst s8  }
0x11: {  	[smem:$0x3FB7] =	sst s9;
	s0 =	simm.s32 @!p0 $0x0  }
0x12: {  	s1 =	sld [smem:$0x3F9D];
	s0 =	simm.s32 @p0 $0x1  }
0x13: {  	[smem:$0x3FB8] =	sst s0;
	s0 =	simm.s32 @!p1 $0x0  }
0x14: {  	s2 =	sld [smem:$0x3F9C];
	s0 =	simm.s32 @p1 $0x1  }
0x15: {  	[smem:$0x3FB9] =	sst s0;
	s0 =	simm.s32 @!p2 $0x0  }
0x16: {  	s3 =	sld [smem:$0x3FDB];
	s0 =	simm.s32 @p2 $0x1  }
0x17: {  	s4 =	simm.s32 $0x1BF5;
	[smem:$0x3FBB] =	sst s0  }
0x18: {  	s0 =	sld [smem:$0x3F9E];
	_ =	swait.ge [sflag:s4], $0x0  }
0x19: {  	s7 =	sld [smem:$0x3F9F]  }
0x1a: {  	s8 =	sadd.s32 $0xFFFFE003, lr  }
0x1b: {  	s9 =	sadd.s32 $0xFFFFFEF7, lr;
	s5 =	simm.s32 $0xFFFFFFFF;
	p2 =	slt.u32 s8, $0xFFFFF086  }
0x1c: {  	p1 =	slt.u32 s9, $0xF7A;
	s5 =	simm.s32 @!p2 $0x0  }
0x1d: {  	s5 =	simm.s32 @p1 $0x1;
	p0 =	seq.s32 s7, s2  }
0x1e: {  	s7 =	smul.u32 @!p0 $0xF7A, s2;
	p2 =	seq.s32 @!p0 s5, $0x0  }
0x1f: {  	s9 =	smul.u32 $0xF7A, s1;
	s8 =	simm.s32 @!p0 $0x1BF5;
	p2 =	por !p2, p0  }
0x20: {  	[sflag:s8] =	ssyncset.s32 @!p0 $0xFFFFF086;
	s6 =	sadd.s32 @!p0 s3, s7;
	s7 =	simm.s32 @!p0 $0x108  }
0x21: {  	s3 =	sadd.s32 s3, s9;
	s6 =	sadd.s32 @!p0 $0x88, s6;
	s7 =	simm.s32 @p2 $0x1082  }
0x22: {  	[simem:s7], [sflag:s8] =	dma.local @!p0 [hbm:s6], $0xF7A  }
0x23: {  	s9 =	sor.u32 $0xD0000000, s2;
	s6 =	simm.s32 $0x108;
	_ =	swait.ge @!p0 [sflag:s8], $0x0  }
0x24: {  	s3 =	sadd.s32 $0x88, s3;
	s6 =	simm.s32 @!p1 $0x1082;
	[sflag:s4] =	ssyncset.s32 $0xFFFFF086  }
0x25: {  	[simem:s6], [sflag:s4] =	dma.local [hbm:s3], $0xF7A  }
0x26: {  	[smem:$0x3F9F] =	sst s1;
	(tag) =	ssettag s2;
	_ =	strace s9  }
0x27: {  	s1 =	sld [smem:$0x3FAF]  }
0x28: {  	s2 =	sld [smem:$0x3FB0]  }
0x29: {  	s4 =	sld [smem:$0x3FB2]  }
0x2a: {  	p0 =	seq.s32 s5, $0x0;
	s5 =	sld [smem:$0x3FB3]  }
0x2b: {  	s6 =	sld [smem:$0x3FB4]  }
0x2c: {  	s7 =	sld [smem:$0x3FB5]  }
0x2d: {  	s3 =	simm.s32 $0x108;
	s8 =	sld [smem:$0x3FB6]  }
0x2e: {  	s3 =	simm.s32 @!p0 $0x1082;
	s9 =	sld [smem:$0x3FB7]  }
0x2f: {  	lr =	sadd.s32 s0, s3;
	s0 =	sld [smem:$0x3FAE]  }
0x30: {  	s3 =	sld [smem:$0x3FB1]  }
0x31: {  	[smem:$0x3FBA] =	sst s10  }
0x32: {  	s10 =	sld [smem:$0x3FB8];
	_ =	sdelay $0x3  }
0x33: {  	p0 =	seq.s32 s10, $0x1;
	s10 =	sld [smem:$0x3FBA];
	_ =	sdelay $0x3  }
0x34: {  	[smem:$0x3FBA] =	sst s10  }
0x35: {  	s10 =	sld [smem:$0x3FB9];
	_ =	sdelay $0x3  }
0x36: {  	p1 =	seq.s32 s10, $0x1;
	s10 =	sld [smem:$0x3FBA];
	_ =	sdelay $0x3  }
0x37: {  	[smem:$0x3FBA] =	sst s10  }
0x38: {  	s10 =	sld [smem:$0x3FBB]  }
0x39: {  	_ = 	snop;
	(pc) =	sbr.ind lr, $3  }
0x3a: {  	_ = 	snop  }
0x3b: {  	_ = 	snop  }
0x3c: {  	p2 =	seq.s32 s10, $0x1;
	s10 =	sld [smem:$0x3FBA]  }
0x3d: {  	_ =	shalt  }
0x3e: {  	_ =	shalt  }
0x3f: {  	_ =	shalt  }
0x40: {  	_ =	shalt  }
0x41: {  	_ =	shalt  }
0x42: {  	_ =	shalt  }
0x43: {  	_ =	shalt  }
0x44: {  	_ =	shalt  }
0x45: {  	_ =	shalt  }
0x46: {  	_ =	shalt  }
0x47: {  	_ =	shalt  }
0x48: {  	_ =	shalt  }
0x49: {  	_ =	shalt  }
0x4a: {  	_ =	shalt  }
0x4b: {  	_ =	shalt  }
0x4c: {  	_ =	shalt  }
0x4d: {  	_ =	shalt  }
0x4e: {  	_ =	shalt  }
0x4f: {  	_ =	shalt  }
0x50: {  	_ =	shalt  }
0x51: {  	_ =	shalt  }
0x52: {  	_ =	shalt  }
0x53: {  	_ =	shalt  }
0x54: {  	_ =	shalt  }
0x55: {  	_ =	shalt  }
0x56: {  	_ =	shalt  }
0x57: {  	_ =	shalt  }
0x58: {  	_ =	shalt  }
0x59: {  	_ =	shalt  }
0x5a: {  	_ =	shalt  }
0x5b: {  	_ =	shalt  }
0x5c: {  	_ =	shalt  }
0x5d: {  	_ =	shalt  }
0x5e: {  	_ =	shalt  }
0x5f: {  	_ =	shalt  }
0x60: {  	_ =	shalt  }
0x61: {  	_ =	shalt  }
0x62: {  	_ =	shalt  }
0x63: {  	_ =	shalt  }
0x64: {  	_ =	shalt  }
0x65: {  	_ =	shalt  }
0x66: {  	_ =	shalt  }
0x67: {  	_ =	shalt  }
0x68: {  	_ =	shalt  }
0x69: {  	_ =	shalt  }
0x6a: {  	_ =	shalt  }
0x6b: {  	_ =	shalt  }
0x6c: {  	_ =	shalt  }
0x6d: {  	_ =	shalt  }
0x6e: {  	_ =	shalt  }
0x6f: {  	_ =	shalt  }
0x70: {  	_ =	shalt  }
0x71: {  	_ =	shalt  }
0x72: {  	_ =	shalt  }
0x73: {  	_ =	shalt  }
0x74: {  	_ =	shalt  }
0x75: {  	_ =	shalt  }
0x76: {  	_ =	shalt  }
0x77: {  	_ =	shalt  }
0x78: {  	_ =	shalt  }
0x79: {  	_ =	shalt  }
0x7a: {  	_ =	shalt  }
0x7b: {  	_ =	shalt  }
0x7c: {  	_ =	shalt  }
0x7d: {  	_ =	shalt  }
0x7e: {  	_ =	shalt  }
0x7f: {  	_ =	shalt  }
0x80: {  	_ =	shalt  }
0x81: {  	_ =	shalt  }
0x82: {  	_ =	shalt  }
0x83: {  	_ =	shalt  }
0x84: {  	_ =	shalt  }
0x85: {  	_ =	shalt  }
0x86: {  	_ =	shalt  }
0x87: {  	_ =	shalt  }
.Lfunc_end0:
.L_simem_size_0:
called_computation_lowered:
.L_overlay_start_0:
0x88: {  	s2 =	sld [smem:$0x3FD9]  }
0x89: {  	s3 =	sld [smem:$0x3FFE];
	_ =	sdelay $0x1  }
0x8a: {  	s1 =	srdreg.scid  }
0x8b: {  	s0 =	sand.u32 $0x1, s1  }
0x8c: {  	s14 =	sshll.u32 s0, $0xA;
	s2 =	sadd.s32 s3, s2  }
0x8d: {  	s2 =	sadd.s32 s2, s14  }
0x8e: {  	[smem:$0x3FC6] =	sst s2  }
0x8f: {  	_ = 	snop  }
0x90: {  	s2 =	sld [smem:$0x3FD0];
	_ =	sdelay $0x2  }
0x91: {  	s4 =	simm.s32 $0xA;
	s5 =	simm.s32 $0x10;
	s15 =	sld [smem:$0x3FC9]  }
0x92: {  	[smem:s5], [sflag:s4] =	dma.local [hbm:s2], $0x1  }
0x93: {  	_ =	swait.eq [sflag:s4], $0x1  }
0x94: {  	[sflag:s4] =	ssyncset.done $0x0  }
0x95: {  	[sflag:s4] =	ssyncadd.s32 $0xFFFFFFFF  }
0x96: {  	s16 =	sld [smem:$0x10];
	(tm) =	ssettm $0x1  }
0x97: {  	s17 =	sld [smem:$0x3FFB];
	_ =	sdelay $0x3  }
0x98: {  	_ =	strace s17  }
0x99: {  	s4 =	sld [smem:$0x3FFC];
	_ =	sdelay $0x3  }
0x9a: {  	_ =	strace s4  }
0x9b: {  	s4 =	sld [smem:$0x3FFD];
	_ =	sdelay $0x3  }
0x9c: {  	_ =	strace s4  }
0x9d: {  	_ =	strace $0x8FFFFFFF  }
0x9e: {  	s18 =	sld [smem:$0x3FDB];
	_ =	sdelay $0x1  }
0x9f: {  	s19 =	simm.s32 $_scs_section_size  }
0xa0: {  	s6 =	simm.s32 $_size__tile_overlayer_lowered;
	s7 =	simm.s32 $_tile_overlayer_lowered  }
0xa1: {  	s22 =	simm.s32 $0x1BFF;
	s21 =	sshll.u32 s7, $0x1;
	s4 =	sadd.s32 s19, s18  }
0xa2: {  	s8 =	simm.s32 $0x0;
	s20 =	sshll.u32 s6, $0x1;
	s6 =	sadd.s32 s21, s4  }
0xa3: {  	[timem:s8], [sflag:s22] =	dma.local [hbm:s6], s20  }
0xa4: {  	_ =	swait.ge [sflag:s22], s20  }
0xa5: {  	s5 =	ssub.s32 $0x0, s20;
	[sflag:s22] =	ssyncset.done $0x0  }
0xa6: {  	[sflag:s22] =	ssyncadd.s32 s5;
	_ =	sdelay $0x1  }
0xa7: {  	s23 =	simm.s32 $0x1B8B  }
0xa8: {  	_ =	swait.ge [sflag:s23], $0x1  }
0xa9: {  	[sflag:s23] =	ssyncset.done $0x0  }
0xaa: {  	s25 =	simm.s32 $0x1B8E;
	s24 =	sld [smem:$0x3FFE];
	[sflag:s23] =	ssyncadd.s32 $0xFFFFFFFF  }
0xab: {  	s26 =	simm.s32 $execute0_lowered;
	[smem:$0x3FD2] =	sst s25  }
0xac: {  	s6 =	sshll.u32 s26, $0x1;
	_ =	strace $0x80000046;
	[dreg:$0x1] =	wrdreg $0xFFFFFFFF  }
0xad: {  	s28 =	simm.s32 $_size_execute0_lowered;
	s4 =	sadd.s32 s4, s6;
	[dreg:$0x0] =	wrdreg $0x0  }
0xae: {  	s6 =	sshll.u32 s28, $0x1;
	[dreg:$0x2] =	wrdreg s4  }
0xaf: {  	[dreg:$0x3] =	wrdreg s6  }
0xb0: {  	[dreg:$0x4] =	wrdreg $0xC0  }
0xb1: {  	_ =	task [dreg:s8], $0x5FFFF  }
0xb2: {  	[dreg:$0x1] =	wrdreg $0xFFFFFFFF  }
0xb3: {  	[dreg:$0x0] =	wrdreg $0x60  }
0xb4: {  	[dreg:$0x2] =	wrdreg s15  }
0xb5: {  	[dreg:$0x3] =	wrdreg s16  }
0xb6: {  	[dreg:$0x4] =	wrdreg s24  }
0xb7: {  	[dreg:$0x5] =	wrdreg $0x9  }
0xb8: {  	_ =	task.clear_ibuf [dreg:s8], $0x6FFFF;
	_ =	strace $0x90000046  }
0xb9: {  	s29 =	simm.s32 $0x9;
	_ =	strace $0x80000048  }
0xba: {  	_ =	swait.ge [sflag:s29], $0x1  }
0xbb: {  	[sflag:s29] =	ssyncadd.s32 $0xFFFFFFFF  }
0xbc: {  	_ =	strace $0x90000048  }
0xbd: {  	_ =	sfence  }
0xbe: {  	s30 =	sld [smem:$0x0];
	_ =	sdelay $0x2  }
0xbf: {  	s31 =	sshll.u32 s1, $0xD;
	s1 =	sshrl.u32 s1, $0x2  }
0xc0: {  	s3 =	sand.u32 $0x4000, s31;
	s1 =	sadd.s32 s1, s30  }
0xc1: {  	s0 =	sor.u32 s3, s0;
	s1 =	sshll.u32 s1, $0x11  }
0xc2: {  	s0 =	sor.u32 s1, s0  }
0xc3: {  	s0 =	sadd.s32 $0x8F2B, s0  }
0xc4: {  	[sflag:s0] =	ssyncadd.remote.s32 $0x1  }
0xc5: {  	_ =	sfence.sel $0xFFFF  }
0xc6: {  	[dreg:$0x0] =	wrdreg $0xFFFFFFFF;
	(pc) =	sbr.abs _section_cstart, $3  }
0xc7: {  	[dreg:$0x1] =	wrdreg $0xFFFFFFFF  }
0xc8: {  	_ =	task.clear_ibuf [dreg:s8], $0x2FFFF;
	_ =	strace $0x9FFFFFFF  }
0xc9: {  	(tm) =	ssettm $0x7FFFFFFF  }
tec
execute0_lowered:
.L_overlay_start_1:
0x0: {  	(tag) =	ssettag $0x1  }
0x1: {  	s6 =	rddreg [dreg:$0x0]  }
0x2: {  	s7 =	rddreg [dreg:$0x1]  }
0x3: {  	s2 =	rddreg [dreg:$0x2]  }
0x4: {  	s0 =	rddreg [dreg:$0x3]  }
0x5: {  	s1 =	simm.s32 $0x0;
	s3 =	srdreg.scid;
	s13 =	simm.s32 $0x1AE80  }
0x6: {  	v0 =	vimm.s32 $0xFEDCBA98;
	s14 =	simm.s32 $0x1B280;
	s15 =	simm.s32 $0x1BA80;
	s16 =	simm.s32 $0x1BB00  }
0x7: {  	v1 =	vimm.s32 $0x76543210;
	v3 =	vimm.s32 $0x32107654;
	s17 =	simm.s32 $0x0;
	[smem:$0x7FF] =	sst s1;
	s8 =	sadd.s32 $0xA00, s2  }
0x8: {  	v4 =	vimm.s32 $0xDCFE98BA;
	v5 =	vimm.s32 $0x54761032;
	s2 =	stileid.u32;
	s3 =	sand.u32 $0x1, s3;
	_ =	strace $0x80000047  }
0x9: {  	v6 =	vimm.s32 $0xEFCDAB89;
	v7 =	vimm.s32 $0x67452301;
	v0 =	vunpack.c.l.s4.s8 v0;
	s4 =	sshll.u32 s2, $0x9;
	s5 =	sshrl.u32 s2, $0x1;
	s9 =	sshll.u32 s3, $0x8  }
0xa: {  	v4 =	vunpack.c.l.s4.s8 v4;
	v5 =	vunpack.c.l.s4.s8 v5;
	v6 =	vunpack.c.l.s4.s8 v6;
	s3 =	ssub.s32 $0x2, s3;
	s4 =	sand.u32 $0x200, s4;
	s10 =	smul.u32 $0xC3800, s5  }
0xb: {  	v7 =	vunpack.c.l.s4.s8 v7;
	v2 =	vunpack.c.0.s8.s32 v0;
	v0 =	vimm.s32 $0xBA98FEDC;
	s28 =	sshrl.u32 s3, $0x1;
	s5 =	sshll.u32 s5, $0xA;
	s4 =	sor.u32 s9, s4  }
0xc: {  	v3 =	vunpack.c.l.s4.s8 v3;
	v4 =	vunpack.c.0.s8.s32 v4;
	v0 =	vunpack.c.l.s4.s8 v0;
	s9 =	ssub.s32 s3, s28;
	s11 =	sor.u32 s10, s4;
	s30 =	sor.u32 s5, s4  }
0xd: {  	v5 =	vunpack.c.0.s8.s32 v5;
	v6 =	vunpack.c.0.s8.s32 v6;
	v7 =	vunpack.c.0.s8.s32 v7;
	s12 =	sor.u32 $0x80, s4;
	s9 =	smax.u32 s9, $0x1;
	s29 =	sshrl.u32 s11, $0x3  }
.Ltmp0:
0xe: {  	v1 =	vunpack.c.l.s4.s8 v1;
	v3 =	vunpack.c.0.s8.s32 v3;
	s11 =	sshrl.u32 s30, $0x3;
	s10 =	sor.u32 s10, s12;
	v0 =	vunpack.c.0.s8.s32 v0;
	(pc) =	sbr.rel .LBB2_1-.Ltmp0, $4  }
0xf: {  	v9 =	vand.u32 $0xF, v2;
	v5 =	vcombine.low v5, v4;
	v6 =	vcombine.low v7, v6;
	s12 =	sor.u32 s5, s12;
	s3 =	sadd.s32 s6, s29;
	s4 =	sadd.s32 s7, s11  }
0x10: {  	v2 =	vimm.s32 $0xF;
	s5 =	sadd.s32 s8, s11;
	s10 =	sshrl.u32 s10, $0x3;
	s31 =	sshrl.u32 s12, $0x3;
	v8 =	vcombine.low v3, v0;
	v3 =	vunpack.c.0.s8.s32 v1  }
0x11: {  	s11 =	simm.s32 $0x400;
	s12 =	simm.s32 $0x1;
	v5 =	vand.u32 $0xF, v5;
	v6 =	vand.u32 $0xF, v6;
	s6 =	sadd.s32 s6, s10;
	v0 =	vimm.s32 $0x0  }
0x12: {  	s7 =	sadd.s32 s7, s31;
	s8 =	sadd.s32 s8, s31;
	s10 =	simm.s32 $0x80;
	v1 =	vlaneseq.u32;
	v3 =	vcombine.low v9, v3;
	v4 =	vand.u32 $0xF, v8  }
.LBB2_45:
0x13: {  	[tilespmem:$0x1BA80] =	vst v8  }
0x14: {  	[tilespmem:$0x1BB00] =	vst v7  }
0x15: {  	[hbm4b:s7+s1] =	stream.linear.scatter [tilespmem:s15], [sflag:$0x1], $0x80, $0x38;
	[tilespmem:$0x1BB80] =	vst v63  }
0x16: {  	s17 =	sadd.s32 $0x1, s17;
	_ =	swait.ge [sflag:s12], $0x80  }
0x17: {  	p0 =	sne.s32 s17, s9;
	[sflag:s12] =	ssyncset.done $0x0  }
.Ltmp1:
0x18: {  	[sflag:s12] =	ssyncadd.s32 $0xFFFFFF80;
	(pc) =	sbr.rel @!p0 .LBB2_46-.Ltmp1, $4  }
0x19: {  	[hbm4b:s8+s1] =	stream.linear.scatter [tilespmem:s16], [sflag:$0x1], $0x80, $0x38;
	[tilespmem:$0x1BB80] =	vst v63  }
0x1a: {  	_ =	swait.ge [sflag:s12], $0x80  }
0x1b: {  	[sflag:s12] =	ssyncset.done $0x0  }
0x1c: {  	[sflag:s12] =	ssyncadd.s32 $0xFFFFFF80  }
.LBB2_1:
0x1d: {  	[tilespmem:s1], [sflag:$0x1] =	stream.strided.gather [hbm4b:s3+s10], $0x18700, s11, s10, $0x38;
	[tilespmem:$0x1BB80] =	vst v63  }
0x1e: {  	_ =	swait.ge [sflag:s12], $0x18700  }
0x1f: {  	[sflag:s12] =	ssyncset.done $0x0  }
0x20: {  	s18 =	simm.s32 $0x50;
	[sflag:s12] =	ssyncadd.s32 $0xFFFE7900  }
0x21: {  	v7 =	vld [tilespmem:s18+$0xFFFFFFC0]  }
0x22: {  	v8 =	vld [tilespmem:s18+$0xFFFFFFB0]  }
0x23: {  	v9 =	vld [tilespmem:s18+$0xFFFFFFD0]  }
0x24: {  	v10 =	vld [tilespmem:s18+$0xFFFFFFE0]  }
0x25: {  	v11 =	vld [tilespmem:s18+$0xFFFFFFF0]  }
0x26: {  	v12 =	vld [tilespmem:s18+$0x0]  }
0x27: {  	v7 =	vmax.f32 v8, v7;
	v8 =	vld [tilespmem:s18+$0x10]  }
0x28: {  	s19 =	sand.u32 $0x3FFE0, s1;
	v7 =	vmax.f32 v7, v9;
	v9 =	vld [tilespmem:s18+$0x20]  }
0x29: {  	v7 =	vmax.f32 v7, v10;
	v10 =	vld [tilespmem:s19+$0x80]  }
0x2a: {  	v7 =	vmax.f32 v7, v11;
	v11 =	vld [tilespmem:s18+$0x40]  }
0x2b: {  	v7 =	vmax.f32 v7, v12  }
0x2c: {  	v7 =	vmax.f32 v7, v8  }
0x2d: {  	v7 =	vmax.f32 v7, v9  }
0x2e: {  	v7 =	vmax.f32 v7, v10  }
0x2f: {  	s18 =	simm.s32 $0x18700;
	v7 =	vmax.f32 v7, v11  }
0x30: {  	s19 =	simm.s32 $0xF0;
	[tilespmem:s18+$0x0] =	vst v7  }
0x31: {  	v9 =	vimm.f32 $-3.399999950e+38;
	v8 =	vld [tilespmem:s19+$0xFFFFFFC0]  }
0x32: {  	s20 =	simm.s32 $0xA0;
	s21 =	simm.s32 $0x140;
	v7 =	vmax.f32 v9, v7;
	v9 =	vld [tilespmem:s19+$0xFFFFFFB0]  }
.LBB2_2:
0x33: {  	p0 =	sne.s32 s21, $0x18600;
	v10 =	vld [tilespmem:s19+$0xFFFFFFD0]  }
0x34: {  	v11 =	vld [tilespmem:s19+$0xFFFFFFE0]  }
0x35: {  	v12 =	vld [tilespmem:s19+$0xFFFFFFF0]  }
0x36: {  	v13 =	vld [tilespmem:s19+$0x0]  }
0x37: {  	v8 =	vmax.f32 v9, v8;
	v9 =	vld [tilespmem:s19+$0x10]  }
0x38: {  	s22 =	sand.u32 $0x3FFE0, s20;
	s20 =	smov.u32 s21;
	v8 =	vmax.f32 v8, v10;
	v10 =	vld [tilespmem:s19+$0x20]  }
0x39: {  	v8 =	vmax.f32 v8, v11;
	v11 =	vld [tilespmem:s22+$0x80]  }
0x3a: {  	v8 =	vmax.f32 v8, v12;
	v12 =	vld [tilespmem:s19+$0x40]  }
0x3b: {  	v8 =	vmax.f32 v8, v13  }
0x3c: {  	v8 =	vmax.f32 v8, v9  }
0x3d: {  	v8 =	vmax.f32 v8, v10  }
.Ltmp2:
0x3e: {  	v8 =	vmax.f32 v8, v11;
	(pc) =	sbr.rel @p0 .LBB2_2-.Ltmp2, $4  }
0x3f: {  	s18 =	sadd.s32 $0x10, s18;
	v8 =	vmax.f32 v8, v12  }
0x40: {  	s19 =	sadd.s32 $0xA0, s19;
	[tilespmem:s18+$0x0] =	vst v8;
	v7 =	vmax.f32 v7, v8  }
0x41: {  	v8 =	vld [tilespmem:s19+$0xFFFFFFC0]  }
0x42: {  	s21 =	sadd.s32 $0xA0, s21;
	v9 =	vld [tilespmem:s19+$0xFFFFFFB0]  }
0x43: {  	v10 =	vld [tilespmem:s19+$0xFFFFFFD0]  }
0x44: {  	v11 =	vld [tilespmem:s19+$0xFFFFFFE0]  }
0x45: {  	v12 =	vld [tilespmem:s19+$0xFFFFFFF0]  }
0x46: {  	v13 =	vld [tilespmem:s19+$0x0]  }
0x47: {  	v8 =	vmax.f32 v9, v8;
	v9 =	vld [tilespmem:s19+$0x10]  }
0x48: {  	s20 =	sand.u32 $0x3FFE0, s20;
	v8 =	vmax.f32 v8, v10;
	v10 =	vld [tilespmem:s19+$0x20]  }
0x49: {  	v8 =	vmax.f32 v8, v11;
	v11 =	vld [tilespmem:s20+$0x80]  }
0x4a: {  	v63 =	vld [tilespmem:s19+$0x40];
	v8 =	vmax.f32 v8, v12  }
0x4b: {  	v8 =	vmax.f32 v8, v13  }
0x4c: {  	v8 =	vmax.f32 v8, v9  }
0x4d: {  	v8 =	vmax.f32 v8, v10  }
0x4e: {  	v8 =	vmax.f32 v8, v11  }
0x4f: {  	v8 =	vmax.f32 v8, v63  }
0x50: {  	v7 =	vmax.f32 v7, v8  }
0x51: {  	(xrf0) =	vmin.scan.msk.f32 $0xffff, v7;
	_ =	sdelay $0x5  }
0x52: {  	s18 =	sadd.s32 $0x10, s18;
	v7, _, _ =	vpop (xrf0)  }
0x53: {  	s19 =	simm.s32 $0x18720;
	[tilespmem:s18+$0x0] =	vst v8;
	v8 =	vimm.s32 $0x0;
	s18 =	simm.s32 $0x40;
	v7 =	vbroadcast v7, $0xF  }
.LBB2_4:
0x54: {  	v9 =	vld [tilespmem:s19+$0xFFFFFFE0];
	_ =	sdelay $0x4  }
0x55: {  	vm0 =	vge.f32 v9, v7  }
0x56: {  	v9 =	vsel vm0, $0x1, v0  }
0x57: {  	(xrf0) =	vadd.scan.msk.s32 $0xffff, v9;
	_ =	sdelay $0x5  }
0x58: {  	v9, _, _ =	vpop (xrf0)  }
0x59: {  	v10 =	vadd.s32 v9, v8  }
0x5a: {  	v10 =	vadd.s32 $0xFFFFFFFF, v10  }
0x5b: {  	vm1 =	vlt.s32 v10, $0x400  }
0x5c: {  	vm0 =	vmand vm0, vm1;
	_ =	sdelay $0x3  }
0x5d: {  	s20 =	sadd.s32 $0xFFFFFFC0, s18  }
0x5e: {  	v11 =	vor.u32 s20, v1  }
0x5f: {  	[tilespmem:v10+s13+$0x0] =	vst.idx.msk vm0, v11  }
0x60: {  	v10 =	vld [tilespmem:s19+$0xFFFFFFF0];
	_ =	sdelay $0x4  }
0x61: {  	vm8 =	vge.f32 v10, v7  }
0x62: {  	v10 =	vsel vm8, $0x1, v0  }
0x63: {  	(xrf0) =	vadd.scan.msk.s32 $0xffff, v10;
	_ =	sdelay $0x1  }
0x64: {  	v9 =	vperm.xlane v9, v2;
	_ =	sdelay $0x3  }
0x65: {  	v8 =	vadd.s32 v8, v9;
	v9, _, _ =	vpop (xrf0)  }
0x66: {  	v10 =	vadd.s32 v9, v8  }
0x67: {  	v10 =	vadd.s32 $0xFFFFFFFF, v10  }
0x68: {  	vm9 =	vlt.s32 v10, $0x400  }
0x69: {  	vm0 =	vmand vm8, vm9;
	_ =	sdelay $0x3  }
0x6a: {  	s29 =	sadd.s32 $0xFFFFFFD0, s18  }
0x6b: {  	v11 =	vor.u32 s29, v1  }
0x6c: {  	[tilespmem:v10+s13+$0x0] =	vst.idx.msk vm0, v11  }
0x6d: {  	v10 =	vld [tilespmem:s19+$0x0];
	_ =	sdelay $0x4  }
0x6e: {  	vm10 =	vge.f32 v10, v7  }
0x6f: {  	v10 =	vsel vm10, $0x1, v0  }
0x70: {  	(xrf0) =	vadd.scan.msk.s32 $0xffff, v10;
	_ =	sdelay $0x1  }
0x71: {  	v9 =	vperm.xlane v9, v2;
	_ =	sdelay $0x3  }
0x72: {  	v8 =	vadd.s32 v8, v9;
	v9, _, _ =	vpop (xrf0)  }
0x73: {  	v10 =	vadd.s32 v9, v8  }
0x74: {  	v10 =	vadd.s32 $0xFFFFFFFF, v10  }
0x75: {  	vm11 =	vlt.s32 v10, $0x400  }
0x76: {  	vm0 =	vmand vm10, vm11;
	_ =	sdelay $0x3  }
0x77: {  	s30 =	sadd.s32 $0xFFFFFFE0, s18  }
0x78: {  	v11 =	vor.u32 s30, v1  }
0x79: {  	[tilespmem:v10+s13+$0x0] =	vst.idx.msk vm0, v11  }
0x7a: {  	v10 =	vld [tilespmem:s19+$0x10];
	_ =	sdelay $0x4  }
0x7b: {  	vm12 =	vge.f32 v10, v7  }
0x7c: {  	v10 =	vsel vm12, $0x1, v0  }
0x7d: {  	(xrf0) =	vadd.scan.msk.s32 $0xffff, v10;
	_ =	sdelay $0x1  }
0x7e: {  	v9 =	vperm.xlane v9, v2;
	_ =	sdelay $0x3  }
0x7f: {  	v8 =	vadd.s32 v8, v9;
	v9, _, _ =	vpop (xrf0)  }
0x80: {  	v10 =	vadd.s32 v9, v8  }
0x81: {  	v10 =	vadd.s32 $0xFFFFFFFF, v10  }
0x82: {  	vm13 =	vlt.s32 v10, $0x400  }
0x83: {  	vm0 =	vmand vm12, vm13;
	_ =	sdelay $0x3  }
0x84: {  	s31 =	sadd.s32 $0xFFFFFFF0, s18  }
0x85: {  	v11 =	vor.u32 s31, v1  }
0x86: {  	[tilespmem:v10+s13+$0x0] =	vst.idx.msk vm0, v11  }
0x87: {  	v10 =	vld [tilespmem:s19+$0x20];
	_ =	sdelay $0x4  }
0x88: {  	vm14 =	vge.f32 v10, v7  }
0x89: {  	v10 =	vsel vm14, $0x1, v0  }
0x8a: {  	(xrf0) =	vadd.scan.msk.s32 $0xffff, v10;
	_ =	sdelay $0x1  }
0x8b: {  	v9 =	vperm.xlane v9, v2;
	_ =	sdelay $0x3  }
0x8c: {  	v8 =	vadd.s32 v8, v9;
	v9, _, _ =	vpop (xrf0)  }
0x8d: {  	v10 =	vadd.s32 v9, v8  }
0x8e: {  	v10 =	vadd.s32 $0xFFFFFFFF, v10  }
0x8f: {  	vm15 =	vlt.s32 v10, $0x400  }
0x90: {  	vm0 =	vmand vm14, vm15  }
0x91: {  	p0 =	sne.s32 s18, $0x2700  }
.Ltmp3:
0x92: {  	_ = 	snop;
	(pc) =	sbr.rel @p0 .LBB2_4-.Ltmp3, $4  }
0x93: {  	_ = 	snop  }
0x94: {  	v9 =	vperm.xlane v9, v2  }
0x95: {  	v11 =	vor.u32 s18, v1  }
0x96: {  	s18 =	sadd.s32 $0x50, s18;
	s19 =	sadd.s32 $0x50, s19;
	v8 =	vadd.s32 v8, v9;
	[tilespmem:v10+s13+$0x0] =	vst.idx.msk vm0, v11  }
0x97: {  	(v2sf) =	vpush v8, $0x0;
	_ =	sdelay $0xe  }
0x98: {  	s19 =	spop (v2sf)  }
0x99: {  	p0 =	slt.s32 s19, $0x400  }
0x9a: {  	p1 =	slt.s32 s19, $0xFFFFFFF2;
	s19 =	simm.s32 @!p0 $0x400  }
0x9b: {  	s18 =	sadd.s32 $0xF, s19  }
0x9c: {  	s20 =	sand.u32 $0xF, s18  }
0x9d: {  	s31 =	sshra.s32 s18, $0x1F;
	p6 =	sne.s32 s20, $0x0  }
0x9e: {  	s20 =	sshrl.u32 s31, $0x1C;
	p0 =	por !p1, !p6  }
0x9f: {  	s18 =	sadd.s32 s20, s18;
	s20 =	simm.s32 $0x1;
	p0 =	por !p0, !p0  }
0xa0: {  	s18 =	sshra.s32 s18, $0x4;
	s20 =	simm.s32 @!p0 $0x0  }
0xa1: {  	s18 =	ssub.s32 s18, s20  }
0xa2: {  	p0 =	slt.s32 s18, $0x1  }
.Ltmp4:
0xa3: {  	_ = 	snop;
	(pc) =	sbr.rel @p0 .LBB2_6-.Ltmp4, $1  }
0xa4: {  	_ =	sdelay $0x3  }
0xa5: {  	v8 =	vmov s19;
	v10 =	vimm.s32 $0x0;
	s19 =	simm.s32 $0x1AE80;
	s20 =	simm.s32 $0x0  }
.LBB2_8:
0xa6: {  	v9 =	vld [tilespmem:s19+$0x0];
	_ =	sdelay $0x2  }
0xa7: {  	v11 =	vor.u32 s20, v1  }
0xa8: {  	vm0 =	vlt.s32 v11, v8  }
0xa9: {  	v9 =	vnsel vm0, $0x0, v9  }
0xaa: {  	v11 =	vshrl.u32 v9, $0x4  }
0xab: {  	v11 =	vmul.u32 $0xA0, v11  }
0xac: {  	v9 =	vand.u32 $0xF, v9  }
0xad: {  	v9 =	vor.u32 v9, v11;
	_ =	sdelay $0x4  }
0xae: {  	v12 =	vld.idx.msk [tilespmem:v9+s1+$0x0], $0xffff;
	_ =	sdelay $0x4  }
0xaf: {  	vm1 =	vge.f32 v12, v7  }
0xb0: {  	vm1 =	vmand vm0, vm1  }
0xb1: {  	v38 =	vsel vm1, $0x1, v0  }
0xb2: {  	(xrf0) =	vadd.scan.msk.s32 $0xffff, v38;
	_ =	sdelay $0x5  }
0xb3: {  	v12, _, _ =	vpop (xrf0)  }
0xb4: {  	v13 =	vadd.s32 v12, v10  }
0xb5: {  	v13 =	vadd.s32 $0xFFFFFFFF, v13  }
0xb6: {  	vm2 =	vlt.s32 v13, $0x400  }
0xb7: {  	v14 =	vor.u32 $0x10, v9;
	vm1 =	vmand vm1, vm2  }
0xb8: {  	v11 =	vand.u32 $0xFFFFFF80, v11;
	v15 =	vand.u32 $0x7F, v14  }
0xb9: {  	v11 =	vor.u32 v11, v15;
	_ =	sdelay $0x3  }
0xba: {  	[tilespmem:v13+s14+$0x0] =	vst.idx.msk vm1, v9  }
0xbb: {  	v11 =	vld.idx.msk [tilespmem:v11+s1+$0x0], $0xffff;
	_ =	sdelay $0x4  }
0xbc: {  	vm10 =	vge.f32 v11, v7  }
0xbd: {  	vm1 =	vmand vm0, vm10  }
0xbe: {  	v11 =	vsel vm1, $0x1, v0  }
0xbf: {  	(xrf0) =	vadd.scan.msk.s32 $0xffff, v11;
	_ =	sdelay $0x1  }
0xc0: {  	v11 =	vperm.xlane v12, v2;
	_ =	sdelay $0x3  }
0xc1: {  	v10 =	vadd.s32 v10, v11;
	v11, _, _ =	vpop (xrf0)  }
0xc2: {  	v39 =	vadd.s32 v11, v10  }
0xc3: {  	v12 =	vadd.s32 $0xFFFFFFFF, v39  }
0xc4: {  	vm11 =	vlt.s32 v12, $0x400  }
0xc5: {  	vm1 =	vmand vm1, vm11;
	_ =	sdelay $0x1  }
0xc6: {  	v40 =	vadd.s32 $0x20, v9;
	_ =	sdelay $0x3  }
0xc7: {  	[tilespmem:v12+s14+$0x0] =	vst.idx.msk vm1, v14  }
0xc8: {  	v12 =	vld.idx.msk [tilespmem:v40+s1+$0x0], $0xffff;
	_ =	sdelay $0x4  }
0xc9: {  	vm12 =	vge.f32 v12, v7  }
0xca: {  	vm1 =	vmand vm0, vm12  }
0xcb: {  	v41 =	vsel vm1, $0x1, v0  }
0xcc: {  	(xrf0) =	vadd.scan.msk.s32 $0xffff, v41;
	_ =	sdelay $0x1  }
0xcd: {  	v11 =	vperm.xlane v11, v2;
	_ =	sdelay $0x3  }
0xce: {  	v10 =	vadd.s32 v10, v11;
	v11, _, _ =	vpop (xrf0)  }
0xcf: {  	v42 =	vadd.s32 v11, v10  }
0xd0: {  	v12 =	vadd.s32 $0xFFFFFFFF, v42  }
0xd1: {  	vm13 =	vlt.s32 v12, $0x400  }
0xd2: {  	vm1 =	vmand vm1, vm13;
	_ =	sdelay $0x1  }
0xd3: {  	v43 =	vadd.s32 $0x30, v9;
	_ =	sdelay $0x3  }
0xd4: {  	[tilespmem:v12+s14+$0x0] =	vst.idx.msk vm1, v40  }
0xd5: {  	v12 =	vld.idx.msk [tilespmem:v43+s1+$0x0], $0xffff;
	_ =	sdelay $0x4  }
0xd6: {  	vm14 =	vge.f32 v12, v7  }
0xd7: {  	vm1 =	vmand vm0, vm14  }
0xd8: {  	v44 =	vsel vm1, $0x1, v0  }
0xd9: {  	(xrf0) =	vadd.scan.msk.s32 $0xffff, v44;
	_ =	sdelay $0x1  }
0xda: {  	v11 =	vperm.xlane v11, v2;
	_ =	sdelay $0x3  }
0xdb: {  	v10 =	vadd.s32 v10, v11;
	v11, _, _ =	vpop (xrf0)  }
0xdc: {  	v45 =	vadd.s32 v11, v10  }
0xdd: {  	v12 =	vadd.s32 $0xFFFFFFFF, v45  }
0xde: {  	vm15 =	vlt.s32 v12, $0x400  }
0xdf: {  	vm1 =	vmand vm1, vm15;
	_ =	sdelay $0x1  }
0xe0: {  	v46 =	vadd.s32 $0x40, v9;
	_ =	sdelay $0x3  }
0xe1: {  	[tilespmem:v12+s14+$0x0] =	vst.idx.msk vm1, v43  }
0xe2: {  	v12 =	vld.idx.msk [tilespmem:v46+s1+$0x0], $0xffff;
	_ =	sdelay $0x4  }
0xe3: {  	vm4 =	vge.f32 v12, v7  }
0xe4: {  	vm1 =	vmand vm0, vm4  }
0xe5: {  	v47 =	vsel vm1, $0x1, v0  }
0xe6: {  	(xrf0) =	vadd.scan.msk.s32 $0xffff, v47;
	_ =	sdelay $0x1  }
0xe7: {  	v11 =	vperm.xlane v11, v2;
	_ =	sdelay $0x3  }
0xe8: {  	v10 =	vadd.s32 v10, v11;
	v11, _, _ =	vpop (xrf0)  }
0xe9: {  	v48 =	vadd.s32 v11, v10  }
0xea: {  	v12 =	vadd.s32 $0xFFFFFFFF, v48  }
0xeb: {  	vm5 =	vlt.s32 v12, $0x400  }
0xec: {  	vm1 =	vmand vm1, vm5;
	_ =	sdelay $0x1  }
0xed: {  	v49 =	vadd.s32 $0x50, v9;
	_ =	sdelay $0x3  }
0xee: {  	[tilespmem:v12+s14+$0x0] =	vst.idx.msk vm1, v46  }
0xef: {  	v12 =	vld.idx.msk [tilespmem:v49+s1+$0x0], $0xffff;
	_ =	sdelay $0x4  }
0xf0: {  	vm6 =	vge.f32 v12, v7  }
0xf1: {  	vm1 =	vmand vm0, vm6  }
0xf2: {  	v50 =	vsel vm1, $0x1, v0  }
0xf3: {  	(xrf0) =	vadd.scan.msk.s32 $0xffff, v50;
	_ =	sdelay $0x1  }
0xf4: {  	v11 =	vperm.xlane v11, v2;
	_ =	sdelay $0x3  }
0xf5: {  	v10 =	vadd.s32 v10, v11;
	v11, _, _ =	vpop (xrf0)  }
0xf6: {  	v51 =	vadd.s32 v11, v10  }
0xf7: {  	v12 =	vadd.s32 $0xFFFFFFFF, v51  }
0xf8: {  	vm7 =	vlt.s32 v12, $0x400  }
0xf9: {  	vm1 =	vmand vm1, vm7;
	_ =	sdelay $0x1  }
0xfa: {  	v52 =	vadd.s32 $0x60, v9;
	_ =	sdelay $0x3  }
0xfb: {  	[tilespmem:v12+s14+$0x0] =	vst.idx.msk vm1, v49  }
0xfc: {  	v12 =	vld.idx.msk [tilespmem:v52+s1+$0x0], $0xffff;
	_ =	sdelay $0x4  }
0xfd: {  	vm8 =	vge.f32 v12, v7  }
0xfe: {  	vm1 =	vmand vm0, vm8  }
0xff: {  	v53 =	vsel vm1, $0x1, v0  }
0x100: {  	(xrf0) =	vadd.scan.msk.s32 $0xffff, v53;
	_ =	sdelay $0x1  }
0x101: {  	v11 =	vperm.xlane v11, v2;
	_ =	sdelay $0x3  }
0x102: {  	v10 =	vadd.s32 v10, v11;
	v11, _, _ =	vpop (xrf0)  }
0x103: {  	v54 =	vadd.s32 v11, v10  }
0x104: {  	v12 =	vadd.s32 $0xFFFFFFFF, v54  }
0x105: {  	vm9 =	vlt.s32 v12, $0x400  }
0x106: {  	vm1 =	vmand vm1, vm9;
	_ =	sdelay $0x1  }
0x107: {  	v55 =	vadd.s32 $0x70, v9;
	_ =	sdelay $0x3  }
0x108: {  	[tilespmem:v12+s14+$0x0] =	vst.idx.msk vm1, v52  }
0x109: {  	v12 =	vld.idx.msk [tilespmem:v55+s1+$0x0], $0xffff;
	_ =	sdelay $0x4  }
0x10a: {  	vm10 =	vge.f32 v12, v7  }
0x10b: {  	vm1 =	vmand vm0, vm10  }
0x10c: {  	v56 =	vsel vm1, $0x1, v0  }
0x10d: {  	(xrf0) =	vadd.scan.msk.s32 $0xffff, v56;
	_ =	sdelay $0x1  }
0x10e: {  	v11 =	vperm.xlane v11, v2;
	_ =	sdelay $0x3  }
0x10f: {  	v10 =	vadd.s32 v10, v11;
	v11, _, _ =	vpop (xrf0)  }
0x110: {  	v57 =	vadd.s32 v11, v10  }
0x111: {  	v12 =	vadd.s32 $0xFFFFFFFF, v57  }
0x112: {  	vm11 =	vlt.s32 v12, $0x400  }
0x113: {  	v58 =	vadd.s32 $0x80, v9;
	vm1 =	vmand vm1, vm11  }
0x114: {  	v16 =	vand.u32 $0x6F, v9;
	v59 =	vand.u32 $0xFFFFFF80, v58  }
0x115: {  	v15 =	vor.u32 v16, v59;
	_ =	sdelay $0x3  }
0x116: {  	[tilespmem:v12+s14+$0x0] =	vst.idx.msk vm1, v55  }
0x117: {  	v12 =	vld.idx.msk [tilespmem:v15+s1+$0x0], $0xffff;
	_ =	sdelay $0x4  }
0x118: {  	vm12 =	vge.f32 v12, v7  }
0x119: {  	vm1 =	vmand vm0, vm12  }
0x11a: {  	v60 =	vsel vm1, $0x1, v0  }
0x11b: {  	(xrf0) =	vadd.scan.msk.s32 $0xffff, v60;
	_ =	sdelay $0x1  }
0x11c: {  	v11 =	vperm.xlane v11, v2;
	_ =	sdelay $0x3  }
0x11d: {  	v10 =	vadd.s32 v10, v11;
	v11, _, _ =	vpop (xrf0)  }
0x11e: {  	v61 =	vadd.s32 v11, v10  }
0x11f: {  	v12 =	vadd.s32 $0xFFFFFFFF, v61  }
0x120: {  	vm13 =	vlt.s32 v12, $0x400  }
0x121: {  	vm1 =	vmand vm1, vm13;
	_ =	sdelay $0x1  }
0x122: {  	v9 =	vadd.s32 $0x90, v9;
	_ =	sdelay $0x3  }
0x123: {  	[tilespmem:v12+s14+$0x0] =	vst.idx.msk vm1, v58  }
0x124: {  	v12 =	vld.idx.msk [tilespmem:v9+s1+$0x0], $0xffff;
	_ =	sdelay $0x4  }
0x125: {  	vm14 =	vge.f32 v12, v7  }
0x126: {  	vm0 =	vmand vm0, vm14  }
0x127: {  	v62 =	vsel vm0, $0x1, v0  }
0x128: {  	(xrf0) =	vadd.scan.msk.s32 $0xffff, v62;
	_ =	sdelay $0x1  }
0x129: {  	v11 =	vperm.xlane v11, v2;
	_ =	sdelay $0x3  }
0x12a: {  	v10 =	vadd.s32 v10, v11;
	v11, _, _ =	vpop (xrf0)  }
0x12b: {  	v63 =	vadd.s32 v11, v10  }
0x12c: {  	v12 =	vadd.s32 $0xFFFFFFFF, v63  }
0x12d: {  	vm15 =	vlt.s32 v12, $0x400  }
0x12e: {  	vm0 =	vmand vm0, vm15  }
0x12f: {  	p0 =	sne.s32 s18, $0x1  }
.Ltmp5:
0x130: {  	_ = 	snop;
	(pc) =	sbr.rel @p0 .LBB2_8-.Ltmp5, $3  }
0x131: {  	_ = 	snop  }
0x132: {  	v11 =	vperm.xlane v11, v2;
	_ =	sdelay $0x1  }
0x133: {  	s19 =	sadd.s32 $0x10, s19;
	s20 =	sadd.s32 $0x10, s20;
	s18 =	sadd.s32 $0xFFFFFFFF, s18;
	v10 =	vadd.s32 v10, v11;
	[tilespmem:v12+s14+$0x0] =	vst.idx.msk vm0, v9  }
.Ltmp6:
0x134: {  	_ = 	snop;
	(pc) =	sbr.rel .LBB2_9-.Ltmp6, $1  }
0x135: {  	_ =	sdelay $0x3  }
.LBB2_6:
0x136: {  	v10 =	vimm.s32 $0x0  }
.LBB2_9:
0x137: {  	(v2sf) =	vpush v10, $0x0;
	_ =	sdelay $0xe  }
0x138: {  	s21 =	spop (v2sf)  }
0x139: {  	p0 =	slt.s32 s21, $0x400  }
0x13a: {  	p1 =	slt.s32 s21, $0xFFFFFFF2;
	s21 =	simm.s32 @!p0 $0x400  }
0x13b: {  	s18 =	sadd.s32 $0xF, s21  }
0x13c: {  	s19 =	sand.u32 $0xF, s18  }
0x13d: {  	s31 =	sshra.s32 s18, $0x1F;
	p6 =	sne.s32 s19, $0x0  }
0x13e: {  	s19 =	sshrl.u32 s31, $0x1C;
	p0 =	por !p1, !p6  }
0x13f: {  	s18 =	sadd.s32 s19, s18;
	s19 =	simm.s32 $0x1;
	p0 =	por !p0, !p0  }
0x140: {  	s18 =	sshra.s32 s18, $0x4;
	s19 =	simm.s32 @!p0 $0x0  }
0x141: {  	s18 =	ssub.s32 s18, s19  }
0x142: {  	p0 =	slt.s32 s18, $0x1  }
.Ltmp7:
0x143: {  	_ = 	snop;
	(pc) =	sbr.rel @p0 .LBB2_13-.Ltmp7, $1  }
0x144: {  	_ =	sdelay $0x3  }
0x145: {  	s19 =	simm.s32 $0x1B280  }
0x146: {  	v8 =	vld [tilespmem:s19+$0x0];
	_ =	sdelay $0x1  }
0x147: {  	s20 =	simm.s32 $0x0  }
0x148: {  	v7 =	vmov s21;
	v9 =	vor.u32 s20, v1  }
0x149: {  	vm0 =	vlt.s32 v9, v7  }
0x14a: {  	v8 =	vnsel vm0, $0x0, v8;
	_ =	sdelay $0x3  }
0x14b: {  	[tilespmem:s19+$0x0] =	vst v8  }
0x14c: {  	p1 =	sne.s32 s18, $0x1;
	v8 =	vld.idx.msk [tilespmem:v8+s1+$0x0], $0xffff  }
.Ltmp8:
0x14d: {  	_ = 	snop;
	(pc) =	sbr.rel @!p1 .LBB2_12-.Ltmp8, $2  }
0x14e: {  	_ =	sdelay $0x2  }
0x14f: {  	s21 =	simm.s32 $0x1B680;
	s22 =	sadd.s32 $0xFFFFFFFF, s18;
	v8 =	vnsel vm0, $0xFF7FC99E, v8  }
.LBB2_11:
0x150: {  	[tilespmem:s21+$0x0] =	vst v8;
	s19 =	sadd.s32 $0x10, s19;
	s21 =	sadd.s32 $0x10, s21;
	s20 =	sadd.s32 $0x10, s20  }
0x151: {  	p1 =	sne.s32 s22, $0x1;
	s22 =	sadd.s32 $0xFFFFFFFF, s22;
	v8 =	vld [tilespmem:s19+$0x0];
	_ =	sdelay $0x2  }
0x152: {  	v9 =	vor.u32 s20, v1  }
0x153: {  	vm0 =	vlt.s32 v9, v7  }
0x154: {  	v8 =	vnsel vm0, $0x0, v8;
	_ =	sdelay $0x3  }
0x155: {  	[tilespmem:s19+$0x0] =	vst v8  }
0x156: {  	v8 =	vld.idx.msk [tilespmem:v8+s1+$0x0], $0xffff;
	_ =	sdelay $0x1  }
.Ltmp9:
0x157: {  	(pc) =	sbr.rel @p1 .LBB2_11-.Ltmp9, $2  }
0x158: {  	_ =	sdelay $0x2  }
0x159: {  	v8 =	vnsel vm0, $0xFF7FC99E, v8  }
.LBB2_12:
0x15a: {  	[tilespmem:s21+$0x0] =	vst v8  }
.LBB2_13:
.Ltmp10:
0x15b: {  	(pc) =	sbr.rel .LBB2_14-.Ltmp10, $2  }
0x15c: {  	_ =	sdelay $0x2  }
0x15d: {  	s19 =	simm.s32 $0x0;
	v8 =	vimm.f32 $-3.399999950e+38;
	v7 =	vimm.s32 $0x0  }
.LBB2_21:
0x15e: {  	v13 =	vld [tilespmem:s20+$0x0];
	_ =	sdelay $0x3  }
0x15f: {  	vm1 =	veq.s32 v12, v11  }
0x160: {  	v12 =	vsel vm1, $0xFF7FC99E, v13  }
0x161: {  	[tilespmem:s20+$0x0] =	vst v12  }
.LBB2_22:
0x162: {  	v12 =	vmov s19;
	s19 =	sadd.s32 $0x1, s19  }
0x163: {  	p1 =	sne.s32 s19, $0x10  }
.Ltmp11:
0x164: {  	_ = 	snop;
	(pc) =	sbr.rel @!p1 .LBB2_23-.Ltmp11, $3  }
0x165: {  	_ =	sdelay $0x1  }
0x166: {  	v9 =	vsel vm0, v10, v9;
	vm15 =	veq.s32 v12, v1  }
0x167: {  	v8 =	vsel vm15, v9, v8;
	v7 =	vsel vm15, v11, v7  }
.LBB2_14:
.Ltmp12:
0x168: {  	(pc) =	sbr.rel @p0 .LBB2_18-.Ltmp12, $2  }
0x169: {  	_ =	sdelay $0x2  }
0x16a: {  	v10 =	vimm.f32 $-3.399999950e+38;
	v9 =	vimm.s32 $0x0  }
0x16b: {  	s21 =	simm.s32 $0x1B680  }
0x16c: {  	s20 =	simm.s32 $0x1B280;
	p1 =	sne.s32 s18, $0x1;
	v10 =	vld [tilespmem:s21+$0x0]  }
.Ltmp13:
0x16d: {  	v9 =	vld [tilespmem:s20+$0x0];
	(pc) =	sbr.rel @!p1 .LBB2_17-.Ltmp13, $2  }
0x16e: {  	_ =	sdelay $0x2  }
0x16f: {  	s22 =	simm.s32 $0x1B690;
	v11 =	vimm.f32 $-3.399999950e+38;
	v12 =	vimm.s32 $0x0;
	s21 =	sadd.s32 $0xFFFFFFFF, s18  }
.LBB2_16:
0x170: {  	v13 =	vld [tilespmem:s22+$0x0];
	vm0 =	veq.f32 v10, v11;
	vm1 =	vlt.s32 v9, v12;
	s20 =	sadd.s32 $0x10, s20;
	v14 =	vmov v9;
	p1 =	sne.s32 s21, $0x1  }
.Ltmp14:
0x171: {  	s21 =	sadd.s32 $0xFFFFFFFF, s21;
	vm2 =	vgt.f32 v10, v11;
	v9 =	vld [tilespmem:s20+$0x0];
	vm0 =	vmand vm0, vm1;
	(pc) =	sbr.rel @p1 .LBB2_16-.Ltmp14, $3  }
0x172: {  	vm0 =	vmor vm2, vm0  }
0x173: {  	v11 =	vsel vm0, v10, v11;
	v12 =	vsel vm0, v14, v12;
	_ =	sdelay $0x1  }
0x174: {  	s22 =	sadd.s32 $0x10, s22;
	v10 =	vmov v13  }
.LBB2_17:
0x175: {  	vm0 =	veq.f32 v10, v11;
	vm1 =	vlt.s32 v9, v12  }
0x176: {  	vm2 =	vgt.f32 v10, v11;
	vm0 =	vmand vm0, vm1  }
0x177: {  	vm0 =	vmor vm2, vm0  }
0x178: {  	v10 =	vsel vm0, v10, v11;
	v9 =	vsel vm0, v9, v12  }
.LBB2_18:
0x179: {  	v11 =	vperm.xlane v10, v3;
	v12 =	vperm.xlane v9, v3;
	_ =	sdelay $0x1  }
0x17a: {  	vm0 =	veq.f32 v11, v10;
	vm1 =	vlt.s32 v12, v9  }
0x17b: {  	vm2 =	vgt.f32 v11, v10;
	vm0 =	vmand vm0, vm1  }
0x17c: {  	vm0 =	vmor vm2, vm0  }
0x17d: {  	v10 =	vsel vm0, v11, v10;
	v9 =	vsel vm0, v12, v9  }
0x17e: {  	v11 =	vperm.xlane v10, v4;
	v12 =	vperm.xlane v9, v4;
	_ =	sdelay $0x1  }
0x17f: {  	vm0 =	veq.f32 v11, v10;
	vm1 =	vlt.s32 v12, v9  }
0x180: {  	vm2 =	vgt.f32 v11, v10;
	vm0 =	vmand vm0, vm1  }
0x181: {  	vm0 =	vmor vm2, vm0  }
0x182: {  	v10 =	vsel vm0, v11, v10;
	v11 =	vsel vm0, v12, v9  }
0x183: {  	v9 =	vperm.xlane v10, v5;
	v12 =	vperm.xlane v11, v5;
	_ =	sdelay $0x1  }
0x184: {  	vm0 =	veq.f32 v9, v10;
	vm1 =	vlt.s32 v12, v11  }
0x185: {  	vm2 =	vgt.f32 v9, v10;
	vm0 =	vmand vm0, vm1  }
0x186: {  	vm0 =	vmor vm2, vm0  }
0x187: {  	v9 =	vsel vm0, v9, v10;
	v11 =	vsel vm0, v12, v11  }
0x188: {  	v10 =	vperm.xlane v9, v6;
	v12 =	vperm.xlane v11, v6  }
.Ltmp15:
0x189: {  	_ = 	snop;
	(pc) =	sbr.rel @p0 .LBB2_22-.Ltmp15, $4  }
0x18a: {  	vm0 =	veq.f32 v10, v9;
	vm1 =	vlt.s32 v12, v11  }
0x18b: {  	vm2 =	vgt.f32 v10, v9;
	vm0 =	vmand vm0, vm1  }
0x18c: {  	vm0 =	vmor vm2, vm0  }
0x18d: {  	v11 =	vsel vm0, v12, v11  }
0x18e: {  	p1 =	sne.s32 s18, $0x1  }
.Ltmp16:
0x18f: {  	_ = 	snop;
	(pc) =	sbr.rel @!p1 .LBB2_21-.Ltmp16, $3  }
0x190: {  	_ =	sdelay $0x1  }
0x191: {  	s21 =	simm.s32 $0x1B280  }
0x192: {  	s20 =	simm.s32 $0x1B680;
	s22 =	sadd.s32 $0xFFFFFFFF, s18;
	v12 =	vld [tilespmem:s21+$0x0]  }
.LBB2_20:
0x193: {  	p1 =	sne.s32 s22, $0x1;
	v13 =	vld [tilespmem:s20+$0x0];
	_ =	sdelay $0x2  }
.Ltmp17:
0x194: {  	(pc) =	sbr.rel @p1 .LBB2_20-.Ltmp17, $4  }
0x195: {  	vm1 =	veq.s32 v12, v11  }
0x196: {  	v12 =	vsel vm1, $0xFF7FC99E, v13  }
0x197: {  	s21 =	sadd.s32 $0x10, s21;
	[tilespmem:s20+$0x0] =	vst v12  }
0x198: {  	s22 =	sadd.s32 $0xFFFFFFFF, s22;
	s20 =	sadd.s32 $0x10, s20;
	v12 =	vld [tilespmem:s21+$0x0]  }
.Ltmp18:
0x199: {  	_ = 	snop;
	(pc) =	sbr.rel .LBB2_21-.Ltmp18, $1  }
0x19a: {  	_ =	sdelay $0x3  }
.LBB2_23:
0x19b: {  	[tilespmem:$0x1BA80] =	vst v8  }
0x19c: {  	[tilespmem:$0x1BB00] =	vst v7;
	s18 =	simm.s32 $0x0  }
0x19d: {  	[hbm4b:s4+s18] =	stream.linear.scatter [tilespmem:s15], [sflag:$0x1], $0x80, $0x38;
	[tilespmem:$0x1BB80] =	vst v63  }
0x19e: {  	_ =	swait.ge [sflag:s12], $0x80  }
0x19f: {  	[sflag:s12] =	ssyncset.done $0x0  }
0x1a0: {  	[sflag:s12] =	ssyncadd.s32 $0xFFFFFF80  }
0x1a1: {  	[hbm4b:s5+s18] =	stream.linear.scatter [tilespmem:s16], [sflag:$0x1], $0x80, $0x38;
	[tilespmem:$0x1BB80] =	vst v63  }
0x1a2: {  	_ =	swait.ge [sflag:s12], $0x80  }
0x1a3: {  	[sflag:s12] =	ssyncset.done $0x0  }
0x1a4: {  	[sflag:s12] =	ssyncadd.s32 $0xFFFFFF80  }
0x1a5: {  	[tilespmem:s18], [sflag:$0x1] =	stream.strided.gather [hbm4b:s6+s10], $0x18700, s11, s10, $0x38;
	[tilespmem:$0x1BB80] =	vst v63  }
0x1a6: {  	_ =	swait.ge [sflag:s12], $0x18700  }
0x1a7: {  	[sflag:s12] =	ssyncset.done $0x0  }
0x1a8: {  	s19 =	simm.s32 $0x50;
	[sflag:s12] =	ssyncadd.s32 $0xFFFE7900  }
0x1a9: {  	v7 =	vld [tilespmem:s19+$0xFFFFFFC0]  }
0x1aa: {  	v8 =	vld [tilespmem:s19+$0xFFFFFFB0]  }
0x1ab: {  	v9 =	vld [tilespmem:s19+$0xFFFFFFD0]  }
0x1ac: {  	v10 =	vld [tilespmem:s19+$0xFFFFFFE0]  }
0x1ad: {  	v11 =	vld [tilespmem:s19+$0xFFFFFFF0]  }
0x1ae: {  	v12 =	vld [tilespmem:s19+$0x0]  }
0x1af: {  	v7 =	vmax.f32 v8, v7;
	v8 =	vld [tilespmem:s19+$0x10]  }
0x1b0: {  	s18 =	sand.u32 $0x3FFE0, s18;
	v7 =	vmax.f32 v7, v9;
	v9 =	vld [tilespmem:s19+$0x20]  }
0x1b1: {  	v7 =	vmax.f32 v7, v10;
	v10 =	vld [tilespmem:s18+$0x80]  }
0x1b2: {  	v7 =	vmax.f32 v7, v11;
	v11 =	vld [tilespmem:s19+$0x40]  }
0x1b3: {  	v7 =	vmax.f32 v7, v12  }
0x1b4: {  	v7 =	vmax.f32 v7, v8  }
0x1b5: {  	v7 =	vmax.f32 v7, v9  }
0x1b6: {  	v7 =	vmax.f32 v7, v10  }
0x1b7: {  	s18 =	simm.s32 $0x18700;
	v7 =	vmax.f32 v7, v11  }
0x1b8: {  	s19 =	simm.s32 $0xF0;
	[tilespmem:s18+$0x0] =	vst v7  }
0x1b9: {  	v9 =	vimm.f32 $-3.399999950e+38;
	v8 =	vld [tilespmem:s19+$0xFFFFFFC0]  }
0x1ba: {  	s20 =	simm.s32 $0xA0;
	s21 =	simm.s32 $0x140;
	v7 =	vmax.f32 v9, v7;
	v9 =	vld [tilespmem:s19+$0xFFFFFFB0]  }
.LBB2_24:
0x1bb: {  	p0 =	sne.s32 s21, $0x18600;
	v10 =	vld [tilespmem:s19+$0xFFFFFFD0]  }
0x1bc: {  	v11 =	vld [tilespmem:s19+$0xFFFFFFE0]  }
0x1bd: {  	v12 =	vld [tilespmem:s19+$0xFFFFFFF0]  }
0x1be: {  	v13 =	vld [tilespmem:s19+$0x0]  }
0x1bf: {  	v8 =	vmax.f32 v9, v8;
	v9 =	vld [tilespmem:s19+$0x10]  }
0x1c0: {  	s22 =	sand.u32 $0x3FFE0, s20;
	s20 =	smov.u32 s21;
	v8 =	vmax.f32 v8, v10;
	v10 =	vld [tilespmem:s19+$0x20]  }
0x1c1: {  	v8 =	vmax.f32 v8, v11;
	v11 =	vld [tilespmem:s22+$0x80]  }
0x1c2: {  	v8 =	vmax.f32 v8, v12;
	v12 =	vld [tilespmem:s19+$0x40]  }
0x1c3: {  	v8 =	vmax.f32 v8, v13  }
0x1c4: {  	v8 =	vmax.f32 v8, v9  }
0x1c5: {  	v8 =	vmax.f32 v8, v10  }
.Ltmp19:
0x1c6: {  	v8 =	vmax.f32 v8, v11;
	(pc) =	sbr.rel @p0 .LBB2_24-.Ltmp19, $4  }
0x1c7: {  	s18 =	sadd.s32 $0x10, s18;
	v8 =	vmax.f32 v8, v12  }
0x1c8: {  	s19 =	sadd.s32 $0xA0, s19;
	[tilespmem:s18+$0x0] =	vst v8;
	v7 =	vmax.f32 v7, v8  }
0x1c9: {  	v8 =	vld [tilespmem:s19+$0xFFFFFFC0]  }
0x1ca: {  	s21 =	sadd.s32 $0xA0, s21;
	v9 =	vld [tilespmem:s19+$0xFFFFFFB0]  }
0x1cb: {  	v10 =	vld [tilespmem:s19+$0xFFFFFFD0]  }
0x1cc: {  	v11 =	vld [tilespmem:s19+$0xFFFFFFE0]  }
0x1cd: {  	v12 =	vld [tilespmem:s19+$0xFFFFFFF0]  }
0x1ce: {  	v13 =	vld [tilespmem:s19+$0x0]  }
0x1cf: {  	v8 =	vmax.f32 v9, v8;
	v9 =	vld [tilespmem:s19+$0x10]  }
0x1d0: {  	s20 =	sand.u32 $0x3FFE0, s20;
	v8 =	vmax.f32 v8, v10;
	v10 =	vld [tilespmem:s19+$0x20]  }
0x1d1: {  	v8 =	vmax.f32 v8, v11;
	v11 =	vld [tilespmem:s20+$0x80]  }
0x1d2: {  	v63 =	vld [tilespmem:s19+$0x40];
	v8 =	vmax.f32 v8, v12  }
0x1d3: {  	v8 =	vmax.f32 v8, v13  }
0x1d4: {  	v8 =	vmax.f32 v8, v9  }
0x1d5: {  	v8 =	vmax.f32 v8, v10  }
0x1d6: {  	v8 =	vmax.f32 v8, v11  }
0x1d7: {  	v8 =	vmax.f32 v8, v63  }
0x1d8: {  	v7 =	vmax.f32 v7, v8  }
0x1d9: {  	(xrf0) =	vmin.scan.msk.f32 $0xffff, v7;
	_ =	sdelay $0x5  }
0x1da: {  	s18 =	sadd.s32 $0x10, s18;
	v7, _, _ =	vpop (xrf0)  }
0x1db: {  	s19 =	simm.s32 $0x18720;
	[tilespmem:s18+$0x0] =	vst v8;
	v8 =	vimm.s32 $0x0;
	s18 =	simm.s32 $0x40;
	v7 =	vbroadcast v7, $0xF  }
.LBB2_26:
0x1dc: {  	v9 =	vld [tilespmem:s19+$0xFFFFFFE0];
	_ =	sdelay $0x4  }
0x1dd: {  	vm0 =	vge.f32 v9, v7  }
0x1de: {  	v9 =	vsel vm0, $0x1, v0  }
0x1df: {  	(xrf0) =	vadd.scan.msk.s32 $0xffff, v9;
	_ =	sdelay $0x5  }
0x1e0: {  	v9, _, _ =	vpop (xrf0)  }
0x1e1: {  	v10 =	vadd.s32 v9, v8  }
0x1e2: {  	v10 =	vadd.s32 $0xFFFFFFFF, v10  }
0x1e3: {  	vm1 =	vlt.s32 v10, $0x400  }
0x1e4: {  	vm0 =	vmand vm0, vm1;
	_ =	sdelay $0x3  }
0x1e5: {  	s20 =	sadd.s32 $0xFFFFFFC0, s18  }
0x1e6: {  	v11 =	vor.u32 s20, v1  }
0x1e7: {  	[tilespmem:v10+s13+$0x0] =	vst.idx.msk vm0, v11  }
0x1e8: {  	v10 =	vld [tilespmem:s19+$0xFFFFFFF0];
	_ =	sdelay $0x4  }
0x1e9: {  	vm8 =	vge.f32 v10, v7  }
0x1ea: {  	v10 =	vsel vm8, $0x1, v0  }
0x1eb: {  	(xrf0) =	vadd.scan.msk.s32 $0xffff, v10;
	_ =	sdelay $0x1  }
0x1ec: {  	v9 =	vperm.xlane v9, v2;
	_ =	sdelay $0x3  }
0x1ed: {  	v8 =	vadd.s32 v8, v9;
	v9, _, _ =	vpop (xrf0)  }
0x1ee: {  	v10 =	vadd.s32 v9, v8  }
0x1ef: {  	v10 =	vadd.s32 $0xFFFFFFFF, v10  }
0x1f0: {  	vm9 =	vlt.s32 v10, $0x400  }
0x1f1: {  	vm0 =	vmand vm8, vm9;
	_ =	sdelay $0x3  }
0x1f2: {  	s29 =	sadd.s32 $0xFFFFFFD0, s18  }
0x1f3: {  	v11 =	vor.u32 s29, v1  }
0x1f4: {  	[tilespmem:v10+s13+$0x0] =	vst.idx.msk vm0, v11  }
0x1f5: {  	v10 =	vld [tilespmem:s19+$0x0];
	_ =	sdelay $0x4  }
0x1f6: {  	vm10 =	vge.f32 v10, v7  }
0x1f7: {  	v10 =	vsel vm10, $0x1, v0  }
0x1f8: {  	(xrf0) =	vadd.scan.msk.s32 $0xffff, v10;
	_ =	sdelay $0x1  }
0x1f9: {  	v9 =	vperm.xlane v9, v2;
	_ =	sdelay $0x3  }
0x1fa: {  	v8 =	vadd.s32 v8, v9;
	v9, _, _ =	vpop (xrf0)  }
0x1fb: {  	v10 =	vadd.s32 v9, v8  }
0x1fc: {  	v10 =	vadd.s32 $0xFFFFFFFF, v10  }
0x1fd: {  	vm11 =	vlt.s32 v10, $0x400  }
0x1fe: {  	vm0 =	vmand vm10, vm11;
	_ =	sdelay $0x3  }
0x1ff: {  	s30 =	sadd.s32 $0xFFFFFFE0, s18  }
0x200: {  	v11 =	vor.u32 s30, v1  }
0x201: {  	[tilespmem:v10+s13+$0x0] =	vst.idx.msk vm0, v11  }
0x202: {  	v10 =	vld [tilespmem:s19+$0x10];
	_ =	sdelay $0x4  }
0x203: {  	vm12 =	vge.f32 v10, v7  }
0x204: {  	v10 =	vsel vm12, $0x1, v0  }
0x205: {  	(xrf0) =	vadd.scan.msk.s32 $0xffff, v10;
	_ =	sdelay $0x1  }
0x206: {  	v9 =	vperm.xlane v9, v2;
	_ =	sdelay $0x3  }
0x207: {  	v8 =	vadd.s32 v8, v9;
	v9, _, _ =	vpop (xrf0)  }
0x208: {  	v10 =	vadd.s32 v9, v8  }
0x209: {  	v10 =	vadd.s32 $0xFFFFFFFF, v10  }
0x20a: {  	vm13 =	vlt.s32 v10, $0x400  }
0x20b: {  	vm0 =	vmand vm12, vm13;
	_ =	sdelay $0x3  }
0x20c: {  	s31 =	sadd.s32 $0xFFFFFFF0, s18  }
0x20d: {  	v11 =	vor.u32 s31, v1  }
0x20e: {  	[tilespmem:v10+s13+$0x0] =	vst.idx.msk vm0, v11  }
0x20f: {  	v10 =	vld [tilespmem:s19+$0x20];
	_ =	sdelay $0x4  }
0x210: {  	vm14 =	vge.f32 v10, v7  }
0x211: {  	v10 =	vsel vm14, $0x1, v0  }
0x212: {  	(xrf0) =	vadd.scan.msk.s32 $0xffff, v10;
	_ =	sdelay $0x1  }
0x213: {  	v9 =	vperm.xlane v9, v2;
	_ =	sdelay $0x3  }
0x214: {  	v8 =	vadd.s32 v8, v9;
	v9, _, _ =	vpop (xrf0)  }
0x215: {  	v10 =	vadd.s32 v9, v8  }
0x216: {  	v10 =	vadd.s32 $0xFFFFFFFF, v10  }
0x217: {  	vm15 =	vlt.s32 v10, $0x400  }
0x218: {  	vm0 =	vmand vm14, vm15  }
0x219: {  	p0 =	sne.s32 s18, $0x2700  }
.Ltmp20:
0x21a: {  	_ = 	snop;
	(pc) =	sbr.rel @p0 .LBB2_26-.Ltmp20, $4  }
0x21b: {  	_ = 	snop  }
0x21c: {  	v9 =	vperm.xlane v9, v2  }
0x21d: {  	v11 =	vor.u32 s18, v1  }
0x21e: {  	s18 =	sadd.s32 $0x50, s18;
	s19 =	sadd.s32 $0x50, s19;
	v8 =	vadd.s32 v8, v9;
	[tilespmem:v10+s13+$0x0] =	vst.idx.msk vm0, v11  }
0x21f: {  	(v2sf) =	vpush v8, $0x0;
	_ =	sdelay $0xe  }
0x220: {  	s19 =	spop (v2sf)  }
0x221: {  	p0 =	slt.s32 s19, $0x400  }
0x222: {  	p1 =	slt.s32 s19, $0xFFFFFFF2;
	s19 =	simm.s32 @!p0 $0x400  }
0x223: {  	s18 =	sadd.s32 $0xF, s19  }
0x224: {  	s20 =	sand.u32 $0xF, s18  }
0x225: {  	s31 =	sshra.s32 s18, $0x1F;
	p6 =	sne.s32 s20, $0x0  }
0x226: {  	s20 =	sshrl.u32 s31, $0x1C;
	p0 =	por !p1, !p6  }
0x227: {  	s18 =	sadd.s32 s20, s18;
	s20 =	simm.s32 $0x1;
	p0 =	por !p0, !p0  }
0x228: {  	s18 =	sshra.s32 s18, $0x4;
	s20 =	simm.s32 @!p0 $0x0  }
0x229: {  	s18 =	ssub.s32 s18, s20  }
0x22a: {  	p0 =	slt.s32 s18, $0x1  }
.Ltmp21:
0x22b: {  	_ = 	snop;
	(pc) =	sbr.rel @p0 .LBB2_28-.Ltmp21, $1  }
0x22c: {  	_ =	sdelay $0x3  }
0x22d: {  	v8 =	vmov s19;
	v10 =	vimm.s32 $0x0;
	s19 =	simm.s32 $0x1AE80;
	s20 =	simm.s32 $0x0  }
.LBB2_30:
0x22e: {  	v9 =	vld [tilespmem:s19+$0x0];
	_ =	sdelay $0x2  }
0x22f: {  	v11 =	vor.u32 s20, v1  }
0x230: {  	vm0 =	vlt.s32 v11, v8  }
0x231: {  	v9 =	vnsel vm0, $0x0, v9  }
0x232: {  	v11 =	vshrl.u32 v9, $0x4  }
0x233: {  	v11 =	vmul.u32 $0xA0, v11  }
0x234: {  	v9 =	vand.u32 $0xF, v9  }
0x235: {  	v9 =	vor.u32 v9, v11;
	_ =	sdelay $0x4  }
0x236: {  	v12 =	vld.idx.msk [tilespmem:v9+s1+$0x0], $0xffff;
	_ =	sdelay $0x4  }
0x237: {  	vm1 =	vge.f32 v12, v7  }
0x238: {  	vm1 =	vmand vm0, vm1  }
0x239: {  	v38 =	vsel vm1, $0x1, v0  }
0x23a: {  	(xrf0) =	vadd.scan.msk.s32 $0xffff, v38;
	_ =	sdelay $0x5  }
0x23b: {  	v12, _, _ =	vpop (xrf0)  }
0x23c: {  	v13 =	vadd.s32 v12, v10  }
0x23d: {  	v13 =	vadd.s32 $0xFFFFFFFF, v13  }
0x23e: {  	vm2 =	vlt.s32 v13, $0x400  }
0x23f: {  	v14 =	vor.u32 $0x10, v9;
	vm1 =	vmand vm1, vm2  }
0x240: {  	v11 =	vand.u32 $0xFFFFFF80, v11;
	v15 =	vand.u32 $0x7F, v14  }
0x241: {  	v11 =	vor.u32 v11, v15;
	_ =	sdelay $0x3  }
0x242: {  	[tilespmem:v13+s14+$0x0] =	vst.idx.msk vm1, v9  }
0x243: {  	v11 =	vld.idx.msk [tilespmem:v11+s1+$0x0], $0xffff;
	_ =	sdelay $0x4  }
0x244: {  	vm10 =	vge.f32 v11, v7  }
0x245: {  	vm1 =	vmand vm0, vm10  }
0x246: {  	v11 =	vsel vm1, $0x1, v0  }
0x247: {  	(xrf0) =	vadd.scan.msk.s32 $0xffff, v11;
	_ =	sdelay $0x1  }
0x248: {  	v11 =	vperm.xlane v12, v2;
	_ =	sdelay $0x3  }
0x249: {  	v10 =	vadd.s32 v10, v11;
	v11, _, _ =	vpop (xrf0)  }
0x24a: {  	v39 =	vadd.s32 v11, v10  }
0x24b: {  	v12 =	vadd.s32 $0xFFFFFFFF, v39  }
0x24c: {  	vm11 =	vlt.s32 v12, $0x400  }
0x24d: {  	vm1 =	vmand vm1, vm11;
	_ =	sdelay $0x1  }
0x24e: {  	v40 =	vadd.s32 $0x20, v9;
	_ =	sdelay $0x3  }
0x24f: {  	[tilespmem:v12+s14+$0x0] =	vst.idx.msk vm1, v14  }
0x250: {  	v12 =	vld.idx.msk [tilespmem:v40+s1+$0x0], $0xffff;
	_ =	sdelay $0x4  }
0x251: {  	vm12 =	vge.f32 v12, v7  }
0x252: {  	vm1 =	vmand vm0, vm12  }
0x253: {  	v41 =	vsel vm1, $0x1, v0  }
0x254: {  	(xrf0) =	vadd.scan.msk.s32 $0xffff, v41;
	_ =	sdelay $0x1  }
0x255: {  	v11 =	vperm.xlane v11, v2;
	_ =	sdelay $0x3  }
0x256: {  	v10 =	vadd.s32 v10, v11;
	v11, _, _ =	vpop (xrf0)  }
0x257: {  	v42 =	vadd.s32 v11, v10  }
0x258: {  	v12 =	vadd.s32 $0xFFFFFFFF, v42  }
0x259: {  	vm13 =	vlt.s32 v12, $0x400  }
0x25a: {  	vm1 =	vmand vm1, vm13;
	_ =	sdelay $0x1  }
0x25b: {  	v43 =	vadd.s32 $0x30, v9;
	_ =	sdelay $0x3  }
0x25c: {  	[tilespmem:v12+s14+$0x0] =	vst.idx.msk vm1, v40  }
0x25d: {  	v12 =	vld.idx.msk [tilespmem:v43+s1+$0x0], $0xffff;
	_ =	sdelay $0x4  }
0x25e: {  	vm14 =	vge.f32 v12, v7  }
0x25f: {  	vm1 =	vmand vm0, vm14  }
0x260: {  	v44 =	vsel vm1, $0x1, v0  }
0x261: {  	(xrf0) =	vadd.scan.msk.s32 $0xffff, v44;
	_ =	sdelay $0x1  }
0x262: {  	v11 =	vperm.xlane v11, v2;
	_ =	sdelay $0x3  }
0x263: {  	v10 =	vadd.s32 v10, v11;
	v11, _, _ =	vpop (xrf0)  }
0x264: {  	v45 =	vadd.s32 v11, v10  }
0x265: {  	v12 =	vadd.s32 $0xFFFFFFFF, v45  }
0x266: {  	vm15 =	vlt.s32 v12, $0x400  }
0x267: {  	vm1 =	vmand vm1, vm15;
	_ =	sdelay $0x1  }
0x268: {  	v46 =	vadd.s32 $0x40, v9;
	_ =	sdelay $0x3  }
0x269: {  	[tilespmem:v12+s14+$0x0] =	vst.idx.msk vm1, v43  }
0x26a: {  	v12 =	vld.idx.msk [tilespmem:v46+s1+$0x0], $0xffff;
	_ =	sdelay $0x4  }
0x26b: {  	vm4 =	vge.f32 v12, v7  }
0x26c: {  	vm1 =	vmand vm0, vm4  }
0x26d: {  	v47 =	vsel vm1, $0x1, v0  }
0x26e: {  	(xrf0) =	vadd.scan.msk.s32 $0xffff, v47;
	_ =	sdelay $0x1  }
0x26f: {  	v11 =	vperm.xlane v11, v2;
	_ =	sdelay $0x3  }
0x270: {  	v10 =	vadd.s32 v10, v11;
	v11, _, _ =	vpop (xrf0)  }
0x271: {  	v48 =	vadd.s32 v11, v10  }
0x272: {  	v12 =	vadd.s32 $0xFFFFFFFF, v48  }
0x273: {  	vm5 =	vlt.s32 v12, $0x400  }
0x274: {  	vm1 =	vmand vm1, vm5;
	_ =	sdelay $0x1  }
0x275: {  	v49 =	vadd.s32 $0x50, v9;
	_ =	sdelay $0x3  }
0x276: {  	[tilespmem:v12+s14+$0x0] =	vst.idx.msk vm1, v46  }
0x277: {  	v12 =	vld.idx.msk [tilespmem:v49+s1+$0x0], $0xffff;
	_ =	sdelay $0x4  }
0x278: {  	vm6 =	vge.f32 v12, v7  }
0x279: {  	vm1 =	vmand vm0, vm6  }
0x27a: {  	v50 =	vsel vm1, $0x1, v0  }
0x27b: {  	(xrf0) =	vadd.scan.msk.s32 $0xffff, v50;
	_ =	sdelay $0x1  }
0x27c: {  	v11 =	vperm.xlane v11, v2;
	_ =	sdelay $0x3  }
0x27d: {  	v10 =	vadd.s32 v10, v11;
	v11, _, _ =	vpop (xrf0)  }
0x27e: {  	v51 =	vadd.s32 v11, v10  }
0x27f: {  	v12 =	vadd.s32 $0xFFFFFFFF, v51  }
0x280: {  	vm7 =	vlt.s32 v12, $0x400  }
0x281: {  	vm1 =	vmand vm1, vm7;
	_ =	sdelay $0x1  }
0x282: {  	v52 =	vadd.s32 $0x60, v9;
	_ =	sdelay $0x3  }
0x283: {  	[tilespmem:v12+s14+$0x0] =	vst.idx.msk vm1, v49  }
0x284: {  	v12 =	vld.idx.msk [tilespmem:v52+s1+$0x0], $0xffff;
	_ =	sdelay $0x4  }
0x285: {  	vm8 =	vge.f32 v12, v7  }
0x286: {  	vm1 =	vmand vm0, vm8  }
0x287: {  	v53 =	vsel vm1, $0x1, v0  }
0x288: {  	(xrf0) =	vadd.scan.msk.s32 $0xffff, v53;
	_ =	sdelay $0x1  }
0x289: {  	v11 =	vperm.xlane v11, v2;
	_ =	sdelay $0x3  }
0x28a: {  	v10 =	vadd.s32 v10, v11;
	v11, _, _ =	vpop (xrf0)  }
0x28b: {  	v54 =	vadd.s32 v11, v10  }
0x28c: {  	v12 =	vadd.s32 $0xFFFFFFFF, v54  }
0x28d: {  	vm9 =	vlt.s32 v12, $0x400  }
0x28e: {  	vm1 =	vmand vm1, vm9;
	_ =	sdelay $0x1  }
0x28f: {  	v55 =	vadd.s32 $0x70, v9;
	_ =	sdelay $0x3  }
0x290: {  	[tilespmem:v12+s14+$0x0] =	vst.idx.msk vm1, v52  }
0x291: {  	v12 =	vld.idx.msk [tilespmem:v55+s1+$0x0], $0xffff;
	_ =	sdelay $0x4  }
0x292: {  	vm10 =	vge.f32 v12, v7  }
0x293: {  	vm1 =	vmand vm0, vm10  }
0x294: {  	v56 =	vsel vm1, $0x1, v0  }
0x295: {  	(xrf0) =	vadd.scan.msk.s32 $0xffff, v56;
	_ =	sdelay $0x1  }
0x296: {  	v11 =	vperm.xlane v11, v2;
	_ =	sdelay $0x3  }
0x297: {  	v10 =	vadd.s32 v10, v11;
	v11, _, _ =	vpop (xrf0)  }
0x298: {  	v57 =	vadd.s32 v11, v10  }
0x299: {  	v12 =	vadd.s32 $0xFFFFFFFF, v57  }
0x29a: {  	vm11 =	vlt.s32 v12, $0x400  }
0x29b: {  	v58 =	vadd.s32 $0x80, v9;
	vm1 =	vmand vm1, vm11  }
0x29c: {  	v16 =	vand.u32 $0x6F, v9;
	v59 =	vand.u32 $0xFFFFFF80, v58  }
0x29d: {  	v15 =	vor.u32 v16, v59;
	_ =	sdelay $0x3  }
0x29e: {  	[tilespmem:v12+s14+$0x0] =	vst.idx.msk vm1, v55  }
0x29f: {  	v12 =	vld.idx.msk [tilespmem:v15+s1+$0x0], $0xffff;
	_ =	sdelay $0x4  }
0x2a0: {  	vm12 =	vge.f32 v12, v7  }
0x2a1: {  	vm1 =	vmand vm0, vm12  }
0x2a2: {  	v60 =	vsel vm1, $0x1, v0  }
0x2a3: {  	(xrf0) =	vadd.scan.msk.s32 $0xffff, v60;
	_ =	sdelay $0x1  }
0x2a4: {  	v11 =	vperm.xlane v11, v2;
	_ =	sdelay $0x3  }
0x2a5: {  	v10 =	vadd.s32 v10, v11;
	v11, _, _ =	vpop (xrf0)  }
0x2a6: {  	v61 =	vadd.s32 v11, v10  }
0x2a7: {  	v12 =	vadd.s32 $0xFFFFFFFF, v61  }
0x2a8: {  	vm13 =	vlt.s32 v12, $0x400  }
0x2a9: {  	vm1 =	vmand vm1, vm13;
	_ =	sdelay $0x1  }
0x2aa: {  	v9 =	vadd.s32 $0x90, v9;
	_ =	sdelay $0x3  }
0x2ab: {  	[tilespmem:v12+s14+$0x0] =	vst.idx.msk vm1, v58  }
0x2ac: {  	v12 =	vld.idx.msk [tilespmem:v9+s1+$0x0], $0xffff;
	_ =	sdelay $0x4  }
0x2ad: {  	vm14 =	vge.f32 v12, v7  }
0x2ae: {  	vm0 =	vmand vm0, vm14  }
0x2af: {  	v62 =	vsel vm0, $0x1, v0  }
0x2b0: {  	(xrf0) =	vadd.scan.msk.s32 $0xffff, v62;
	_ =	sdelay $0x1  }
0x2b1: {  	v11 =	vperm.xlane v11, v2;
	_ =	sdelay $0x3  }
0x2b2: {  	v10 =	vadd.s32 v10, v11;
	v11, _, _ =	vpop (xrf0)  }
0x2b3: {  	v63 =	vadd.s32 v11, v10  }
0x2b4: {  	v12 =	vadd.s32 $0xFFFFFFFF, v63  }
0x2b5: {  	vm15 =	vlt.s32 v12, $0x400  }
0x2b6: {  	vm0 =	vmand vm0, vm15  }
0x2b7: {  	p0 =	sne.s32 s18, $0x1  }
.Ltmp22:
0x2b8: {  	_ = 	snop;
	(pc) =	sbr.rel @p0 .LBB2_30-.Ltmp22, $3  }
0x2b9: {  	_ = 	snop  }
0x2ba: {  	v11 =	vperm.xlane v11, v2;
	_ =	sdelay $0x1  }
0x2bb: {  	s19 =	sadd.s32 $0x10, s19;
	s20 =	sadd.s32 $0x10, s20;
	s18 =	sadd.s32 $0xFFFFFFFF, s18;
	v10 =	vadd.s32 v10, v11;
	[tilespmem:v12+s14+$0x0] =	vst.idx.msk vm0, v9  }
.Ltmp23:
0x2bc: {  	_ = 	snop;
	(pc) =	sbr.rel .LBB2_31-.Ltmp23, $1  }
0x2bd: {  	_ =	sdelay $0x3  }
.LBB2_28:
0x2be: {  	v10 =	vimm.s32 $0x0  }
.LBB2_31:
0x2bf: {  	(v2sf) =	vpush v10, $0x0;
	_ =	sdelay $0xe  }
0x2c0: {  	s21 =	spop (v2sf)  }
0x2c1: {  	p0 =	slt.s32 s21, $0x400  }
0x2c2: {  	p1 =	slt.s32 s21, $0xFFFFFFF2;
	s21 =	simm.s32 @!p0 $0x400  }
0x2c3: {  	s18 =	sadd.s32 $0xF, s21  }
0x2c4: {  	s19 =	sand.u32 $0xF, s18  }
0x2c5: {  	s31 =	sshra.s32 s18, $0x1F;
	p6 =	sne.s32 s19, $0x0  }
0x2c6: {  	s19 =	sshrl.u32 s31, $0x1C;
	p0 =	por !p1, !p6  }
0x2c7: {  	s18 =	sadd.s32 s19, s18;
	s19 =	simm.s32 $0x1;
	p0 =	por !p0, !p0  }
0x2c8: {  	s18 =	sshra.s32 s18, $0x4;
	s19 =	simm.s32 @!p0 $0x0  }
0x2c9: {  	s18 =	ssub.s32 s18, s19  }
0x2ca: {  	p0 =	slt.s32 s18, $0x1  }
.Ltmp24:
0x2cb: {  	_ = 	snop;
	(pc) =	sbr.rel @p0 .LBB2_35-.Ltmp24, $1  }
0x2cc: {  	_ =	sdelay $0x3  }
0x2cd: {  	s19 =	simm.s32 $0x1B280  }
0x2ce: {  	v8 =	vld [tilespmem:s19+$0x0];
	_ =	sdelay $0x1  }
0x2cf: {  	s20 =	simm.s32 $0x0  }
0x2d0: {  	v7 =	vmov s21;
	v9 =	vor.u32 s20, v1  }
0x2d1: {  	vm0 =	vlt.s32 v9, v7  }
0x2d2: {  	v8 =	vnsel vm0, $0x0, v8;
	_ =	sdelay $0x3  }
0x2d3: {  	[tilespmem:s19+$0x0] =	vst v8  }
0x2d4: {  	p1 =	sne.s32 s18, $0x1;
	v8 =	vld.idx.msk [tilespmem:v8+s1+$0x0], $0xffff  }
.Ltmp25:
0x2d5: {  	_ = 	snop;
	(pc) =	sbr.rel @!p1 .LBB2_34-.Ltmp25, $2  }
0x2d6: {  	_ =	sdelay $0x2  }
0x2d7: {  	s21 =	simm.s32 $0x1B680;
	s22 =	sadd.s32 $0xFFFFFFFF, s18;
	v8 =	vnsel vm0, $0xFF7FC99E, v8  }
.LBB2_33:
0x2d8: {  	[tilespmem:s21+$0x0] =	vst v8;
	s19 =	sadd.s32 $0x10, s19;
	s21 =	sadd.s32 $0x10, s21;
	s20 =	sadd.s32 $0x10, s20  }
0x2d9: {  	p1 =	sne.s32 s22, $0x1;
	s22 =	sadd.s32 $0xFFFFFFFF, s22;
	v8 =	vld [tilespmem:s19+$0x0];
	_ =	sdelay $0x2  }
0x2da: {  	v9 =	vor.u32 s20, v1  }
0x2db: {  	vm0 =	vlt.s32 v9, v7  }
0x2dc: {  	v8 =	vnsel vm0, $0x0, v8;
	_ =	sdelay $0x3  }
0x2dd: {  	[tilespmem:s19+$0x0] =	vst v8  }
0x2de: {  	v8 =	vld.idx.msk [tilespmem:v8+s1+$0x0], $0xffff;
	_ =	sdelay $0x1  }
.Ltmp26:
0x2df: {  	(pc) =	sbr.rel @p1 .LBB2_33-.Ltmp26, $2  }
0x2e0: {  	_ =	sdelay $0x2  }
0x2e1: {  	v8 =	vnsel vm0, $0xFF7FC99E, v8  }
.LBB2_34:
0x2e2: {  	[tilespmem:s21+$0x0] =	vst v8  }
.LBB2_35:
.Ltmp27:
0x2e3: {  	(pc) =	sbr.rel .LBB2_36-.Ltmp27, $2  }
0x2e4: {  	_ =	sdelay $0x2  }
0x2e5: {  	s19 =	simm.s32 $0x0;
	v8 =	vimm.f32 $-3.399999950e+38;
	v7 =	vimm.s32 $0x0  }
.LBB2_43:
0x2e6: {  	v13 =	vld [tilespmem:s20+$0x0];
	_ =	sdelay $0x3  }
0x2e7: {  	vm1 =	veq.s32 v12, v11  }
0x2e8: {  	v12 =	vsel vm1, $0xFF7FC99E, v13  }
0x2e9: {  	[tilespmem:s20+$0x0] =	vst v12  }
.LBB2_44:
0x2ea: {  	v12 =	vmov s19;
	s19 =	sadd.s32 $0x1, s19  }
0x2eb: {  	p1 =	sne.s32 s19, $0x10  }
.Ltmp28:
0x2ec: {  	_ = 	snop;
	(pc) =	sbr.rel @!p1 .LBB2_45-.Ltmp28, $3  }
0x2ed: {  	_ =	sdelay $0x1  }
0x2ee: {  	v9 =	vsel vm0, v10, v9;
	vm15 =	veq.s32 v12, v1  }
0x2ef: {  	v8 =	vsel vm15, v9, v8;
	v7 =	vsel vm15, v11, v7  }
.LBB2_36:
.Ltmp29:
0x2f0: {  	(pc) =	sbr.rel @p0 .LBB2_40-.Ltmp29, $2  }
0x2f1: {  	_ =	sdelay $0x2  }
0x2f2: {  	v10 =	vimm.f32 $-3.399999950e+38;
	v9 =	vimm.s32 $0x0  }
0x2f3: {  	s21 =	simm.s32 $0x1B680  }
0x2f4: {  	s20 =	simm.s32 $0x1B280;
	p1 =	sne.s32 s18, $0x1;
	v10 =	vld [tilespmem:s21+$0x0]  }
.Ltmp30:
0x2f5: {  	v9 =	vld [tilespmem:s20+$0x0];
	(pc) =	sbr.rel @!p1 .LBB2_39-.Ltmp30, $2  }
0x2f6: {  	_ =	sdelay $0x2  }
0x2f7: {  	s22 =	simm.s32 $0x1B690;
	v11 =	vimm.f32 $-3.399999950e+38;
	v12 =	vimm.s32 $0x0;
	s21 =	sadd.s32 $0xFFFFFFFF, s18  }
.LBB2_38:
0x2f8: {  	v13 =	vld [tilespmem:s22+$0x0];
	vm0 =	veq.f32 v10, v11;
	vm1 =	vlt.s32 v9, v12;
	s20 =	sadd.s32 $0x10, s20;
	v14 =	vmov v9;
	p1 =	sne.s32 s21, $0x1  }
.Ltmp31:
0x2f9: {  	s21 =	sadd.s32 $0xFFFFFFFF, s21;
	vm2 =	vgt.f32 v10, v11;
	v9 =	vld [tilespmem:s20+$0x0];
	vm0 =	vmand vm0, vm1;
	(pc) =	sbr.rel @p1 .LBB2_38-.Ltmp31, $3  }
0x2fa: {  	vm0 =	vmor vm2, vm0  }
0x2fb: {  	v11 =	vsel vm0, v10, v11;
	v12 =	vsel vm0, v14, v12;
	_ =	sdelay $0x1  }
0x2fc: {  	s22 =	sadd.s32 $0x10, s22;
	v10 =	vmov v13  }
.LBB2_39:
0x2fd: {  	vm0 =	veq.f32 v10, v11;
	vm1 =	vlt.s32 v9, v12  }
0x2fe: {  	vm2 =	vgt.f32 v10, v11;
	vm0 =	vmand vm0, vm1  }
0x2ff: {  	vm0 =	vmor vm2, vm0  }
0x300: {  	v10 =	vsel vm0, v10, v11;
	v9 =	vsel vm0, v9, v12  }
.LBB2_40:
0x301: {  	v11 =	vperm.xlane v10, v3;
	v12 =	vperm.xlane v9, v3;
	_ =	sdelay $0x1  }
0x302: {  	vm0 =	veq.f32 v11, v10;
	vm1 =	vlt.s32 v12, v9  }
0x303: {  	vm2 =	vgt.f32 v11, v10;
	vm0 =	vmand vm0, vm1  }
0x304: {  	vm0 =	vmor vm2, vm0  }
0x305: {  	v10 =	vsel vm0, v11, v10;
	v9 =	vsel vm0, v12, v9  }
0x306: {  	v11 =	vperm.xlane v10, v4;
	v12 =	vperm.xlane v9, v4;
	_ =	sdelay $0x1  }
0x307: {  	vm0 =	veq.f32 v11, v10;
	vm1 =	vlt.s32 v12, v9  }
0x308: {  	vm2 =	vgt.f32 v11, v10;
	vm0 =	vmand vm0, vm1  }
0x309: {  	vm0 =	vmor vm2, vm0  }
0x30a: {  	v10 =	vsel vm0, v11, v10;
	v11 =	vsel vm0, v12, v9  }
0x30b: {  	v9 =	vperm.xlane v10, v5;
	v12 =	vperm.xlane v11, v5;
	_ =	sdelay $0x1  }
0x30c: {  	vm0 =	veq.f32 v9, v10;
	vm1 =	vlt.s32 v12, v11  }
0x30d: {  	vm2 =	vgt.f32 v9, v10;
	vm0 =	vmand vm0, vm1  }
0x30e: {  	vm0 =	vmor vm2, vm0  }
0x30f: {  	v9 =	vsel vm0, v9, v10;
	v11 =	vsel vm0, v12, v11  }
0x310: {  	v10 =	vperm.xlane v9, v6;
	v12 =	vperm.xlane v11, v6  }
.Ltmp32:
0x311: {  	_ = 	snop;
	(pc) =	sbr.rel @p0 .LBB2_44-.Ltmp32, $4  }
0x312: {  	vm0 =	veq.f32 v10, v9;
	vm1 =	vlt.s32 v12, v11  }
0x313: {  	vm2 =	vgt.f32 v10, v9;
	vm0 =	vmand vm0, vm1  }
0x314: {  	vm0 =	vmor vm2, vm0  }
0x315: {  	v11 =	vsel vm0, v12, v11  }
0x316: {  	p1 =	sne.s32 s18, $0x1  }
.Ltmp33:
0x317: {  	_ = 	snop;
	(pc) =	sbr.rel @!p1 .LBB2_43-.Ltmp33, $3  }
0x318: {  	_ =	sdelay $0x1  }
0x319: {  	s21 =	simm.s32 $0x1B280  }
0x31a: {  	s20 =	simm.s32 $0x1B680;
	s22 =	sadd.s32 $0xFFFFFFFF, s18;
	v12 =	vld [tilespmem:s21+$0x0]  }
.LBB2_42:
0x31b: {  	p1 =	sne.s32 s22, $0x1;
	v13 =	vld [tilespmem:s20+$0x0];
	_ =	sdelay $0x2  }
.Ltmp34:
0x31c: {  	(pc) =	sbr.rel @p1 .LBB2_42-.Ltmp34, $4  }
0x31d: {  	vm1 =	veq.s32 v12, v11  }
0x31e: {  	v12 =	vsel vm1, $0xFF7FC99E, v13  }
0x31f: {  	s21 =	sadd.s32 $0x10, s21;
	[tilespmem:s20+$0x0] =	vst v12  }
0x320: {  	s22 =	sadd.s32 $0xFFFFFFFF, s22;
	s20 =	sadd.s32 $0x10, s20;
	v12 =	vld [tilespmem:s21+$0x0]  }
.Ltmp35:
0x321: {  	_ = 	snop;
	(pc) =	sbr.rel .LBB2_43-.Ltmp35, $1  }
0x322: {  	_ =	sdelay $0x3  }
.LBB2_46:
0x323: {  	_ =	sfence.sel $0x180000  }
0x324: {  	[bflag:$0x0] =	sbarrier.arrive $0xFFFF  }
0x325: {  	p0 =	sne.s32 s2, $0x0;
	_ =	strace $0x90000047  }
0x326: {  	s0 =	sadd.s32 @!p0 $0x100000, s0;
	[bflag:$0x2] =	sbarrier.arrive $0xFFFF  }
0x327: {  	[sflag:s0] =	ssyncadd.tile.s32 @!p0 $0x1;
	_ =	shalt  }
.Lfunc_end2:
_tile_overlayer_lowered:
.L_overlay_start_2:
0x328: {  	(tag) =	ssettag $0x2  }
0x329: {  	s0 =	rddreg [dreg:$0x0];
	s2 =	stileid.u32  }
0x32a: {  	s1 =	rddreg [dreg:$0x1];
	p0 =	sne.s32 s2, $0x0  }
0x32b: {  	s3 =	rddreg [dreg:$0x2];
	[bflag:$0x3] =	sbarrier.arrive $0xFFFF;
	s2 =	simm.s32 @!p0 $0x1C01  }
0x32c: {  	[timem:s3], [sflag:s2] =	dma.local @!p0 [hbm:s0], s1  }
0x32d: {  	s0 =	simm.s32 @!p0 $0x1  }
0x32e: {  	_ =	swait.ge @!p0 [sflag:s0], s1  }
0x32f: {  	s1 =	ssub.s32 @!p0 $0x0, s1;
	[sflag:s0] =	ssyncset.done @!p0 $0x0  }
0x330: {  	[sflag:s0] =	ssyncadd.s32 @!p0 s1  }
0x331: {  	[bflag:$0x3] =	sbarrier.arrive $0xFFFF  }
0x332: {  	_ =	shalt  }

</sc_bundles>
